<compile_context>
chip_gen: v7x
topology: tpu7x:2x2x1
jax: 0.10.2.dev20260603
libtpu: 0.0.44.dev20260713+nightly
codegen_flags: <defaults>
</compile_context>

<pallas_src>
import jax
import jax.numpy as jnp
from jax import lax
from jax.experimental import pallas as pl
from jax.experimental.pallas import tpu as pltpu
from jax.experimental.pallas import tpu_sc as plsc

_USER_NUM = 1000000
_ITEM_NUM = 100000
_EMBED = 32
_BATCH = 4096
_N_ITEMS = 20
_L2_NORM = 1e-05

_NC = 2
_NS = 16
_NW = _NC * _NS
_BPW = _BATCH // _NW
_PPW = _BPW * _N_ITEMS
_NCHUNK = _PPW // 128


def _sc_body(uro_hbm, items_hbm, itab_hbm,
             pred_hbm, l2_hbm,
             iidx_v, urows_v, irows_v, pred_v, l2_v, sem):
    wid = lax.axis_index("s") * _NC + lax.axis_index("c")

    pltpu.sync_copy(items_hbm.at[wid], iidx_v)
    pltpu.sync_copy(uro_hbm.at[wid], urows_v)

    copies = []
    for c in range(_NCHUNK):
        copies.append(
            pltpu.async_copy(itab_hbm.at[iidx_v.at[c]],
                             irows_v.at[pl.ds(c * 128, 128)], sem))
    for cp in copies:
        cp.wait()

    zeros = jnp.zeros((16,), jnp.float32)
    lane = lax.iota(jnp.int32, 16)

    def bbody(b, carry):
        uacc, iacc = carry
        u0 = urows_v[b, pl.ds(0, 16)]
        u1 = urows_v[b, pl.ds(16, 16)]
        uacc = uacc + u0 * u0 + u1 * u1
        base = b * _N_ITEMS
        vec0 = zeros
        vec1 = zeros
        for l in range(_N_ITEMS):
            i0 = irows_v[base + l, pl.ds(0, 16)]
            i1 = irows_v[base + l, pl.ds(16, 16)]
            iacc = iacc + i0 * i0 + i1 * i1
            s = jnp.sum(i0 * u0 + i1 * u1)
            if l < 16:
                vec0 = jnp.where(lane == l, s, vec0)
            else:
                vec1 = jnp.where(lane == (l - 16), s, vec1)
        pred_v[pl.ds(b * 32, 16)] = vec0
        pred_v[pl.ds(b * 32 + 16, 16)] = vec1
        return (uacc, iacc)

    uacc, iacc = lax.fori_loop(0, _BPW, bbody, (zeros, zeros))
    l2_v[...] = uacc * jnp.float32(_N_ITEMS) + iacc

    pltpu.sync_copy(pred_v, pred_hbm.at[pl.ds(wid * _BPW * 32, _BPW * 32)])
    pltpu.sync_copy(l2_v, l2_hbm.at[wid])


@jax.jit
def kernel(users, items, user_embedding, item_embedding):
    items_w = items.astype(jnp.int32).reshape(_NW, _NCHUNK, 128)
    uro = user_embedding.at[users.astype(jnp.int32)[:, 0]].get(
        mode="promise_in_bounds")
    uro_w = uro.reshape(_NW, _BPW, _EMBED)

    mesh = plsc.VectorSubcoreMesh(core_axis_name="c", subcore_axis_name="s")
    k = pl.kernel(
        _sc_body,
        out_type=(
            jax.ShapeDtypeStruct((_BATCH * 32,), jnp.float32),
            jax.ShapeDtypeStruct((_NW, 16), jnp.float32),
        ),
        mesh=mesh,
        compiler_params=pltpu.CompilerParams(
            use_tc_tiling_on_sc=False, needs_layout_passes=False),
        scratch_types=[
            pltpu.VMEM((_NCHUNK, 128), jnp.int32),
            pltpu.VMEM((_BPW, _EMBED), jnp.float32),
            pltpu.VMEM((_PPW, _EMBED), jnp.float32),
            pltpu.VMEM((_BPW * 32,), jnp.float32),
            pltpu.VMEM((16,), jnp.float32),
            pltpu.SemaphoreType.DMA,
        ],
    )
    pred, l2_parts = k(uro_w, items_w, item_embedding)
    l2 = jnp.float32(_L2_NORM) * jnp.sum(l2_parts)
    return pred.reshape(_BATCH, 32)[:, :_N_ITEMS], l2

# --- scband reference (transcript-rebuilt; emitter-appended) ---
"""Pipeline reference for scband-model-base-18459769439001 (READ-ONLY COPY).

The authoritative reference and input builder live on the scoring server;
editing this copy changes nothing except your own understanding.
"""

import jax, jax.numpy as jnp
import numpy as np

USER_NUM = 1000000
ITEM_NUM = 100000
EMBED = 32
BATCH = 4096
N_ITEMS = 20
L2_NORM = 1e-05


def setup_inputs(seed: int = 0) -> dict:
    key = jax.random.key(seed)
    k1, k2, k3, k4 = jax.random.split(key, 4)
    # xavier_normal-ish init for embedding tables (learned parameters)
    user_embedding = jax.random.normal(k1, (USER_NUM, EMBED), dtype=jnp.float32) * (1.0 / np.sqrt(EMBED))
    item_embedding = jax.random.normal(k2, (ITEM_NUM, EMBED), dtype=jnp.float32) * (1.0 / np.sqrt(EMBED))
    users = jax.random.randint(k3, (BATCH, 1), 0, USER_NUM)
    items = jax.random.randint(k4, (BATCH, N_ITEMS), 0, ITEM_NUM)
    return {
        "users": users,
        "items": items,
        "user_embedding": user_embedding,
        "item_embedding": item_embedding,
    }


def reference(users, items, user_embedding, item_embedding):
    # propagate(): base-class identity propagation -> raw embedding tables
    users_feature = user_embedding
    item_feature = item_embedding
    # item_embeddings = item_feature[items] -> [B, L, D]
    item_embeddings = jnp.take(item_feature, items, axis=0)
    # user_embeddings = users_feature[users].expand(-1, items.shape[1], -1) -> [B, L, D]
    user_embeddings = jnp.take(users_feature, users, axis=0)  # [B, 1, D]
    user_embeddings = jnp.broadcast_to(
        user_embeddings, (users.shape[0], items.shape[1], user_embeddings.shape[-1])
    )
    # predict(): inner-product scoring (standard MF predict for this base class)
    pred = jnp.sum(user_embeddings * item_embeddings, axis=-1)  # [B, L]
    # regularize(): L2 over the gathered (expanded) embeddings
    L2_loss = L2_NORM * (jnp.sum(user_embeddings ** 2) + jnp.sum(item_embeddings ** 2))
    return (pred, L2_loss)

if __name__ == "__main__":
    import jax
    _d = setup_inputs()
    print(jax.jit(kernel)(*tuple(_d.values())))

</pallas_src>

<mosaic_0001>
#map = affine_map<(d0, d1) -> (0, 0, 0)>
#map1 = affine_map<(d0, d1) -> (0, 0)>
#map2 = affine_map<(d0, d1) -> (0)>
module attributes {stable_mosaic.version = 14 : i64} {
  func.func @_sc_body(%arg0: i32, %arg1: i32, %arg2: memref<32x128x32xf32, #tpu.memory_space<hbm>>, %arg3: memref<32x20x128xi32, #tpu.memory_space<hbm>>, %arg4: memref<100000x32xf32, #tpu.memory_space<hbm>>, %arg5: memref<131072xf32, #tpu.memory_space<hbm>>, %arg6: memref<32x16xf32, #tpu.memory_space<hbm>>, %arg7: memref<20x128xi32, #tpu.memory_space<vmem>>, %arg8: memref<128x32xf32, #tpu.memory_space<vmem>>, %arg9: memref<2560x32xf32, #tpu.memory_space<vmem>>, %arg10: memref<4096xf32, #tpu.memory_space<vmem>>, %arg11: memref<16xf32, #tpu.memory_space<vmem>>, %arg12: memref<!tpu.dma_semaphore, #tpu.memory_space<semaphore_mem>>) attributes {dimension_semantics = [#tpu.dimension_semantics<core_parallel>, #tpu.dimension_semantics<subcore_parallel>], iteration_bounds = array<i64: 2, 16>, scalar_prefetch = 0 : i64, scratch_operands = 6 : i64, tpu.core_type = #tpu.core_type<sc_vector_subcore>, window_params = [{transform_indices = #map}, {transform_indices = #map}, {transform_indices = #map1}, {transform_indices = #map2}, {transform_indices = #map1}]} {
    %mul3A = arith.constant 2 : i32
    %mul3A_0 = arith.muli %arg1, %mul3A : i32
    %add3A = arith.addi %mul3A_0, %arg0 : i32
    "tpu.region"() ({
      %run_scoped3A = tpu.sem_alloc : memref<!tpu.dma_semaphore, #tpu.memory_space<semaphore_mem>>
      %dma_start3A_414 = arith.constant 0 : i32
      %dma_start3A_415 = arith.constant 0 : i32
      %dma_start3A_416 = tpu.memref_slice %arg3[%add3A, %dma_start3A_414, %dma_start3A_415] : memref<32x20x128xi32, #tpu.memory_space<hbm>> -> memref<1x20x128xi32, #tpu.memory_space<hbm>>
      %dma_start3A_417 = tpu.memref_squeeze %dma_start3A_416 : memref<1x20x128xi32, #tpu.memory_space<hbm>> -> memref<20x128xi32, #tpu.memory_space<hbm>>
      %dma_start3A_418 = arith.constant 0 : i32
      %dma_start3A_419 = arith.constant 0 : i32
      %dma_start3A_420 = tpu.memref_slice %arg3[%add3A, %dma_start3A_418, %dma_start3A_419] : memref<32x20x128xi32, #tpu.memory_space<hbm>> -> memref<1x20x128xi32, #tpu.memory_space<hbm>>
      %dma_start3A_421 = tpu.memref_squeeze %dma_start3A_420 : memref<1x20x128xi32, #tpu.memory_space<hbm>> -> memref<20x128xi32, #tpu.memory_space<hbm>>
      tpu.enqueue_dma source(%dma_start3A_421 : memref<20x128xi32, #tpu.memory_space<hbm>>) target(%arg7 : memref<20x128xi32, #tpu.memory_space<vmem>>) target_semaphore(%run_scoped3A : memref<!tpu.dma_semaphore, #tpu.memory_space<semaphore_mem>>)
      %dma_wait3A_422 = arith.constant 0 : i32
      %dma_wait3A_423 = arith.constant 0 : i32
      %dma_wait3A_424 = tpu.memref_slice %arg3[%add3A, %dma_wait3A_422, %dma_wait3A_423] : memref<32x20x128xi32, #tpu.memory_space<hbm>> -> memref<1x20x128xi32, #tpu.memory_space<hbm>>
      %dma_wait3A_425 = tpu.memref_squeeze %dma_wait3A_424 : memref<1x20x128xi32, #tpu.memory_space<hbm>> -> memref<20x128xi32, #tpu.memory_space<hbm>>
      %dma_wait3A_426 = arith.constant 0 : i32
      %dma_wait3A_427 = arith.constant 0 : i32
      %dma_wait3A_428 = tpu.memref_slice %arg3[%add3A, %dma_wait3A_426, %dma_wait3A_427] : memref<32x20x128xi32, #tpu.memory_space<hbm>> -> memref<1x20x128xi32, #tpu.memory_space<hbm>>
      %dma_wait3A_429 = tpu.memref_squeeze %dma_wait3A_428 : memref<1x20x128xi32, #tpu.memory_space<hbm>> -> memref<20x128xi32, #tpu.memory_space<hbm>>
      tpu.wait_dma2 semaphore(%run_scoped3A : memref<!tpu.dma_semaphore, #tpu.memory_space<semaphore_mem>>) src(%dma_wait3A_429 : memref<20x128xi32, #tpu.memory_space<hbm>>) dst(%arg7 : memref<20x128xi32, #tpu.memory_space<vmem>>)
      tpu.yield
    }) : () -> ()
    "tpu.region"() ({
      %run_scoped3A = tpu.sem_alloc : memref<!tpu.dma_semaphore, #tpu.memory_space<semaphore_mem>>
      %dma_start3A_414 = arith.constant 0 : i32
      %dma_start3A_415 = arith.constant 0 : i32
      %dma_start3A_416 = tpu.memref_slice %arg2[%add3A, %dma_start3A_414, %dma_start3A_415] : memref<32x128x32xf32, #tpu.memory_space<hbm>> -> memref<1x128x32xf32, #tpu.memory_space<hbm>>
      %dma_start3A_417 = tpu.memref_squeeze %dma_start3A_416 : memref<1x128x32xf32, #tpu.memory_space<hbm>> -> memref<128x32xf32, #tpu.memory_space<hbm>>
      %dma_start3A_418 = arith.constant 0 : i32
      %dma_start3A_419 = arith.constant 0 : i32
      %dma_start3A_420 = tpu.memref_slice %arg2[%add3A, %dma_start3A_418, %dma_start3A_419] : memref<32x128x32xf32, #tpu.memory_space<hbm>> -> memref<1x128x32xf32, #tpu.memory_space<hbm>>
      %dma_start3A_421 = tpu.memref_squeeze %dma_start3A_420 : memref<1x128x32xf32, #tpu.memory_space<hbm>> -> memref<128x32xf32, #tpu.memory_space<hbm>>
      tpu.enqueue_dma source(%dma_start3A_421 : memref<128x32xf32, #tpu.memory_space<hbm>>) target(%arg8 : memref<128x32xf32, #tpu.memory_space<vmem>>) target_semaphore(%run_scoped3A : memref<!tpu.dma_semaphore, #tpu.memory_space<semaphore_mem>>)
      %dma_wait3A_422 = arith.constant 0 : i32
      %dma_wait3A_423 = arith.constant 0 : i32
      %dma_wait3A_424 = tpu.memref_slice %arg2[%add3A, %dma_wait3A_422, %dma_wait3A_423] : memref<32x128x32xf32, #tpu.memory_space<hbm>> -> memref<1x128x32xf32, #tpu.memory_space<hbm>>
      %dma_wait3A_425 = tpu.memref_squeeze %dma_wait3A_424 : memref<1x128x32xf32, #tpu.memory_space<hbm>> -> memref<128x32xf32, #tpu.memory_space<hbm>>
      %dma_wait3A_426 = arith.constant 0 : i32
      %dma_wait3A_427 = arith.constant 0 : i32
      %dma_wait3A_428 = tpu.memref_slice %arg2[%add3A, %dma_wait3A_426, %dma_wait3A_427] : memref<32x128x32xf32, #tpu.memory_space<hbm>> -> memref<1x128x32xf32, #tpu.memory_space<hbm>>
      %dma_wait3A_429 = tpu.memref_squeeze %dma_wait3A_428 : memref<1x128x32xf32, #tpu.memory_space<hbm>> -> memref<128x32xf32, #tpu.memory_space<hbm>>
      tpu.wait_dma2 semaphore(%run_scoped3A : memref<!tpu.dma_semaphore, #tpu.memory_space<semaphore_mem>>) src(%dma_wait3A_429 : memref<128x32xf32, #tpu.memory_space<hbm>>) dst(%arg8 : memref<128x32xf32, #tpu.memory_space<vmem>>)
      tpu.yield
    }) : () -> ()
    %dma_start3A = arith.constant 0 : i32
    %dma_start3A_1 = arith.constant 0 : i32
    %dma_start3A_2 = arith.constant 0 : i32
    %dma_start3A_3 = tpu.memref_slice %arg9[%dma_start3A_1, %dma_start3A_2] : memref<2560x32xf32, #tpu.memory_space<vmem>> -> memref<128x32xf32, #tpu.memory_space<vmem>>
    %dma_start3A_4 = arith.constant 0 : i32
    %dma_start3A_5 = tpu.memref_slice %arg7[%dma_start3A, %dma_start3A_4] : memref<20x128xi32, #tpu.memory_space<vmem>> -> memref<1x128xi32, #tpu.memory_space<vmem>>
    %dma_start3A_6 = tpu.memref_squeeze %dma_start3A_5 : memref<1x128xi32, #tpu.memory_space<vmem>> -> memref<128xi32, #tpu.memory_space<vmem>>
    %dma_start3A_7 = arith.constant 0 : i32
    %dma_start3A_8 = arith.constant 0 : i32
    %dma_start3A_9 = tpu.memref_slice %arg4[%dma_start3A_7, %dma_start3A_8] : memref<100000x32xf32, #tpu.memory_space<hbm>> -> memref<100000x32xf32, #tpu.memory_space<hbm>>
    tpu.enqueue_indirect_dma source(%dma_start3A_9 : memref<100000x32xf32, #tpu.memory_space<hbm>>) target(%dma_start3A_3 : memref<128x32xf32, #tpu.memory_space<vmem>>) offsets(%dma_start3A_6 : memref<128xi32, #tpu.memory_space<vmem>>) semaphore(%arg12 : memref<!tpu.dma_semaphore, #tpu.memory_space<semaphore_mem>>)
    %dma_start3A_10 = arith.constant 1 : i32
    %dma_start3A_11 = arith.constant 128 : i32
    %dma_start3A_12 = arith.constant 0 : i32
    %dma_start3A_13 = tpu.memref_slice %arg9[%dma_start3A_11, %dma_start3A_12] : memref<2560x32xf32, #tpu.memory_space<vmem>> -> memref<128x32xf32, #tpu.memory_space<vmem>>
    %dma_start3A_14 = arith.constant 0 : i32
    %dma_start3A_15 = tpu.memref_slice %arg7[%dma_start3A_10, %dma_start3A_14] : memref<20x128xi32, #tpu.memory_space<vmem>> -> memref<1x128xi32, #tpu.memory_space<vmem>>
    %dma_start3A_16 = tpu.memref_squeeze %dma_start3A_15 : memref<1x128xi32, #tpu.memory_space<vmem>> -> memref<128xi32, #tpu.memory_space<vmem>>
    %dma_start3A_17 = arith.constant 0 : i32
    %dma_start3A_18 = arith.constant 0 : i32
    %dma_start3A_19 = tpu.memref_slice %arg4[%dma_start3A_17, %dma_start3A_18] : memref<100000x32xf32, #tpu.memory_space<hbm>> -> memref<100000x32xf32, #tpu.memory_space<hbm>>
    tpu.enqueue_indirect_dma source(%dma_start3A_19 : memref<100000x32xf32, #tpu.memory_space<hbm>>) target(%dma_start3A_13 : memref<128x32xf32, #tpu.memory_space<vmem>>) offsets(%dma_start3A_16 : memref<128xi32, #tpu.memory_space<vmem>>) semaphore(%arg12 : memref<!tpu.dma_semaphore, #tpu.memory_space<semaphore_mem>>)
    %dma_start3A_20 = arith.constant 2 : i32
    %dma_start3A_21 = arith.constant 256 : i32
    %dma_start3A_22 = arith.constant 0 : i32
    %dma_start3A_23 = tpu.memref_slice %arg9[%dma_start3A_21, %dma_start3A_22] : memref<2560x32xf32, #tpu.memory_space<vmem>> -> memref<128x32xf32, #tpu.memory_space<vmem>>
    %dma_start3A_24 = arith.constant 0 : i32
    %dma_start3A_25 = tpu.memref_slice %arg7[%dma_start3A_20, %dma_start3A_24] : memref<20x128xi32, #tpu.memory_space<vmem>> -> memref<1x128xi32, #tpu.memory_space<vmem>>
    %dma_start3A_26 = tpu.memref_squeeze %dma_start3A_25 : memref<1x128xi32, #tpu.memory_space<vmem>> -> memref<128xi32, #tpu.memory_space<vmem>>
    %dma_start3A_27 = arith.constant 0 : i32
    %dma_start3A_28 = arith.constant 0 : i32
    %dma_start3A_29 = tpu.memref_slice %arg4[%dma_start3A_27, %dma_start3A_28] : memref<100000x32xf32, #tpu.memory_space<hbm>> -> memref<100000x32xf32, #tpu.memory_space<hbm>>
    tpu.enqueue_indirect_dma source(%dma_start3A_29 : memref<100000x32xf32, #tpu.memory_space<hbm>>) target(%dma_start3A_23 : memref<128x32xf32, #tpu.memory_space<vmem>>) offsets(%dma_start3A_26 : memref<128xi32, #tpu.memory_space<vmem>>) semaphore(%arg12 : memref<!tpu.dma_semaphore, #tpu.memory_space<semaphore_mem>>)
    %dma_start3A_30 = arith.constant 3 : i32
    %dma_start3A_31 = arith.constant 384 : i32
    %dma_start3A_32 = arith.constant 0 : i32
    %dma_start3A_33 = tpu.memref_slice %arg9[%dma_start3A_31, %dma_start3A_32] : memref<2560x32xf32, #tpu.memory_space<vmem>> -> memref<128x32xf32, #tpu.memory_space<vmem>>
    %dma_start3A_34 = arith.constant 0 : i32
    %dma_start3A_35 = tpu.memref_slice %arg7[%dma_start3A_30, %dma_start3A_34] : memref<20x128xi32, #tpu.memory_space<vmem>> -> memref<1x128xi32, #tpu.memory_space<vmem>>
    %dma_start3A_36 = tpu.memref_squeeze %dma_start3A_35 : memref<1x128xi32, #tpu.memory_space<vmem>> -> memref<128xi32, #tpu.memory_space<vmem>>
    %dma_start3A_37 = arith.constant 0 : i32
    %dma_start3A_38 = arith.constant 0 : i32
    %dma_start3A_39 = tpu.memref_slice %arg4[%dma_start3A_37, %dma_start3A_38] : memref<100000x32xf32, #tpu.memory_space<hbm>> -> memref<100000x32xf32, #tpu.memory_space<hbm>>
    tpu.enqueue_indirect_dma source(%dma_start3A_39 : memref<100000x32xf32, #tpu.memory_space<hbm>>) target(%dma_start3A_33 : memref<128x32xf32, #tpu.memory_space<vmem>>) offsets(%dma_start3A_36 : memref<128xi32, #tpu.memory_space<vmem>>) semaphore(%arg12 : memref<!tpu.dma_semaphore, #tpu.memory_space<semaphore_mem>>)
    %dma_start3A_40 = arith.constant 4 : i32
    %dma_start3A_41 = arith.constant 512 : i32
    %dma_start3A_42 = arith.constant 0 : i32
    %dma_start3A_43 = tpu.memref_slice %arg9[%dma_start3A_41, %dma_start3A_42] : memref<2560x32xf32, #tpu.memory_space<vmem>> -> memref<128x32xf32, #tpu.memory_space<vmem>>
    %dma_start3A_44 = arith.constant 0 : i32
    %dma_start3A_45 = tpu.memref_slice %arg7[%dma_start3A_40, %dma_start3A_44] : memref<20x128xi32, #tpu.memory_space<vmem>> -> memref<1x128xi32, #tpu.memory_space<vmem>>
    %dma_start3A_46 = tpu.memref_squeeze %dma_start3A_45 : memref<1x128xi32, #tpu.memory_space<vmem>> -> memref<128xi32, #tpu.memory_space<vmem>>
    %dma_start3A_47 = arith.constant 0 : i32
    %dma_start3A_48 = arith.constant 0 : i32
    %dma_start3A_49 = tpu.memref_slice %arg4[%dma_start3A_47, %dma_start3A_48] : memref<100000x32xf32, #tpu.memory_space<hbm>> -> memref<100000x32xf32, #tpu.memory_space<hbm>>
    tpu.enqueue_indirect_dma source(%dma_start3A_49 : memref<100000x32xf32, #tpu.memory_space<hbm>>) target(%dma_start3A_43 : memref<128x32xf32, #tpu.memory_space<vmem>>) offsets(%dma_start3A_46 : memref<128xi32, #tpu.memory_space<vmem>>) semaphore(%arg12 : memref<!tpu.dma_semaphore, #tpu.memory_space<semaphore_mem>>)
    %dma_start3A_50 = arith.constant 5 : i32
    %dma_start3A_51 = arith.constant 640 : i32
    %dma_start3A_52 = arith.constant 0 : i32
    %dma_start3A_53 = tpu.memref_slice %arg9[%dma_start3A_51, %dma_start3A_52] : memref<2560x32xf32, #tpu.memory_space<vmem>> -> memref<128x32xf32, #tpu.memory_space<vmem>>
    %dma_start3A_54 = arith.constant 0 : i32
    %dma_start3A_55 = tpu.memref_slice %arg7[%dma_start3A_50, %dma_start3A_54] : memref<20x128xi32, #tpu.memory_space<vmem>> -> memref<1x128xi32, #tpu.memory_space<vmem>>
    %dma_start3A_56 = tpu.memref_squeeze %dma_start3A_55 : memref<1x128xi32, #tpu.memory_space<vmem>> -> memref<128xi32, #tpu.memory_space<vmem>>
    %dma_start3A_57 = arith.constant 0 : i32
    %dma_start3A_58 = arith.constant 0 : i32
    %dma_start3A_59 = tpu.memref_slice %arg4[%dma_start3A_57, %dma_start3A_58] : memref<100000x32xf32, #tpu.memory_space<hbm>> -> memref<100000x32xf32, #tpu.memory_space<hbm>>
    tpu.enqueue_indirect_dma source(%dma_start3A_59 : memref<100000x32xf32, #tpu.memory_space<hbm>>) target(%dma_start3A_53 : memref<128x32xf32, #tpu.memory_space<vmem>>) offsets(%dma_start3A_56 : memref<128xi32, #tpu.memory_space<vmem>>) semaphore(%arg12 : memref<!tpu.dma_semaphore, #tpu.memory_space<semaphore_mem>>)
    %dma_start3A_60 = arith.constant 6 : i32
    %dma_start3A_61 = arith.constant 768 : i32
    %dma_start3A_62 = arith.constant 0 : i32
    %dma_start3A_63 = tpu.memref_slice %arg9[%dma_start3A_61, %dma_start3A_62] : memref<2560x32xf32, #tpu.memory_space<vmem>> -> memref<128x32xf32, #tpu.memory_space<vmem>>
    %dma_start3A_64 = arith.constant 0 : i32
    %dma_start3A_65 = tpu.memref_slice %arg7[%dma_start3A_60, %dma_start3A_64] : memref<20x128xi32, #tpu.memory_space<vmem>> -> memref<1x128xi32, #tpu.memory_space<vmem>>
    %dma_start3A_66 = tpu.memref_squeeze %dma_start3A_65 : memref<1x128xi32, #tpu.memory_space<vmem>> -> memref<128xi32, #tpu.memory_space<vmem>>
    %dma_start3A_67 = arith.constant 0 : i32
    %dma_start3A_68 = arith.constant 0 : i32
    %dma_start3A_69 = tpu.memref_slice %arg4[%dma_start3A_67, %dma_start3A_68] : memref<100000x32xf32, #tpu.memory_space<hbm>> -> memref<100000x32xf32, #tpu.memory_space<hbm>>
    tpu.enqueue_indirect_dma source(%dma_start3A_69 : memref<100000x32xf32, #tpu.memory_space<hbm>>) target(%dma_start3A_63 : memref<128x32xf32, #tpu.memory_space<vmem>>) offsets(%dma_start3A_66 : memref<128xi32, #tpu.memory_space<vmem>>) semaphore(%arg12 : memref<!tpu.dma_semaphore, #tpu.memory_space<semaphore_mem>>)
    %dma_start3A_70 = arith.constant 7 : i32
    %dma_start3A_71 = arith.constant 896 : i32
    %dma_start3A_72 = arith.constant 0 : i32
    %dma_start3A_73 = tpu.memref_slice %arg9[%dma_start3A_71, %dma_start3A_72] : memref<2560x32xf32, #tpu.memory_space<vmem>> -> memref<128x32xf32, #tpu.memory_space<vmem>>
    %dma_start3A_74 = arith.constant 0 : i32
    %dma_start3A_75 = tpu.memref_slice %arg7[%dma_start3A_70, %dma_start3A_74] : memref<20x128xi32, #tpu.memory_space<vmem>> -> memref<1x128xi32, #tpu.memory_space<vmem>>
    %dma_start3A_76 = tpu.memref_squeeze %dma_start3A_75 : memref<1x128xi32, #tpu.memory_space<vmem>> -> memref<128xi32, #tpu.memory_space<vmem>>
    %dma_start3A_77 = arith.constant 0 : i32
    %dma_start3A_78 = arith.constant 0 : i32
    %dma_start3A_79 = tpu.memref_slice %arg4[%dma_start3A_77, %dma_start3A_78] : memref<100000x32xf32, #tpu.memory_space<hbm>> -> memref<100000x32xf32, #tpu.memory_space<hbm>>
    tpu.enqueue_indirect_dma source(%dma_start3A_79 : memref<100000x32xf32, #tpu.memory_space<hbm>>) target(%dma_start3A_73 : memref<128x32xf32, #tpu.memory_space<vmem>>) offsets(%dma_start3A_76 : memref<128xi32, #tpu.memory_space<vmem>>) semaphore(%arg12 : memref<!tpu.dma_semaphore, #tpu.memory_space<semaphore_mem>>)
    %dma_start3A_80 = arith.constant 8 : i32
    %dma_start3A_81 = arith.constant 1024 : i32
    %dma_start3A_82 = arith.constant 0 : i32
    %dma_start3A_83 = tpu.memref_slice %arg9[%dma_start3A_81, %dma_start3A_82] : memref<2560x32xf32, #tpu.memory_space<vmem>> -> memref<128x32xf32, #tpu.memory_space<vmem>>
    %dma_start3A_84 = arith.constant 0 : i32
    %dma_start3A_85 = tpu.memref_slice %arg7[%dma_start3A_80, %dma_start3A_84] : memref<20x128xi32, #tpu.memory_space<vmem>> -> memref<1x128xi32, #tpu.memory_space<vmem>>
    %dma_start3A_86 = tpu.memref_squeeze %dma_start3A_85 : memref<1x128xi32, #tpu.memory_space<vmem>> -> memref<128xi32, #tpu.memory_space<vmem>>
    %dma_start3A_87 = arith.constant 0 : i32
    %dma_start3A_88 = arith.constant 0 : i32
    %dma_start3A_89 = tpu.memref_slice %arg4[%dma_start3A_87, %dma_start3A_88] : memref<100000x32xf32, #tpu.memory_space<hbm>> -> memref<100000x32xf32, #tpu.memory_space<hbm>>
    tpu.enqueue_indirect_dma source(%dma_start3A_89 : memref<100000x32xf32, #tpu.memory_space<hbm>>) target(%dma_start3A_83 : memref<128x32xf32, #tpu.memory_space<vmem>>) offsets(%dma_start3A_86 : memref<128xi32, #tpu.memory_space<vmem>>) semaphore(%arg12 : memref<!tpu.dma_semaphore, #tpu.memory_space<semaphore_mem>>)
    %dma_start3A_90 = arith.constant 9 : i32
    %dma_start3A_91 = arith.constant 1152 : i32
    %dma_start3A_92 = arith.constant 0 : i32
    %dma_start3A_93 = tpu.memref_slice %arg9[%dma_start3A_91, %dma_start3A_92] : memref<2560x32xf32, #tpu.memory_space<vmem>> -> memref<128x32xf32, #tpu.memory_space<vmem>>
    %dma_start3A_94 = arith.constant 0 : i32
    %dma_start3A_95 = tpu.memref_slice %arg7[%dma_start3A_90, %dma_start3A_94] : memref<20x128xi32, #tpu.memory_space<vmem>> -> memref<1x128xi32, #tpu.memory_space<vmem>>
    %dma_start3A_96 = tpu.memref_squeeze %dma_start3A_95 : memref<1x128xi32, #tpu.memory_space<vmem>> -> memref<128xi32, #tpu.memory_space<vmem>>
    %dma_start3A_97 = arith.constant 0 : i32
    %dma_start3A_98 = arith.constant 0 : i32
    %dma_start3A_99 = tpu.memref_slice %arg4[%dma_start3A_97, %dma_start3A_98] : memref<100000x32xf32, #tpu.memory_space<hbm>> -> memref<100000x32xf32, #tpu.memory_space<hbm>>
    tpu.enqueue_indirect_dma source(%dma_start3A_99 : memref<100000x32xf32, #tpu.memory_space<hbm>>) target(%dma_start3A_93 : memref<128x32xf32, #tpu.memory_space<vmem>>) offsets(%dma_start3A_96 : memref<128xi32, #tpu.memory_space<vmem>>) semaphore(%arg12 : memref<!tpu.dma_semaphore, #tpu.memory_space<semaphore_mem>>)
    %dma_start3A_100 = arith.constant 10 : i32
    %dma_start3A_101 = arith.constant 1280 : i32
    %dma_start3A_102 = arith.constant 0 : i32
    %dma_start3A_103 = tpu.memref_slice %arg9[%dma_start3A_101, %dma_start3A_102] : memref<2560x32xf32, #tpu.memory_space<vmem>> -> memref<128x32xf32, #tpu.memory_space<vmem>>
    %dma_start3A_104 = arith.constant 0 : i32
    %dma_start3A_105 = tpu.memref_slice %arg7[%dma_start3A_100, %dma_start3A_104] : memref<20x128xi32, #tpu.memory_space<vmem>> -> memref<1x128xi32, #tpu.memory_space<vmem>>
    %dma_start3A_106 = tpu.memref_squeeze %dma_start3A_105 : memref<1x128xi32, #tpu.memory_space<vmem>> -> memref<128xi32, #tpu.memory_space<vmem>>
    %dma_start3A_107 = arith.constant 0 : i32
    %dma_start3A_108 = arith.constant 0 : i32
    %dma_start3A_109 = tpu.memref_slice %arg4[%dma_start3A_107, %dma_start3A_108] : memref<100000x32xf32, #tpu.memory_space<hbm>> -> memref<100000x32xf32, #tpu.memory_space<hbm>>
    tpu.enqueue_indirect_dma source(%dma_start3A_109 : memref<100000x32xf32, #tpu.memory_space<hbm>>) target(%dma_start3A_103 : memref<128x32xf32, #tpu.memory_space<vmem>>) offsets(%dma_start3A_106 : memref<128xi32, #tpu.memory_space<vmem>>) semaphore(%arg12 : memref<!tpu.dma_semaphore, #tpu.memory_space<semaphore_mem>>)
    %dma_start3A_110 = arith.constant 11 : i32
    %dma_start3A_111 = arith.constant 1408 : i32
    %dma_start3A_112 = arith.constant 0 : i32
    %dma_start3A_113 = tpu.memref_slice %arg9[%dma_start3A_111, %dma_start3A_112] : memref<2560x32xf32, #tpu.memory_space<vmem>> -> memref<128x32xf32, #tpu.memory_space<vmem>>
    %dma_start3A_114 = arith.constant 0 : i32
    %dma_start3A_115 = tpu.memref_slice %arg7[%dma_start3A_110, %dma_start3A_114] : memref<20x128xi32, #tpu.memory_space<vmem>> -> memref<1x128xi32, #tpu.memory_space<vmem>>
    %dma_start3A_116 = tpu.memref_squeeze %dma_start3A_115 : memref<1x128xi32, #tpu.memory_space<vmem>> -> memref<128xi32, #tpu.memory_space<vmem>>
    %dma_start3A_117 = arith.constant 0 : i32
    %dma_start3A_118 = arith.constant 0 : i32
    %dma_start3A_119 = tpu.memref_slice %arg4[%dma_start3A_117, %dma_start3A_118] : memref<100000x32xf32, #tpu.memory_space<hbm>> -> memref<100000x32xf32, #tpu.memory_space<hbm>>
    tpu.enqueue_indirect_dma source(%dma_start3A_119 : memref<100000x32xf32, #tpu.memory_space<hbm>>) target(%dma_start3A_113 : memref<128x32xf32, #tpu.memory_space<vmem>>) offsets(%dma_start3A_116 : memref<128xi32, #tpu.memory_space<vmem>>) semaphore(%arg12 : memref<!tpu.dma_semaphore, #tpu.memory_space<semaphore_mem>>)
    %dma_start3A_120 = arith.constant 12 : i32
    %dma_start3A_121 = arith.constant 1536 : i32
    %dma_start3A_122 = arith.constant 0 : i32
    %dma_start3A_123 = tpu.memref_slice %arg9[%dma_start3A_121, %dma_start3A_122] : memref<2560x32xf32, #tpu.memory_space<vmem>> -> memref<128x32xf32, #tpu.memory_space<vmem>>
    %dma_start3A_124 = arith.constant 0 : i32
    %dma_start3A_125 = tpu.memref_slice %arg7[%dma_start3A_120, %dma_start3A_124] : memref<20x128xi32, #tpu.memory_space<vmem>> -> memref<1x128xi32, #tpu.memory_space<vmem>>
    %dma_start3A_126 = tpu.memref_squeeze %dma_start3A_125 : memref<1x128xi32, #tpu.memory_space<vmem>> -> memref<128xi32, #tpu.memory_space<vmem>>
    %dma_start3A_127 = arith.constant 0 : i32
    %dma_start3A_128 = arith.constant 0 : i32
    %dma_start3A_129 = tpu.memref_slice %arg4[%dma_start3A_127, %dma_start3A_128] : memref<100000x32xf32, #tpu.memory_space<hbm>> -> memref<100000x32xf32, #tpu.memory_space<hbm>>
    tpu.enqueue_indirect_dma source(%dma_start3A_129 : memref<100000x32xf32, #tpu.memory_space<hbm>>) target(%dma_start3A_123 : memref<128x32xf32, #tpu.memory_space<vmem>>) offsets(%dma_start3A_126 : memref<128xi32, #tpu.memory_space<vmem>>) semaphore(%arg12 : memref<!tpu.dma_semaphore, #tpu.memory_space<semaphore_mem>>)
    %dma_start3A_130 = arith.constant 13 : i32
    %dma_start3A_131 = arith.constant 1664 : i32
    %dma_start3A_132 = arith.constant 0 : i32
    %dma_start3A_133 = tpu.memref_slice %arg9[%dma_start3A_131, %dma_start3A_132] : memref<2560x32xf32, #tpu.memory_space<vmem>> -> memref<128x32xf32, #tpu.memory_space<vmem>>
    %dma_start3A_134 = arith.constant 0 : i32
    %dma_start3A_135 = tpu.memref_slice %arg7[%dma_start3A_130, %dma_start3A_134] : memref<20x128xi32, #tpu.memory_space<vmem>> -> memref<1x128xi32, #tpu.memory_space<vmem>>
    %dma_start3A_136 = tpu.memref_squeeze %dma_start3A_135 : memref<1x128xi32, #tpu.memory_space<vmem>> -> memref<128xi32, #tpu.memory_space<vmem>>
    %dma_start3A_137 = arith.constant 0 : i32
    %dma_start3A_138 = arith.constant 0 : i32
    %dma_start3A_139 = tpu.memref_slice %arg4[%dma_start3A_137, %dma_start3A_138] : memref<100000x32xf32, #tpu.memory_space<hbm>> -> memref<100000x32xf32, #tpu.memory_space<hbm>>
    tpu.enqueue_indirect_dma source(%dma_start3A_139 : memref<100000x32xf32, #tpu.memory_space<hbm>>) target(%dma_start3A_133 : memref<128x32xf32, #tpu.memory_space<vmem>>) offsets(%dma_start3A_136 : memref<128xi32, #tpu.memory_space<vmem>>) semaphore(%arg12 : memref<!tpu.dma_semaphore, #tpu.memory_space<semaphore_mem>>)
    %dma_start3A_140 = arith.constant 14 : i32
    %dma_start3A_141 = arith.constant 1792 : i32
    %dma_start3A_142 = arith.constant 0 : i32
    %dma_start3A_143 = tpu.memref_slice %arg9[%dma_start3A_141, %dma_start3A_142] : memref<2560x32xf32, #tpu.memory_space<vmem>> -> memref<128x32xf32, #tpu.memory_space<vmem>>
    %dma_start3A_144 = arith.constant 0 : i32
    %dma_start3A_145 = tpu.memref_slice %arg7[%dma_start3A_140, %dma_start3A_144] : memref<20x128xi32, #tpu.memory_space<vmem>> -> memref<1x128xi32, #tpu.memory_space<vmem>>
    %dma_start3A_146 = tpu.memref_squeeze %dma_start3A_145 : memref<1x128xi32, #tpu.memory_space<vmem>> -> memref<128xi32, #tpu.memory_space<vmem>>
    %dma_start3A_147 = arith.constant 0 : i32
    %dma_start3A_148 = arith.constant 0 : i32
    %dma_start3A_149 = tpu.memref_slice %arg4[%dma_start3A_147, %dma_start3A_148] : memref<100000x32xf32, #tpu.memory_space<hbm>> -> memref<100000x32xf32, #tpu.memory_space<hbm>>
    tpu.enqueue_indirect_dma source(%dma_start3A_149 : memref<100000x32xf32, #tpu.memory_space<hbm>>) target(%dma_start3A_143 : memref<128x32xf32, #tpu.memory_space<vmem>>) offsets(%dma_start3A_146 : memref<128xi32, #tpu.memory_space<vmem>>) semaphore(%arg12 : memref<!tpu.dma_semaphore, #tpu.memory_space<semaphore_mem>>)
    %dma_start3A_150 = arith.constant 15 : i32
    %dma_start3A_151 = arith.constant 1920 : i32
    %dma_start3A_152 = arith.constant 0 : i32
    %dma_start3A_153 = tpu.memref_slice %arg9[%dma_start3A_151, %dma_start3A_152] : memref<2560x32xf32, #tpu.memory_space<vmem>> -> memref<128x32xf32, #tpu.memory_space<vmem>>
    %dma_start3A_154 = arith.constant 0 : i32
    %dma_start3A_155 = tpu.memref_slice %arg7[%dma_start3A_150, %dma_start3A_154] : memref<20x128xi32, #tpu.memory_space<vmem>> -> memref<1x128xi32, #tpu.memory_space<vmem>>
    %dma_start3A_156 = tpu.memref_squeeze %dma_start3A_155 : memref<1x128xi32, #tpu.memory_space<vmem>> -> memref<128xi32, #tpu.memory_space<vmem>>
    %dma_start3A_157 = arith.constant 0 : i32
    %dma_start3A_158 = arith.constant 0 : i32
    %dma_start3A_159 = tpu.memref_slice %arg4[%dma_start3A_157, %dma_start3A_158] : memref<100000x32xf32, #tpu.memory_space<hbm>> -> memref<100000x32xf32, #tpu.memory_space<hbm>>
    tpu.enqueue_indirect_dma source(%dma_start3A_159 : memref<100000x32xf32, #tpu.memory_space<hbm>>) target(%dma_start3A_153 : memref<128x32xf32, #tpu.memory_space<vmem>>) offsets(%dma_start3A_156 : memref<128xi32, #tpu.memory_space<vmem>>) semaphore(%arg12 : memref<!tpu.dma_semaphore, #tpu.memory_space<semaphore_mem>>)
    %dma_start3A_160 = arith.constant 16 : i32
    %dma_start3A_161 = arith.constant 2048 : i32
    %dma_start3A_162 = arith.constant 0 : i32
    %dma_start3A_163 = tpu.memref_slice %arg9[%dma_start3A_161, %dma_start3A_162] : memref<2560x32xf32, #tpu.memory_space<vmem>> -> memref<128x32xf32, #tpu.memory_space<vmem>>
    %dma_start3A_164 = arith.constant 0 : i32
    %dma_start3A_165 = tpu.memref_slice %arg7[%dma_start3A_160, %dma_start3A_164] : memref<20x128xi32, #tpu.memory_space<vmem>> -> memref<1x128xi32, #tpu.memory_space<vmem>>
    %dma_start3A_166 = tpu.memref_squeeze %dma_start3A_165 : memref<1x128xi32, #tpu.memory_space<vmem>> -> memref<128xi32, #tpu.memory_space<vmem>>
    %dma_start3A_167 = arith.constant 0 : i32
    %dma_start3A_168 = arith.constant 0 : i32
    %dma_start3A_169 = tpu.memref_slice %arg4[%dma_start3A_167, %dma_start3A_168] : memref<100000x32xf32, #tpu.memory_space<hbm>> -> memref<100000x32xf32, #tpu.memory_space<hbm>>
    tpu.enqueue_indirect_dma source(%dma_start3A_169 : memref<100000x32xf32, #tpu.memory_space<hbm>>) target(%dma_start3A_163 : memref<128x32xf32, #tpu.memory_space<vmem>>) offsets(%dma_start3A_166 : memref<128xi32, #tpu.memory_space<vmem>>) semaphore(%arg12 : memref<!tpu.dma_semaphore, #tpu.memory_space<semaphore_mem>>)
    %dma_start3A_170 = arith.constant 17 : i32
    %dma_start3A_171 = arith.constant 2176 : i32
    %dma_start3A_172 = arith.constant 0 : i32
    %dma_start3A_173 = tpu.memref_slice %arg9[%dma_start3A_171, %dma_start3A_172] : memref<2560x32xf32, #tpu.memory_space<vmem>> -> memref<128x32xf32, #tpu.memory_space<vmem>>
    %dma_start3A_174 = arith.constant 0 : i32
    %dma_start3A_175 = tpu.memref_slice %arg7[%dma_start3A_170, %dma_start3A_174] : memref<20x128xi32, #tpu.memory_space<vmem>> -> memref<1x128xi32, #tpu.memory_space<vmem>>
    %dma_start3A_176 = tpu.memref_squeeze %dma_start3A_175 : memref<1x128xi32, #tpu.memory_space<vmem>> -> memref<128xi32, #tpu.memory_space<vmem>>
    %dma_start3A_177 = arith.constant 0 : i32
    %dma_start3A_178 = arith.constant 0 : i32
    %dma_start3A_179 = tpu.memref_slice %arg4[%dma_start3A_177, %dma_start3A_178] : memref<100000x32xf32, #tpu.memory_space<hbm>> -> memref<100000x32xf32, #tpu.memory_space<hbm>>
    tpu.enqueue_indirect_dma source(%dma_start3A_179 : memref<100000x32xf32, #tpu.memory_space<hbm>>) target(%dma_start3A_173 : memref<128x32xf32, #tpu.memory_space<vmem>>) offsets(%dma_start3A_176 : memref<128xi32, #tpu.memory_space<vmem>>) semaphore(%arg12 : memref<!tpu.dma_semaphore, #tpu.memory_space<semaphore_mem>>)
    %dma_start3A_180 = arith.constant 18 : i32
    %dma_start3A_181 = arith.constant 2304 : i32
    %dma_start3A_182 = arith.constant 0 : i32
    %dma_start3A_183 = tpu.memref_slice %arg9[%dma_start3A_181, %dma_start3A_182] : memref<2560x32xf32, #tpu.memory_space<vmem>> -> memref<128x32xf32, #tpu.memory_space<vmem>>
    %dma_start3A_184 = arith.constant 0 : i32
    %dma_start3A_185 = tpu.memref_slice %arg7[%dma_start3A_180, %dma_start3A_184] : memref<20x128xi32, #tpu.memory_space<vmem>> -> memref<1x128xi32, #tpu.memory_space<vmem>>
    %dma_start3A_186 = tpu.memref_squeeze %dma_start3A_185 : memref<1x128xi32, #tpu.memory_space<vmem>> -> memref<128xi32, #tpu.memory_space<vmem>>
    %dma_start3A_187 = arith.constant 0 : i32
    %dma_start3A_188 = arith.constant 0 : i32
    %dma_start3A_189 = tpu.memref_slice %arg4[%dma_start3A_187, %dma_start3A_188] : memref<100000x32xf32, #tpu.memory_space<hbm>> -> memref<100000x32xf32, #tpu.memory_space<hbm>>
    tpu.enqueue_indirect_dma source(%dma_start3A_189 : memref<100000x32xf32, #tpu.memory_space<hbm>>) target(%dma_start3A_183 : memref<128x32xf32, #tpu.memory_space<vmem>>) offsets(%dma_start3A_186 : memref<128xi32, #tpu.memory_space<vmem>>) semaphore(%arg12 : memref<!tpu.dma_semaphore, #tpu.memory_space<semaphore_mem>>)
    %dma_start3A_190 = arith.constant 19 : i32
    %dma_start3A_191 = arith.constant 2432 : i32
    %dma_start3A_192 = arith.constant 0 : i32
    %dma_start3A_193 = tpu.memref_slice %arg9[%dma_start3A_191, %dma_start3A_192] : memref<2560x32xf32, #tpu.memory_space<vmem>> -> memref<128x32xf32, #tpu.memory_space<vmem>>
    %dma_start3A_194 = arith.constant 0 : i32
    %dma_start3A_195 = tpu.memref_slice %arg7[%dma_start3A_190, %dma_start3A_194] : memref<20x128xi32, #tpu.memory_space<vmem>> -> memref<1x128xi32, #tpu.memory_space<vmem>>
    %dma_start3A_196 = tpu.memref_squeeze %dma_start3A_195 : memref<1x128xi32, #tpu.memory_space<vmem>> -> memref<128xi32, #tpu.memory_space<vmem>>
    %dma_start3A_197 = arith.constant 0 : i32
    %dma_start3A_198 = arith.constant 0 : i32
    %dma_start3A_199 = tpu.memref_slice %arg4[%dma_start3A_197, %dma_start3A_198] : memref<100000x32xf32, #tpu.memory_space<hbm>> -> memref<100000x32xf32, #tpu.memory_space<hbm>>
    tpu.enqueue_indirect_dma source(%dma_start3A_199 : memref<100000x32xf32, #tpu.memory_space<hbm>>) target(%dma_start3A_193 : memref<128x32xf32, #tpu.memory_space<vmem>>) offsets(%dma_start3A_196 : memref<128xi32, #tpu.memory_space<vmem>>) semaphore(%arg12 : memref<!tpu.dma_semaphore, #tpu.memory_space<semaphore_mem>>)
    %dma_wait3A = arith.constant 0 : i32
    %dma_wait3A_200 = arith.constant 0 : i32
    %dma_wait3A_201 = arith.constant 0 : i32
    %dma_wait3A_202 = tpu.memref_slice %arg9[%dma_wait3A_200, %dma_wait3A_201] : memref<2560x32xf32, #tpu.memory_space<vmem>> -> memref<128x32xf32, #tpu.memory_space<vmem>>
    %dma_wait3A_203 = arith.constant 0 : i32
    %dma_wait3A_204 = tpu.memref_slice %arg7[%dma_wait3A, %dma_wait3A_203] : memref<20x128xi32, #tpu.memory_space<vmem>> -> memref<1x128xi32, #tpu.memory_space<vmem>>
    %dma_wait3A_205 = tpu.memref_squeeze %dma_wait3A_204 : memref<1x128xi32, #tpu.memory_space<vmem>> -> memref<128xi32, #tpu.memory_space<vmem>>
    %dma_wait3A_206 = arith.constant 0 : i32
    %dma_wait3A_207 = arith.constant 0 : i32
    %dma_wait3A_208 = tpu.memref_slice %arg4[%dma_wait3A_206, %dma_wait3A_207] : memref<100000x32xf32, #tpu.memory_space<hbm>> -> memref<100000x32xf32, #tpu.memory_space<hbm>>
    tpu.wait_indirect_dma semaphore(%arg12 : memref<!tpu.dma_semaphore, #tpu.memory_space<semaphore_mem>>) src(%dma_wait3A_208 : memref<100000x32xf32, #tpu.memory_space<hbm>>) dst(%dma_wait3A_202 : memref<128x32xf32, #tpu.memory_space<vmem>>)
    %dma_wait3A_209 = arith.constant 1 : i32
    %dma_wait3A_210 = arith.constant 128 : i32
    %dma_wait3A_211 = arith.constant 0 : i32
    %dma_wait3A_212 = tpu.memref_slice %arg9[%dma_wait3A_210, %dma_wait3A_211] : memref<2560x32xf32, #tpu.memory_space<vmem>> -> memref<128x32xf32, #tpu.memory_space<vmem>>
    %dma_wait3A_213 = arith.constant 0 : i32
    %dma_wait3A_214 = tpu.memref_slice %arg7[%dma_wait3A_209, %dma_wait3A_213] : memref<20x128xi32, #tpu.memory_space<vmem>> -> memref<1x128xi32, #tpu.memory_space<vmem>>
    %dma_wait3A_215 = tpu.memref_squeeze %dma_wait3A_214 : memref<1x128xi32, #tpu.memory_space<vmem>> -> memref<128xi32, #tpu.memory_space<vmem>>
    %dma_wait3A_216 = arith.constant 0 : i32
    %dma_wait3A_217 = arith.constant 0 : i32
    %dma_wait3A_218 = tpu.memref_slice %arg4[%dma_wait3A_216, %dma_wait3A_217] : memref<100000x32xf32, #tpu.memory_space<hbm>> -> memref<100000x32xf32, #tpu.memory_space<hbm>>
    tpu.wait_indirect_dma semaphore(%arg12 : memref<!tpu.dma_semaphore, #tpu.memory_space<semaphore_mem>>) src(%dma_wait3A_218 : memref<100000x32xf32, #tpu.memory_space<hbm>>) dst(%dma_wait3A_212 : memref<128x32xf32, #tpu.memory_space<vmem>>)
    %dma_wait3A_219 = arith.constant 2 : i32
    %dma_wait3A_220 = arith.constant 256 : i32
    %dma_wait3A_221 = arith.constant 0 : i32
    %dma_wait3A_222 = tpu.memref_slice %arg9[%dma_wait3A_220, %dma_wait3A_221] : memref<2560x32xf32, #tpu.memory_space<vmem>> -> memref<128x32xf32, #tpu.memory_space<vmem>>
    %dma_wait3A_223 = arith.constant 0 : i32
    %dma_wait3A_224 = tpu.memref_slice %arg7[%dma_wait3A_219, %dma_wait3A_223] : memref<20x128xi32, #tpu.memory_space<vmem>> -> memref<1x128xi32, #tpu.memory_space<vmem>>
    %dma_wait3A_225 = tpu.memref_squeeze %dma_wait3A_224 : memref<1x128xi32, #tpu.memory_space<vmem>> -> memref<128xi32, #tpu.memory_space<vmem>>
    %dma_wait3A_226 = arith.constant 0 : i32
    %dma_wait3A_227 = arith.constant 0 : i32
    %dma_wait3A_228 = tpu.memref_slice %arg4[%dma_wait3A_226, %dma_wait3A_227] : memref<100000x32xf32, #tpu.memory_space<hbm>> -> memref<100000x32xf32, #tpu.memory_space<hbm>>
    tpu.wait_indirect_dma semaphore(%arg12 : memref<!tpu.dma_semaphore, #tpu.memory_space<semaphore_mem>>) src(%dma_wait3A_228 : memref<100000x32xf32, #tpu.memory_space<hbm>>) dst(%dma_wait3A_222 : memref<128x32xf32, #tpu.memory_space<vmem>>)
    %dma_wait3A_229 = arith.constant 3 : i32
    %dma_wait3A_230 = arith.constant 384 : i32
    %dma_wait3A_231 = arith.constant 0 : i32
    %dma_wait3A_232 = tpu.memref_slice %arg9[%dma_wait3A_230, %dma_wait3A_231] : memref<2560x32xf32, #tpu.memory_space<vmem>> -> memref<128x32xf32, #tpu.memory_space<vmem>>
    %dma_wait3A_233 = arith.constant 0 : i32
    %dma_wait3A_234 = tpu.memref_slice %arg7[%dma_wait3A_229, %dma_wait3A_233] : memref<20x128xi32, #tpu.memory_space<vmem>> -> memref<1x128xi32, #tpu.memory_space<vmem>>
    %dma_wait3A_235 = tpu.memref_squeeze %dma_wait3A_234 : memref<1x128xi32, #tpu.memory_space<vmem>> -> memref<128xi32, #tpu.memory_space<vmem>>
    %dma_wait3A_236 = arith.constant 0 : i32
    %dma_wait3A_237 = arith.constant 0 : i32
    %dma_wait3A_238 = tpu.memref_slice %arg4[%dma_wait3A_236, %dma_wait3A_237] : memref<100000x32xf32, #tpu.memory_space<hbm>> -> memref<100000x32xf32, #tpu.memory_space<hbm>>
    tpu.wait_indirect_dma semaphore(%arg12 : memref<!tpu.dma_semaphore, #tpu.memory_space<semaphore_mem>>) src(%dma_wait3A_238 : memref<100000x32xf32, #tpu.memory_space<hbm>>) dst(%dma_wait3A_232 : memref<128x32xf32, #tpu.memory_space<vmem>>)
    %dma_wait3A_239 = arith.constant 4 : i32
    %dma_wait3A_240 = arith.constant 512 : i32
    %dma_wait3A_241 = arith.constant 0 : i32
    %dma_wait3A_242 = tpu.memref_slice %arg9[%dma_wait3A_240, %dma_wait3A_241] : memref<2560x32xf32, #tpu.memory_space<vmem>> -> memref<128x32xf32, #tpu.memory_space<vmem>>
    %dma_wait3A_243 = arith.constant 0 : i32
    %dma_wait3A_244 = tpu.memref_slice %arg7[%dma_wait3A_239, %dma_wait3A_243] : memref<20x128xi32, #tpu.memory_space<vmem>> -> memref<1x128xi32, #tpu.memory_space<vmem>>
    %dma_wait3A_245 = tpu.memref_squeeze %dma_wait3A_244 : memref<1x128xi32, #tpu.memory_space<vmem>> -> memref<128xi32, #tpu.memory_space<vmem>>
    %dma_wait3A_246 = arith.constant 0 : i32
    %dma_wait3A_247 = arith.constant 0 : i32
    %dma_wait3A_248 = tpu.memref_slice %arg4[%dma_wait3A_246, %dma_wait3A_247] : memref<100000x32xf32, #tpu.memory_space<hbm>> -> memref<100000x32xf32, #tpu.memory_space<hbm>>
    tpu.wait_indirect_dma semaphore(%arg12 : memref<!tpu.dma_semaphore, #tpu.memory_space<semaphore_mem>>) src(%dma_wait3A_248 : memref<100000x32xf32, #tpu.memory_space<hbm>>) dst(%dma_wait3A_242 : memref<128x32xf32, #tpu.memory_space<vmem>>)
    %dma_wait3A_249 = arith.constant 5 : i32
    %dma_wait3A_250 = arith.constant 640 : i32
    %dma_wait3A_251 = arith.constant 0 : i32
    %dma_wait3A_252 = tpu.memref_slice %arg9[%dma_wait3A_250, %dma_wait3A_251] : memref<2560x32xf32, #tpu.memory_space<vmem>> -> memref<128x32xf32, #tpu.memory_space<vmem>>
    %dma_wait3A_253 = arith.constant 0 : i32
    %dma_wait3A_254 = tpu.memref_slice %arg7[%dma_wait3A_249, %dma_wait3A_253] : memref<20x128xi32, #tpu.memory_space<vmem>> -> memref<1x128xi32, #tpu.memory_space<vmem>>
    %dma_wait3A_255 = tpu.memref_squeeze %dma_wait3A_254 : memref<1x128xi32, #tpu.memory_space<vmem>> -> memref<128xi32, #tpu.memory_space<vmem>>
    %dma_wait3A_256 = arith.constant 0 : i32
    %dma_wait3A_257 = arith.constant 0 : i32
    %dma_wait3A_258 = tpu.memref_slice %arg4[%dma_wait3A_256, %dma_wait3A_257] : memref<100000x32xf32, #tpu.memory_space<hbm>> -> memref<100000x32xf32, #tpu.memory_space<hbm>>
    tpu.wait_indirect_dma semaphore(%arg12 : memref<!tpu.dma_semaphore, #tpu.memory_space<semaphore_mem>>) src(%dma_wait3A_258 : memref<100000x32xf32, #tpu.memory_space<hbm>>) dst(%dma_wait3A_252 : memref<128x32xf32, #tpu.memory_space<vmem>>)
    %dma_wait3A_259 = arith.constant 6 : i32
    %dma_wait3A_260 = arith.constant 768 : i32
    %dma_wait3A_261 = arith.constant 0 : i32
    %dma_wait3A_262 = tpu.memref_slice %arg9[%dma_wait3A_260, %dma_wait3A_261] : memref<2560x32xf32, #tpu.memory_space<vmem>> -> memref<128x32xf32, #tpu.memory_space<vmem>>
    %dma_wait3A_263 = arith.constant 0 : i32
    %dma_wait3A_264 = tpu.memref_slice %arg7[%dma_wait3A_259, %dma_wait3A_263] : memref<20x128xi32, #tpu.memory_space<vmem>> -> memref<1x128xi32, #tpu.memory_space<vmem>>
    %dma_wait3A_265 = tpu.memref_squeeze %dma_wait3A_264 : memref<1x128xi32, #tpu.memory_space<vmem>> -> memref<128xi32, #tpu.memory_space<vmem>>
    %dma_wait3A_266 = arith.constant 0 : i32
    %dma_wait3A_267 = arith.constant 0 : i32
    %dma_wait3A_268 = tpu.memref_slice %arg4[%dma_wait3A_266, %dma_wait3A_267] : memref<100000x32xf32, #tpu.memory_space<hbm>> -> memref<100000x32xf32, #tpu.memory_space<hbm>>
    tpu.wait_indirect_dma semaphore(%arg12 : memref<!tpu.dma_semaphore, #tpu.memory_space<semaphore_mem>>) src(%dma_wait3A_268 : memref<100000x32xf32, #tpu.memory_space<hbm>>) dst(%dma_wait3A_262 : memref<128x32xf32, #tpu.memory_space<vmem>>)
    %dma_wait3A_269 = arith.constant 7 : i32
    %dma_wait3A_270 = arith.constant 896 : i32
    %dma_wait3A_271 = arith.constant 0 : i32
    %dma_wait3A_272 = tpu.memref_slice %arg9[%dma_wait3A_270, %dma_wait3A_271] : memref<2560x32xf32, #tpu.memory_space<vmem>> -> memref<128x32xf32, #tpu.memory_space<vmem>>
    %dma_wait3A_273 = arith.constant 0 : i32
    %dma_wait3A_274 = tpu.memref_slice %arg7[%dma_wait3A_269, %dma_wait3A_273] : memref<20x128xi32, #tpu.memory_space<vmem>> -> memref<1x128xi32, #tpu.memory_space<vmem>>
    %dma_wait3A_275 = tpu.memref_squeeze %dma_wait3A_274 : memref<1x128xi32, #tpu.memory_space<vmem>> -> memref<128xi32, #tpu.memory_space<vmem>>
    %dma_wait3A_276 = arith.constant 0 : i32
    %dma_wait3A_277 = arith.constant 0 : i32
    %dma_wait3A_278 = tpu.memref_slice %arg4[%dma_wait3A_276, %dma_wait3A_277] : memref<100000x32xf32, #tpu.memory_space<hbm>> -> memref<100000x32xf32, #tpu.memory_space<hbm>>
    tpu.wait_indirect_dma semaphore(%arg12 : memref<!tpu.dma_semaphore, #tpu.memory_space<semaphore_mem>>) src(%dma_wait3A_278 : memref<100000x32xf32, #tpu.memory_space<hbm>>) dst(%dma_wait3A_272 : memref<128x32xf32, #tpu.memory_space<vmem>>)
    %dma_wait3A_279 = arith.constant 8 : i32
    %dma_wait3A_280 = arith.constant 1024 : i32
    %dma_wait3A_281 = arith.constant 0 : i32
    %dma_wait3A_282 = tpu.memref_slice %arg9[%dma_wait3A_280, %dma_wait3A_281] : memref<2560x32xf32, #tpu.memory_space<vmem>> -> memref<128x32xf32, #tpu.memory_space<vmem>>
    %dma_wait3A_283 = arith.constant 0 : i32
    %dma_wait3A_284 = tpu.memref_slice %arg7[%dma_wait3A_279, %dma_wait3A_283] : memref<20x128xi32, #tpu.memory_space<vmem>> -> memref<1x128xi32, #tpu.memory_space<vmem>>
    %dma_wait3A_285 = tpu.memref_squeeze %dma_wait3A_284 : memref<1x128xi32, #tpu.memory_space<vmem>> -> memref<128xi32, #tpu.memory_space<vmem>>
    %dma_wait3A_286 = arith.constant 0 : i32
    %dma_wait3A_287 = arith.constant 0 : i32
    %dma_wait3A_288 = tpu.memref_slice %arg4[%dma_wait3A_286, %dma_wait3A_287] : memref<100000x32xf32, #tpu.memory_space<hbm>> -> memref<100000x32xf32, #tpu.memory_space<hbm>>
    tpu.wait_indirect_dma semaphore(%arg12 : memref<!tpu.dma_semaphore, #tpu.memory_space<semaphore_mem>>) src(%dma_wait3A_288 : memref<100000x32xf32, #tpu.memory_space<hbm>>) dst(%dma_wait3A_282 : memref<128x32xf32, #tpu.memory_space<vmem>>)
    %dma_wait3A_289 = arith.constant 9 : i32
    %dma_wait3A_290 = arith.constant 1152 : i32
    %dma_wait3A_291 = arith.constant 0 : i32
    %dma_wait3A_292 = tpu.memref_slice %arg9[%dma_wait3A_290, %dma_wait3A_291] : memref<2560x32xf32, #tpu.memory_space<vmem>> -> memref<128x32xf32, #tpu.memory_space<vmem>>
    %dma_wait3A_293 = arith.constant 0 : i32
    %dma_wait3A_294 = tpu.memref_slice %arg7[%dma_wait3A_289, %dma_wait3A_293] : memref<20x128xi32, #tpu.memory_space<vmem>> -> memref<1x128xi32, #tpu.memory_space<vmem>>
    %dma_wait3A_295 = tpu.memref_squeeze %dma_wait3A_294 : memref<1x128xi32, #tpu.memory_space<vmem>> -> memref<128xi32, #tpu.memory_space<vmem>>
    %dma_wait3A_296 = arith.constant 0 : i32
    %dma_wait3A_297 = arith.constant 0 : i32
    %dma_wait3A_298 = tpu.memref_slice %arg4[%dma_wait3A_296, %dma_wait3A_297] : memref<100000x32xf32, #tpu.memory_space<hbm>> -> memref<100000x32xf32, #tpu.memory_space<hbm>>
    tpu.wait_indirect_dma semaphore(%arg12 : memref<!tpu.dma_semaphore, #tpu.memory_space<semaphore_mem>>) src(%dma_wait3A_298 : memref<100000x32xf32, #tpu.memory_space<hbm>>) dst(%dma_wait3A_292 : memref<128x32xf32, #tpu.memory_space<vmem>>)
    %dma_wait3A_299 = arith.constant 10 : i32
    %dma_wait3A_300 = arith.constant 1280 : i32
    %dma_wait3A_301 = arith.constant 0 : i32
    %dma_wait3A_302 = tpu.memref_slice %arg9[%dma_wait3A_300, %dma_wait3A_301] : memref<2560x32xf32, #tpu.memory_space<vmem>> -> memref<128x32xf32, #tpu.memory_space<vmem>>
    %dma_wait3A_303 = arith.constant 0 : i32
    %dma_wait3A_304 = tpu.memref_slice %arg7[%dma_wait3A_299, %dma_wait3A_303] : memref<20x128xi32, #tpu.memory_space<vmem>> -> memref<1x128xi32, #tpu.memory_space<vmem>>
    %dma_wait3A_305 = tpu.memref_squeeze %dma_wait3A_304 : memref<1x128xi32, #tpu.memory_space<vmem>> -> memref<128xi32, #tpu.memory_space<vmem>>
    %dma_wait3A_306 = arith.constant 0 : i32
    %dma_wait3A_307 = arith.constant 0 : i32
    %dma_wait3A_308 = tpu.memref_slice %arg4[%dma_wait3A_306, %dma_wait3A_307] : memref<100000x32xf32, #tpu.memory_space<hbm>> -> memref<100000x32xf32, #tpu.memory_space<hbm>>
    tpu.wait_indirect_dma semaphore(%arg12 : memref<!tpu.dma_semaphore, #tpu.memory_space<semaphore_mem>>) src(%dma_wait3A_308 : memref<100000x32xf32, #tpu.memory_space<hbm>>) dst(%dma_wait3A_302 : memref<128x32xf32, #tpu.memory_space<vmem>>)
    %dma_wait3A_309 = arith.constant 11 : i32
    %dma_wait3A_310 = arith.constant 1408 : i32
    %dma_wait3A_311 = arith.constant 0 : i32
    %dma_wait3A_312 = tpu.memref_slice %arg9[%dma_wait3A_310, %dma_wait3A_311] : memref<2560x32xf32, #tpu.memory_space<vmem>> -> memref<128x32xf32, #tpu.memory_space<vmem>>
    %dma_wait3A_313 = arith.constant 0 : i32
    %dma_wait3A_314 = tpu.memref_slice %arg7[%dma_wait3A_309, %dma_wait3A_313] : memref<20x128xi32, #tpu.memory_space<vmem>> -> memref<1x128xi32, #tpu.memory_space<vmem>>
    %dma_wait3A_315 = tpu.memref_squeeze %dma_wait3A_314 : memref<1x128xi32, #tpu.memory_space<vmem>> -> memref<128xi32, #tpu.memory_space<vmem>>
    %dma_wait3A_316 = arith.constant 0 : i32
    %dma_wait3A_317 = arith.constant 0 : i32
    %dma_wait3A_318 = tpu.memref_slice %arg4[%dma_wait3A_316, %dma_wait3A_317] : memref<100000x32xf32, #tpu.memory_space<hbm>> -> memref<100000x32xf32, #tpu.memory_space<hbm>>
    tpu.wait_indirect_dma semaphore(%arg12 : memref<!tpu.dma_semaphore, #tpu.memory_space<semaphore_mem>>) src(%dma_wait3A_318 : memref<100000x32xf32, #tpu.memory_space<hbm>>) dst(%dma_wait3A_312 : memref<128x32xf32, #tpu.memory_space<vmem>>)
    %dma_wait3A_319 = arith.constant 12 : i32
    %dma_wait3A_320 = arith.constant 1536 : i32
    %dma_wait3A_321 = arith.constant 0 : i32
    %dma_wait3A_322 = tpu.memref_slice %arg9[%dma_wait3A_320, %dma_wait3A_321] : memref<2560x32xf32, #tpu.memory_space<vmem>> -> memref<128x32xf32, #tpu.memory_space<vmem>>
    %dma_wait3A_323 = arith.constant 0 : i32
    %dma_wait3A_324 = tpu.memref_slice %arg7[%dma_wait3A_319, %dma_wait3A_323] : memref<20x128xi32, #tpu.memory_space<vmem>> -> memref<1x128xi32, #tpu.memory_space<vmem>>
    %dma_wait3A_325 = tpu.memref_squeeze %dma_wait3A_324 : memref<1x128xi32, #tpu.memory_space<vmem>> -> memref<128xi32, #tpu.memory_space<vmem>>
    %dma_wait3A_326 = arith.constant 0 : i32
    %dma_wait3A_327 = arith.constant 0 : i32
    %dma_wait3A_328 = tpu.memref_slice %arg4[%dma_wait3A_326, %dma_wait3A_327] : memref<100000x32xf32, #tpu.memory_space<hbm>> -> memref<100000x32xf32, #tpu.memory_space<hbm>>
    tpu.wait_indirect_dma semaphore(%arg12 : memref<!tpu.dma_semaphore, #tpu.memory_space<semaphore_mem>>) src(%dma_wait3A_328 : memref<100000x32xf32, #tpu.memory_space<hbm>>) dst(%dma_wait3A_322 : memref<128x32xf32, #tpu.memory_space<vmem>>)
    %dma_wait3A_329 = arith.constant 13 : i32
    %dma_wait3A_330 = arith.constant 1664 : i32
    %dma_wait3A_331 = arith.constant 0 : i32
    %dma_wait3A_332 = tpu.memref_slice %arg9[%dma_wait3A_330, %dma_wait3A_331] : memref<2560x32xf32, #tpu.memory_space<vmem>> -> memref<128x32xf32, #tpu.memory_space<vmem>>
    %dma_wait3A_333 = arith.constant 0 : i32
    %dma_wait3A_334 = tpu.memref_slice %arg7[%dma_wait3A_329, %dma_wait3A_333] : memref<20x128xi32, #tpu.memory_space<vmem>> -> memref<1x128xi32, #tpu.memory_space<vmem>>
    %dma_wait3A_335 = tpu.memref_squeeze %dma_wait3A_334 : memref<1x128xi32, #tpu.memory_space<vmem>> -> memref<128xi32, #tpu.memory_space<vmem>>
    %dma_wait3A_336 = arith.constant 0 : i32
    %dma_wait3A_337 = arith.constant 0 : i32
    %dma_wait3A_338 = tpu.memref_slice %arg4[%dma_wait3A_336, %dma_wait3A_337] : memref<100000x32xf32, #tpu.memory_space<hbm>> -> memref<100000x32xf32, #tpu.memory_space<hbm>>
    tpu.wait_indirect_dma semaphore(%arg12 : memref<!tpu.dma_semaphore, #tpu.memory_space<semaphore_mem>>) src(%dma_wait3A_338 : memref<100000x32xf32, #tpu.memory_space<hbm>>) dst(%dma_wait3A_332 : memref<128x32xf32, #tpu.memory_space<vmem>>)
    %dma_wait3A_339 = arith.constant 14 : i32
    %dma_wait3A_340 = arith.constant 1792 : i32
    %dma_wait3A_341 = arith.constant 0 : i32
    %dma_wait3A_342 = tpu.memref_slice %arg9[%dma_wait3A_340, %dma_wait3A_341] : memref<2560x32xf32, #tpu.memory_space<vmem>> -> memref<128x32xf32, #tpu.memory_space<vmem>>
    %dma_wait3A_343 = arith.constant 0 : i32
    %dma_wait3A_344 = tpu.memref_slice %arg7[%dma_wait3A_339, %dma_wait3A_343] : memref<20x128xi32, #tpu.memory_space<vmem>> -> memref<1x128xi32, #tpu.memory_space<vmem>>
    %dma_wait3A_345 = tpu.memref_squeeze %dma_wait3A_344 : memref<1x128xi32, #tpu.memory_space<vmem>> -> memref<128xi32, #tpu.memory_space<vmem>>
    %dma_wait3A_346 = arith.constant 0 : i32
    %dma_wait3A_347 = arith.constant 0 : i32
    %dma_wait3A_348 = tpu.memref_slice %arg4[%dma_wait3A_346, %dma_wait3A_347] : memref<100000x32xf32, #tpu.memory_space<hbm>> -> memref<100000x32xf32, #tpu.memory_space<hbm>>
    tpu.wait_indirect_dma semaphore(%arg12 : memref<!tpu.dma_semaphore, #tpu.memory_space<semaphore_mem>>) src(%dma_wait3A_348 : memref<100000x32xf32, #tpu.memory_space<hbm>>) dst(%dma_wait3A_342 : memref<128x32xf32, #tpu.memory_space<vmem>>)
    %dma_wait3A_349 = arith.constant 15 : i32
    %dma_wait3A_350 = arith.constant 1920 : i32
    %dma_wait3A_351 = arith.constant 0 : i32
    %dma_wait3A_352 = tpu.memref_slice %arg9[%dma_wait3A_350, %dma_wait3A_351] : memref<2560x32xf32, #tpu.memory_space<vmem>> -> memref<128x32xf32, #tpu.memory_space<vmem>>
    %dma_wait3A_353 = arith.constant 0 : i32
    %dma_wait3A_354 = tpu.memref_slice %arg7[%dma_wait3A_349, %dma_wait3A_353] : memref<20x128xi32, #tpu.memory_space<vmem>> -> memref<1x128xi32, #tpu.memory_space<vmem>>
    %dma_wait3A_355 = tpu.memref_squeeze %dma_wait3A_354 : memref<1x128xi32, #tpu.memory_space<vmem>> -> memref<128xi32, #tpu.memory_space<vmem>>
    %dma_wait3A_356 = arith.constant 0 : i32
    %dma_wait3A_357 = arith.constant 0 : i32
    %dma_wait3A_358 = tpu.memref_slice %arg4[%dma_wait3A_356, %dma_wait3A_357] : memref<100000x32xf32, #tpu.memory_space<hbm>> -> memref<100000x32xf32, #tpu.memory_space<hbm>>
    tpu.wait_indirect_dma semaphore(%arg12 : memref<!tpu.dma_semaphore, #tpu.memory_space<semaphore_mem>>) src(%dma_wait3A_358 : memref<100000x32xf32, #tpu.memory_space<hbm>>) dst(%dma_wait3A_352 : memref<128x32xf32, #tpu.memory_space<vmem>>)
    %dma_wait3A_359 = arith.constant 16 : i32
    %dma_wait3A_360 = arith.constant 2048 : i32
    %dma_wait3A_361 = arith.constant 0 : i32
    %dma_wait3A_362 = tpu.memref_slice %arg9[%dma_wait3A_360, %dma_wait3A_361] : memref<2560x32xf32, #tpu.memory_space<vmem>> -> memref<128x32xf32, #tpu.memory_space<vmem>>
    %dma_wait3A_363 = arith.constant 0 : i32
    %dma_wait3A_364 = tpu.memref_slice %arg7[%dma_wait3A_359, %dma_wait3A_363] : memref<20x128xi32, #tpu.memory_space<vmem>> -> memref<1x128xi32, #tpu.memory_space<vmem>>
    %dma_wait3A_365 = tpu.memref_squeeze %dma_wait3A_364 : memref<1x128xi32, #tpu.memory_space<vmem>> -> memref<128xi32, #tpu.memory_space<vmem>>
    %dma_wait3A_366 = arith.constant 0 : i32
    %dma_wait3A_367 = arith.constant 0 : i32
    %dma_wait3A_368 = tpu.memref_slice %arg4[%dma_wait3A_366, %dma_wait3A_367] : memref<100000x32xf32, #tpu.memory_space<hbm>> -> memref<100000x32xf32, #tpu.memory_space<hbm>>
    tpu.wait_indirect_dma semaphore(%arg12 : memref<!tpu.dma_semaphore, #tpu.memory_space<semaphore_mem>>) src(%dma_wait3A_368 : memref<100000x32xf32, #tpu.memory_space<hbm>>) dst(%dma_wait3A_362 : memref<128x32xf32, #tpu.memory_space<vmem>>)
    %dma_wait3A_369 = arith.constant 17 : i32
    %dma_wait3A_370 = arith.constant 2176 : i32
    %dma_wait3A_371 = arith.constant 0 : i32
    %dma_wait3A_372 = tpu.memref_slice %arg9[%dma_wait3A_370, %dma_wait3A_371] : memref<2560x32xf32, #tpu.memory_space<vmem>> -> memref<128x32xf32, #tpu.memory_space<vmem>>
    %dma_wait3A_373 = arith.constant 0 : i32
    %dma_wait3A_374 = tpu.memref_slice %arg7[%dma_wait3A_369, %dma_wait3A_373] : memref<20x128xi32, #tpu.memory_space<vmem>> -> memref<1x128xi32, #tpu.memory_space<vmem>>
    %dma_wait3A_375 = tpu.memref_squeeze %dma_wait3A_374 : memref<1x128xi32, #tpu.memory_space<vmem>> -> memref<128xi32, #tpu.memory_space<vmem>>
    %dma_wait3A_376 = arith.constant 0 : i32
    %dma_wait3A_377 = arith.constant 0 : i32
    %dma_wait3A_378 = tpu.memref_slice %arg4[%dma_wait3A_376, %dma_wait3A_377] : memref<100000x32xf32, #tpu.memory_space<hbm>> -> memref<100000x32xf32, #tpu.memory_space<hbm>>
    tpu.wait_indirect_dma semaphore(%arg12 : memref<!tpu.dma_semaphore, #tpu.memory_space<semaphore_mem>>) src(%dma_wait3A_378 : memref<100000x32xf32, #tpu.memory_space<hbm>>) dst(%dma_wait3A_372 : memref<128x32xf32, #tpu.memory_space<vmem>>)
    %dma_wait3A_379 = arith.constant 18 : i32
    %dma_wait3A_380 = arith.constant 2304 : i32
    %dma_wait3A_381 = arith.constant 0 : i32
    %dma_wait3A_382 = tpu.memref_slice %arg9[%dma_wait3A_380, %dma_wait3A_381] : memref<2560x32xf32, #tpu.memory_space<vmem>> -> memref<128x32xf32, #tpu.memory_space<vmem>>
    %dma_wait3A_383 = arith.constant 0 : i32
    %dma_wait3A_384 = tpu.memref_slice %arg7[%dma_wait3A_379, %dma_wait3A_383] : memref<20x128xi32, #tpu.memory_space<vmem>> -> memref<1x128xi32, #tpu.memory_space<vmem>>
    %dma_wait3A_385 = tpu.memref_squeeze %dma_wait3A_384 : memref<1x128xi32, #tpu.memory_space<vmem>> -> memref<128xi32, #tpu.memory_space<vmem>>
    %dma_wait3A_386 = arith.constant 0 : i32
    %dma_wait3A_387 = arith.constant 0 : i32
    %dma_wait3A_388 = tpu.memref_slice %arg4[%dma_wait3A_386, %dma_wait3A_387] : memref<100000x32xf32, #tpu.memory_space<hbm>> -> memref<100000x32xf32, #tpu.memory_space<hbm>>
    tpu.wait_indirect_dma semaphore(%arg12 : memref<!tpu.dma_semaphore, #tpu.memory_space<semaphore_mem>>) src(%dma_wait3A_388 : memref<100000x32xf32, #tpu.memory_space<hbm>>) dst(%dma_wait3A_382 : memref<128x32xf32, #tpu.memory_space<vmem>>)
    %dma_wait3A_389 = arith.constant 19 : i32
    %dma_wait3A_390 = arith.constant 2432 : i32
    %dma_wait3A_391 = arith.constant 0 : i32
    %dma_wait3A_392 = tpu.memref_slice %arg9[%dma_wait3A_390, %dma_wait3A_391] : memref<2560x32xf32, #tpu.memory_space<vmem>> -> memref<128x32xf32, #tpu.memory_space<vmem>>
    %dma_wait3A_393 = arith.constant 0 : i32
    %dma_wait3A_394 = tpu.memref_slice %arg7[%dma_wait3A_389, %dma_wait3A_393] : memref<20x128xi32, #tpu.memory_space<vmem>> -> memref<1x128xi32, #tpu.memory_space<vmem>>
    %dma_wait3A_395 = tpu.memref_squeeze %dma_wait3A_394 : memref<1x128xi32, #tpu.memory_space<vmem>> -> memref<128xi32, #tpu.memory_space<vmem>>
    %dma_wait3A_396 = arith.constant 0 : i32
    %dma_wait3A_397 = arith.constant 0 : i32
    %dma_wait3A_398 = tpu.memref_slice %arg4[%dma_wait3A_396, %dma_wait3A_397] : memref<100000x32xf32, #tpu.memory_space<hbm>> -> memref<100000x32xf32, #tpu.memory_space<hbm>>
    tpu.wait_indirect_dma semaphore(%arg12 : memref<!tpu.dma_semaphore, #tpu.memory_space<semaphore_mem>>) src(%dma_wait3A_398 : memref<100000x32xf32, #tpu.memory_space<hbm>>) dst(%dma_wait3A_392 : memref<128x32xf32, #tpu.memory_space<vmem>>)
    %broadcast_in_dim3A = arith.constant 0.000000e+00 : f32
    %broadcast_in_dim3A_399 = vector.broadcast %broadcast_in_dim3A : f32 to vector<16xf32>
    %iota3A = tpu.iota {dimensions = array<i32: 0>} : vector<16xi32>
    %scan3A = arith.constant 0 : i32
    %scan3A_400 = arith.constant 128 : i32
    %scan3A_401 = arith.addi %scan3A, %scan3A_400 : i32
    %scan3A_402 = arith.constant 1 : i32
    %scan3A_403:2 = scf.for %scan3A_414 = %scan3A to %scan3A_401 step %scan3A_402 iter_args(%scan3A_415 = %broadcast_in_dim3A_399, %scan3A_416 = %broadcast_in_dim3A_399) -> (vector<16xf32>, vector<16xf32>)  : i32 {
      %get3A = arith.index_cast %scan3A_414 : i32 to index
      %get3A_417 = arith.constant 0 : index
      %get3A_418 = tpu.vector_load %arg8[%get3A, %get3A_417] {strides = array<i32>} : memref<128x32xf32, #tpu.memory_space<vmem>>, vector<16xf32>,
      %get3A_419 = arith.index_cast %scan3A_414 : i32 to index
      %get3A_420 = arith.constant 16 : index
      %get3A_421 = tpu.vector_load %arg8[%get3A_419, %get3A_420] {strides = array<i32>} : memref<128x32xf32, #tpu.memory_space<vmem>>, vector<16xf32>,
      %mul3A_422 = arith.mulf %get3A_418, %get3A_418 : vector<16xf32>
      %add3A_423 = arith.addf %scan3A_415, %mul3A_422 : vector<16xf32>
      %mul3A_424 = arith.mulf %get3A_421, %get3A_421 : vector<16xf32>
      %add3A_425 = arith.addf %add3A_423, %mul3A_424 : vector<16xf32>
      %mul3A_426 = arith.constant 20 : i32
      %mul3A_427 = arith.muli %scan3A_414, %mul3A_426 : i32
      %add3A_428 = arith.constant 0 : i32
      %add3A_429 = arith.addi %mul3A_427, %add3A_428 : i32
      %get3A_430 = arith.index_cast %add3A_429 : i32 to index
      %get3A_431 = arith.constant 0 : index
      %get3A_432 = tpu.vector_load %arg9[%get3A_430, %get3A_431] {strides = array<i32>} : memref<2560x32xf32, #tpu.memory_space<vmem>>, vector<16xf32>,
      %add3A_433 = arith.constant 0 : i32
      %add3A_434 = arith.addi %mul3A_427, %add3A_433 : i32
      %get3A_435 = arith.index_cast %add3A_434 : i32 to index
      %get3A_436 = arith.constant 16 : index
      %get3A_437 = tpu.vector_load %arg9[%get3A_435, %get3A_436] {strides = array<i32>} : memref<2560x32xf32, #tpu.memory_space<vmem>>, vector<16xf32>,
      %mul3A_438 = arith.mulf %get3A_432, %get3A_432 : vector<16xf32>
      %add3A_439 = arith.addf %scan3A_416, %mul3A_438 : vector<16xf32>
      %mul3A_440 = arith.mulf %get3A_437, %get3A_437 : vector<16xf32>
      %add3A_441 = arith.addf %add3A_439, %mul3A_440 : vector<16xf32>
      %mul3A_442 = arith.mulf %get3A_432, %get3A_418 : vector<16xf32>
      %mul3A_443 = arith.mulf %get3A_437, %get3A_421 : vector<16xf32>
      %add3A_444 = arith.addf %mul3A_442, %mul3A_443 : vector<16xf32>
      %reduce_sum3A = arith.constant true
      %reduce_sum3A_445 = vector.broadcast %reduce_sum3A : i1 to vector<16xi1>
      %reduce_sum3A_446 = tpu.scan <sum>, %add3A_444 masked %reduce_sum3A_445 : vector<16xf32>, vector<16xi1> -> vector<16xf32>
      %reduce_sum3A_447 = vector.extract %reduce_sum3A_446[15] : f32 from vector<16xf32>
      %eq3A = arith.constant 0 : i32
      %eq3A_448 = vector.broadcast %eq3A : i32 to vector<16xi32>
      %eq3A_449 = arith.cmpi eq, %iota3A, %eq3A_448 : vector<16xi32>
      %broadcast_in_dim3A_450 = vector.broadcast %reduce_sum3A_447 : f32 to vector<16xf32>
      %select_n3A = arith.select %eq3A_449, %broadcast_in_dim3A_450, %broadcast_in_dim3A_399 : vector<16xi1>, vector<16xf32>
      %add3A_451 = arith.constant 1 : i32
      %add3A_452 = arith.addi %mul3A_427, %add3A_451 : i32
      %get3A_453 = arith.index_cast %add3A_452 : i32 to index
      %get3A_454 = arith.constant 0 : index
      %get3A_455 = tpu.vector_load %arg9[%get3A_453, %get3A_454] {strides = array<i32>} : memref<2560x32xf32, #tpu.memory_space<vmem>>, vector<16xf32>,
      %add3A_456 = arith.constant 1 : i32
      %add3A_457 = arith.addi %mul3A_427, %add3A_456 : i32
      %get3A_458 = arith.index_cast %add3A_457 : i32 to index
      %get3A_459 = arith.constant 16 : index
      %get3A_460 = tpu.vector_load %arg9[%get3A_458, %get3A_459] {strides = array<i32>} : memref<2560x32xf32, #tpu.memory_space<vmem>>, vector<16xf32>,
      %mul3A_461 = arith.mulf %get3A_455, %get3A_455 : vector<16xf32>
      %add3A_462 = arith.addf %add3A_441, %mul3A_461 : vector<16xf32>
      %mul3A_463 = arith.mulf %get3A_460, %get3A_460 : vector<16xf32>
      %add3A_464 = arith.addf %add3A_462, %mul3A_463 : vector<16xf32>
      %mul3A_465 = arith.mulf %get3A_455, %get3A_418 : vector<16xf32>
      %mul3A_466 = arith.mulf %get3A_460, %get3A_421 : vector<16xf32>
      %add3A_467 = arith.addf %mul3A_465, %mul3A_466 : vector<16xf32>
      %reduce_sum3A_468 = arith.constant true
      %reduce_sum3A_469 = vector.broadcast %reduce_sum3A_468 : i1 to vector<16xi1>
      %reduce_sum3A_470 = tpu.scan <sum>, %add3A_467 masked %reduce_sum3A_469 : vector<16xf32>, vector<16xi1> -> vector<16xf32>
      %reduce_sum3A_471 = vector.extract %reduce_sum3A_470[15] : f32 from vector<16xf32>
      %eq3A_472 = arith.constant 1 : i32
      %eq3A_473 = vector.broadcast %eq3A_472 : i32 to vector<16xi32>
      %eq3A_474 = arith.cmpi eq, %iota3A, %eq3A_473 : vector<16xi32>
      %broadcast_in_dim3A_475 = vector.broadcast %reduce_sum3A_471 : f32 to vector<16xf32>
      %select_n3A_476 = arith.select %eq3A_474, %broadcast_in_dim3A_475, %select_n3A : vector<16xi1>, vector<16xf32>
      %add3A_477 = arith.constant 2 : i32
      %add3A_478 = arith.addi %mul3A_427, %add3A_477 : i32
      %get3A_479 = arith.index_cast %add3A_478 : i32 to index
      %get3A_480 = arith.constant 0 : index
      %get3A_481 = tpu.vector_load %arg9[%get3A_479, %get3A_480] {strides = array<i32>} : memref<2560x32xf32, #tpu.memory_space<vmem>>, vector<16xf32>,
      %add3A_482 = arith.constant 2 : i32
      %add3A_483 = arith.addi %mul3A_427, %add3A_482 : i32
      %get3A_484 = arith.index_cast %add3A_483 : i32 to index
      %get3A_485 = arith.constant 16 : index
      %get3A_486 = tpu.vector_load %arg9[%get3A_484, %get3A_485] {strides = array<i32>} : memref<2560x32xf32, #tpu.memory_space<vmem>>, vector<16xf32>,
      %mul3A_487 = arith.mulf %get3A_481, %get3A_481 : vector<16xf32>
      %add3A_488 = arith.addf %add3A_464, %mul3A_487 : vector<16xf32>
      %mul3A_489 = arith.mulf %get3A_486, %get3A_486 : vector<16xf32>
      %add3A_490 = arith.addf %add3A_488, %mul3A_489 : vector<16xf32>
      %mul3A_491 = arith.mulf %get3A_481, %get3A_418 : vector<16xf32>
      %mul3A_492 = arith.mulf %get3A_486, %get3A_421 : vector<16xf32>
      %add3A_493 = arith.addf %mul3A_491, %mul3A_492 : vector<16xf32>
      %reduce_sum3A_494 = arith.constant true
      %reduce_sum3A_495 = vector.broadcast %reduce_sum3A_494 : i1 to vector<16xi1>
      %reduce_sum3A_496 = tpu.scan <sum>, %add3A_493 masked %reduce_sum3A_495 : vector<16xf32>, vector<16xi1> -> vector<16xf32>
      %reduce_sum3A_497 = vector.extract %reduce_sum3A_496[15] : f32 from vector<16xf32>
      %eq3A_498 = arith.constant 2 : i32
      %eq3A_499 = vector.broadcast %eq3A_498 : i32 to vector<16xi32>
      %eq3A_500 = arith.cmpi eq, %iota3A, %eq3A_499 : vector<16xi32>
      %broadcast_in_dim3A_501 = vector.broadcast %reduce_sum3A_497 : f32 to vector<16xf32>
      %select_n3A_502 = arith.select %eq3A_500, %broadcast_in_dim3A_501, %select_n3A_476 : vector<16xi1>, vector<16xf32>
      %add3A_503 = arith.constant 3 : i32
      %add3A_504 = arith.addi %mul3A_427, %add3A_503 : i32
      %get3A_505 = arith.index_cast %add3A_504 : i32 to index
      %get3A_506 = arith.constant 0 : index
      %get3A_507 = tpu.vector_load %arg9[%get3A_505, %get3A_506] {strides = array<i32>} : memref<2560x32xf32, #tpu.memory_space<vmem>>, vector<16xf32>,
      %add3A_508 = arith.constant 3 : i32
      %add3A_509 = arith.addi %mul3A_427, %add3A_508 : i32
      %get3A_510 = arith.index_cast %add3A_509 : i32 to index
      %get3A_511 = arith.constant 16 : index
      %get3A_512 = tpu.vector_load %arg9[%get3A_510, %get3A_511] {strides = array<i32>} : memref<2560x32xf32, #tpu.memory_space<vmem>>, vector<16xf32>,
      %mul3A_513 = arith.mulf %get3A_507, %get3A_507 : vector<16xf32>
      %add3A_514 = arith.addf %add3A_490, %mul3A_513 : vector<16xf32>
      %mul3A_515 = arith.mulf %get3A_512, %get3A_512 : vector<16xf32>
      %add3A_516 = arith.addf %add3A_514, %mul3A_515 : vector<16xf32>
      %mul3A_517 = arith.mulf %get3A_507, %get3A_418 : vector<16xf32>
      %mul3A_518 = arith.mulf %get3A_512, %get3A_421 : vector<16xf32>
      %add3A_519 = arith.addf %mul3A_517, %mul3A_518 : vector<16xf32>
      %reduce_sum3A_520 = arith.constant true
      %reduce_sum3A_521 = vector.broadcast %reduce_sum3A_520 : i1 to vector<16xi1>
      %reduce_sum3A_522 = tpu.scan <sum>, %add3A_519 masked %reduce_sum3A_521 : vector<16xf32>, vector<16xi1> -> vector<16xf32>
      %reduce_sum3A_523 = vector.extract %reduce_sum3A_522[15] : f32 from vector<16xf32>
      %eq3A_524 = arith.constant 3 : i32
      %eq3A_525 = vector.broadcast %eq3A_524 : i32 to vector<16xi32>
      %eq3A_526 = arith.cmpi eq, %iota3A, %eq3A_525 : vector<16xi32>
      %broadcast_in_dim3A_527 = vector.broadcast %reduce_sum3A_523 : f32 to vector<16xf32>
      %select_n3A_528 = arith.select %eq3A_526, %broadcast_in_dim3A_527, %select_n3A_502 : vector<16xi1>, vector<16xf32>
      %add3A_529 = arith.constant 4 : i32
      %add3A_530 = arith.addi %mul3A_427, %add3A_529 : i32
      %get3A_531 = arith.index_cast %add3A_530 : i32 to index
      %get3A_532 = arith.constant 0 : index
      %get3A_533 = tpu.vector_load %arg9[%get3A_531, %get3A_532] {strides = array<i32>} : memref<2560x32xf32, #tpu.memory_space<vmem>>, vector<16xf32>,
      %add3A_534 = arith.constant 4 : i32
      %add3A_535 = arith.addi %mul3A_427, %add3A_534 : i32
      %get3A_536 = arith.index_cast %add3A_535 : i32 to index
      %get3A_537 = arith.constant 16 : index
      %get3A_538 = tpu.vector_load %arg9[%get3A_536, %get3A_537] {strides = array<i32>} : memref<2560x32xf32, #tpu.memory_space<vmem>>, vector<16xf32>,
      %mul3A_539 = arith.mulf %get3A_533, %get3A_533 : vector<16xf32>
      %add3A_540 = arith.addf %add3A_516, %mul3A_539 : vector<16xf32>
      %mul3A_541 = arith.mulf %get3A_538, %get3A_538 : vector<16xf32>
      %add3A_542 = arith.addf %add3A_540, %mul3A_541 : vector<16xf32>
      %mul3A_543 = arith.mulf %get3A_533, %get3A_418 : vector<16xf32>
      %mul3A_544 = arith.mulf %get3A_538, %get3A_421 : vector<16xf32>
      %add3A_545 = arith.addf %mul3A_543, %mul3A_544 : vector<16xf32>
      %reduce_sum3A_546 = arith.constant true
      %reduce_sum3A_547 = vector.broadcast %reduce_sum3A_546 : i1 to vector<16xi1>
      %reduce_sum3A_548 = tpu.scan <sum>, %add3A_545 masked %reduce_sum3A_547 : vector<16xf32>, vector<16xi1> -> vector<16xf32>
      %reduce_sum3A_549 = vector.extract %reduce_sum3A_548[15] : f32 from vector<16xf32>
      %eq3A_550 = arith.constant 4 : i32
      %eq3A_551 = vector.broadcast %eq3A_550 : i32 to vector<16xi32>
      %eq3A_552 = arith.cmpi eq, %iota3A, %eq3A_551 : vector<16xi32>
      %broadcast_in_dim3A_553 = vector.broadcast %reduce_sum3A_549 : f32 to vector<16xf32>
      %select_n3A_554 = arith.select %eq3A_552, %broadcast_in_dim3A_553, %select_n3A_528 : vector<16xi1>, vector<16xf32>
      %add3A_555 = arith.constant 5 : i32
      %add3A_556 = arith.addi %mul3A_427, %add3A_555 : i32
      %get3A_557 = arith.index_cast %add3A_556 : i32 to index
      %get3A_558 = arith.constant 0 : index
      %get3A_559 = tpu.vector_load %arg9[%get3A_557, %get3A_558] {strides = array<i32>} : memref<2560x32xf32, #tpu.memory_space<vmem>>, vector<16xf32>,
      %add3A_560 = arith.constant 5 : i32
      %add3A_561 = arith.addi %mul3A_427, %add3A_560 : i32
      %get3A_562 = arith.index_cast %add3A_561 : i32 to index
      %get3A_563 = arith.constant 16 : index
      %get3A_564 = tpu.vector_load %arg9[%get3A_562, %get3A_563] {strides = array<i32>} : memref<2560x32xf32, #tpu.memory_space<vmem>>, vector<16xf32>,
      %mul3A_565 = arith.mulf %get3A_559, %get3A_559 : vector<16xf32>
      %add3A_566 = arith.addf %add3A_542, %mul3A_565 : vector<16xf32>
      %mul3A_567 = arith.mulf %get3A_564, %get3A_564 : vector<16xf32>
      %add3A_568 = arith.addf %add3A_566, %mul3A_567 : vector<16xf32>
      %mul3A_569 = arith.mulf %get3A_559, %get3A_418 : vector<16xf32>
      %mul3A_570 = arith.mulf %get3A_564, %get3A_421 : vector<16xf32>
      %add3A_571 = arith.addf %mul3A_569, %mul3A_570 : vector<16xf32>
      %reduce_sum3A_572 = arith.constant true
      %reduce_sum3A_573 = vector.broadcast %reduce_sum3A_572 : i1 to vector<16xi1>
      %reduce_sum3A_574 = tpu.scan <sum>, %add3A_571 masked %reduce_sum3A_573 : vector<16xf32>, vector<16xi1> -> vector<16xf32>
      %reduce_sum3A_575 = vector.extract %reduce_sum3A_574[15] : f32 from vector<16xf32>
      %eq3A_576 = arith.constant 5 : i32
      %eq3A_577 = vector.broadcast %eq3A_576 : i32 to vector<16xi32>
      %eq3A_578 = arith.cmpi eq, %iota3A, %eq3A_577 : vector<16xi32>
      %broadcast_in_dim3A_579 = vector.broadcast %reduce_sum3A_575 : f32 to vector<16xf32>
      %select_n3A_580 = arith.select %eq3A_578, %broadcast_in_dim3A_579, %select_n3A_554 : vector<16xi1>, vector<16xf32>
      %add3A_581 = arith.constant 6 : i32
      %add3A_582 = arith.addi %mul3A_427, %add3A_581 : i32
      %get3A_583 = arith.index_cast %add3A_582 : i32 to index
      %get3A_584 = arith.constant 0 : index
      %get3A_585 = tpu.vector_load %arg9[%get3A_583, %get3A_584] {strides = array<i32>} : memref<2560x32xf32, #tpu.memory_space<vmem>>, vector<16xf32>,
      %add3A_586 = arith.constant 6 : i32
      %add3A_587 = arith.addi %mul3A_427, %add3A_586 : i32
      %get3A_588 = arith.index_cast %add3A_587 : i32 to index
      %get3A_589 = arith.constant 16 : index
      %get3A_590 = tpu.vector_load %arg9[%get3A_588, %get3A_589] {strides = array<i32>} : memref<2560x32xf32, #tpu.memory_space<vmem>>, vector<16xf32>,
      %mul3A_591 = arith.mulf %get3A_585, %get3A_585 : vector<16xf32>
      %add3A_592 = arith.addf %add3A_568, %mul3A_591 : vector<16xf32>
      %mul3A_593 = arith.mulf %get3A_590, %get3A_590 : vector<16xf32>
      %add3A_594 = arith.addf %add3A_592, %mul3A_593 : vector<16xf32>
      %mul3A_595 = arith.mulf %get3A_585, %get3A_418 : vector<16xf32>
      %mul3A_596 = arith.mulf %get3A_590, %get3A_421 : vector<16xf32>
      %add3A_597 = arith.addf %mul3A_595, %mul3A_596 : vector<16xf32>
      %reduce_sum3A_598 = arith.constant true
      %reduce_sum3A_599 = vector.broadcast %reduce_sum3A_598 : i1 to vector<16xi1>
      %reduce_sum3A_600 = tpu.scan <sum>, %add3A_597 masked %reduce_sum3A_599 : vector<16xf32>, vector<16xi1> -> vector<16xf32>
      %reduce_sum3A_601 = vector.extract %reduce_sum3A_600[15] : f32 from vector<16xf32>
      %eq3A_602 = arith.constant 6 : i32
      %eq3A_603 = vector.broadcast %eq3A_602 : i32 to vector<16xi32>
      %eq3A_604 = arith.cmpi eq, %iota3A, %eq3A_603 : vector<16xi32>
      %broadcast_in_dim3A_605 = vector.broadcast %reduce_sum3A_601 : f32 to vector<16xf32>
      %select_n3A_606 = arith.select %eq3A_604, %broadcast_in_dim3A_605, %select_n3A_580 : vector<16xi1>, vector<16xf32>
      %add3A_607 = arith.constant 7 : i32
      %add3A_608 = arith.addi %mul3A_427, %add3A_607 : i32
      %get3A_609 = arith.index_cast %add3A_608 : i32 to index
      %get3A_610 = arith.constant 0 : index
      %get3A_611 = tpu.vector_load %arg9[%get3A_609, %get3A_610] {strides = array<i32>} : memref<2560x32xf32, #tpu.memory_space<vmem>>, vector<16xf32>,
      %add3A_612 = arith.constant 7 : i32
      %add3A_613 = arith.addi %mul3A_427, %add3A_612 : i32
      %get3A_614 = arith.index_cast %add3A_613 : i32 to index
      %get3A_615 = arith.constant 16 : index
      %get3A_616 = tpu.vector_load %arg9[%get3A_614, %get3A_615] {strides = array<i32>} : memref<2560x32xf32, #tpu.memory_space<vmem>>, vector<16xf32>,
      %mul3A_617 = arith.mulf %get3A_611, %get3A_611 : vector<16xf32>
      %add3A_618 = arith.addf %add3A_594, %mul3A_617 : vector<16xf32>
      %mul3A_619 = arith.mulf %get3A_616, %get3A_616 : vector<16xf32>
      %add3A_620 = arith.addf %add3A_618, %mul3A_619 : vector<16xf32>
      %mul3A_621 = arith.mulf %get3A_611, %get3A_418 : vector<16xf32>
      %mul3A_622 = arith.mulf %get3A_616, %get3A_421 : vector<16xf32>
      %add3A_623 = arith.addf %mul3A_621, %mul3A_622 : vector<16xf32>
      %reduce_sum3A_624 = arith.constant true
      %reduce_sum3A_625 = vector.broadcast %reduce_sum3A_624 : i1 to vector<16xi1>
      %reduce_sum3A_626 = tpu.scan <sum>, %add3A_623 masked %reduce_sum3A_625 : vector<16xf32>, vector<16xi1> -> vector<16xf32>
      %reduce_sum3A_627 = vector.extract %reduce_sum3A_626[15] : f32 from vector<16xf32>
      %eq3A_628 = arith.constant 7 : i32
      %eq3A_629 = vector.broadcast %eq3A_628 : i32 to vector<16xi32>
      %eq3A_630 = arith.cmpi eq, %iota3A, %eq3A_629 : vector<16xi32>
      %broadcast_in_dim3A_631 = vector.broadcast %reduce_sum3A_627 : f32 to vector<16xf32>
      %select_n3A_632 = arith.select %eq3A_630, %broadcast_in_dim3A_631, %select_n3A_606 : vector<16xi1>, vector<16xf32>
      %add3A_633 = arith.constant 8 : i32
      %add3A_634 = arith.addi %mul3A_427, %add3A_633 : i32
      %get3A_635 = arith.index_cast %add3A_634 : i32 to index
      %get3A_636 = arith.constant 0 : index
      %get3A_637 = tpu.vector_load %arg9[%get3A_635, %get3A_636] {strides = array<i32>} : memref<2560x32xf32, #tpu.memory_space<vmem>>, vector<16xf32>,
      %add3A_638 = arith.constant 8 : i32
      %add3A_639 = arith.addi %mul3A_427, %add3A_638 : i32
      %get3A_640 = arith.index_cast %add3A_639 : i32 to index
      %get3A_641 = arith.constant 16 : index
      %get3A_642 = tpu.vector_load %arg9[%get3A_640, %get3A_641] {strides = array<i32>} : memref<2560x32xf32, #tpu.memory_space<vmem>>, vector<16xf32>,
      %mul3A_643 = arith.mulf %get3A_637, %get3A_637 : vector<16xf32>
      %add3A_644 = arith.addf %add3A_620, %mul3A_643 : vector<16xf32>
      %mul3A_645 = arith.mulf %get3A_642, %get3A_642 : vector<16xf32>
      %add3A_646 = arith.addf %add3A_644, %mul3A_645 : vector<16xf32>
      %mul3A_647 = arith.mulf %get3A_637, %get3A_418 : vector<16xf32>
      %mul3A_648 = arith.mulf %get3A_642, %get3A_421 : vector<16xf32>
      %add3A_649 = arith.addf %mul3A_647, %mul3A_648 : vector<16xf32>
      %reduce_sum3A_650 = arith.constant true
      %reduce_sum3A_651 = vector.broadcast %reduce_sum3A_650 : i1 to vector<16xi1>
      %reduce_sum3A_652 = tpu.scan <sum>, %add3A_649 masked %reduce_sum3A_651 : vector<16xf32>, vector<16xi1> -> vector<16xf32>
      %reduce_sum3A_653 = vector.extract %reduce_sum3A_652[15] : f32 from vector<16xf32>
      %eq3A_654 = arith.constant 8 : i32
      %eq3A_655 = vector.broadcast %eq3A_654 : i32 to vector<16xi32>
      %eq3A_656 = arith.cmpi eq, %iota3A, %eq3A_655 : vector<16xi32>
      %broadcast_in_dim3A_657 = vector.broadcast %reduce_sum3A_653 : f32 to vector<16xf32>
      %select_n3A_658 = arith.select %eq3A_656, %broadcast_in_dim3A_657, %select_n3A_632 : vector<16xi1>, vector<16xf32>
      %add3A_659 = arith.constant 9 : i32
      %add3A_660 = arith.addi %mul3A_427, %add3A_659 : i32
      %get3A_661 = arith.index_cast %add3A_660 : i32 to index
      %get3A_662 = arith.constant 0 : index
      %get3A_663 = tpu.vector_load %arg9[%get3A_661, %get3A_662] {strides = array<i32>} : memref<2560x32xf32, #tpu.memory_space<vmem>>, vector<16xf32>,
      %add3A_664 = arith.constant 9 : i32
      %add3A_665 = arith.addi %mul3A_427, %add3A_664 : i32
      %get3A_666 = arith.index_cast %add3A_665 : i32 to index
      %get3A_667 = arith.constant 16 : index
      %get3A_668 = tpu.vector_load %arg9[%get3A_666, %get3A_667] {strides = array<i32>} : memref<2560x32xf32, #tpu.memory_space<vmem>>, vector<16xf32>,
      %mul3A_669 = arith.mulf %get3A_663, %get3A_663 : vector<16xf32>
      %add3A_670 = arith.addf %add3A_646, %mul3A_669 : vector<16xf32>
      %mul3A_671 = arith.mulf %get3A_668, %get3A_668 : vector<16xf32>
      %add3A_672 = arith.addf %add3A_670, %mul3A_671 : vector<16xf32>
      %mul3A_673 = arith.mulf %get3A_663, %get3A_418 : vector<16xf32>
      %mul3A_674 = arith.mulf %get3A_668, %get3A_421 : vector<16xf32>
      %add3A_675 = arith.addf %mul3A_673, %mul3A_674 : vector<16xf32>
      %reduce_sum3A_676 = arith.constant true
      %reduce_sum3A_677 = vector.broadcast %reduce_sum3A_676 : i1 to vector<16xi1>
      %reduce_sum3A_678 = tpu.scan <sum>, %add3A_675 masked %reduce_sum3A_677 : vector<16xf32>, vector<16xi1> -> vector<16xf32>
      %reduce_sum3A_679 = vector.extract %reduce_sum3A_678[15] : f32 from vector<16xf32>
      %eq3A_680 = arith.constant 9 : i32
      %eq3A_681 = vector.broadcast %eq3A_680 : i32 to vector<16xi32>
      %eq3A_682 = arith.cmpi eq, %iota3A, %eq3A_681 : vector<16xi32>
      %broadcast_in_dim3A_683 = vector.broadcast %reduce_sum3A_679 : f32 to vector<16xf32>
      %select_n3A_684 = arith.select %eq3A_682, %broadcast_in_dim3A_683, %select_n3A_658 : vector<16xi1>, vector<16xf32>
      %add3A_685 = arith.constant 10 : i32
      %add3A_686 = arith.addi %mul3A_427, %add3A_685 : i32
      %get3A_687 = arith.index_cast %add3A_686 : i32 to index
      %get3A_688 = arith.constant 0 : index
      %get3A_689 = tpu.vector_load %arg9[%get3A_687, %get3A_688] {strides = array<i32>} : memref<2560x32xf32, #tpu.memory_space<vmem>>, vector<16xf32>,
      %add3A_690 = arith.constant 10 : i32
      %add3A_691 = arith.addi %mul3A_427, %add3A_690 : i32
      %get3A_692 = arith.index_cast %add3A_691 : i32 to index
      %get3A_693 = arith.constant 16 : index
      %get3A_694 = tpu.vector_load %arg9[%get3A_692, %get3A_693] {strides = array<i32>} : memref<2560x32xf32, #tpu.memory_space<vmem>>, vector<16xf32>,
      %mul3A_695 = arith.mulf %get3A_689, %get3A_689 : vector<16xf32>
      %add3A_696 = arith.addf %add3A_672, %mul3A_695 : vector<16xf32>
      %mul3A_697 = arith.mulf %get3A_694, %get3A_694 : vector<16xf32>
      %add3A_698 = arith.addf %add3A_696, %mul3A_697 : vector<16xf32>
      %mul3A_699 = arith.mulf %get3A_689, %get3A_418 : vector<16xf32>
      %mul3A_700 = arith.mulf %get3A_694, %get3A_421 : vector<16xf32>
      %add3A_701 = arith.addf %mul3A_699, %mul3A_700 : vector<16xf32>
      %reduce_sum3A_702 = arith.constant true
      %reduce_sum3A_703 = vector.broadcast %reduce_sum3A_702 : i1 to vector<16xi1>
      %reduce_sum3A_704 = tpu.scan <sum>, %add3A_701 masked %reduce_sum3A_703 : vector<16xf32>, vector<16xi1> -> vector<16xf32>
      %reduce_sum3A_705 = vector.extract %reduce_sum3A_704[15] : f32 from vector<16xf32>
      %eq3A_706 = arith.constant 10 : i32
      %eq3A_707 = vector.broadcast %eq3A_706 : i32 to vector<16xi32>
      %eq3A_708 = arith.cmpi eq, %iota3A, %eq3A_707 : vector<16xi32>
      %broadcast_in_dim3A_709 = vector.broadcast %reduce_sum3A_705 : f32 to vector<16xf32>
      %select_n3A_710 = arith.select %eq3A_708, %broadcast_in_dim3A_709, %select_n3A_684 : vector<16xi1>, vector<16xf32>
      %add3A_711 = arith.constant 11 : i32
      %add3A_712 = arith.addi %mul3A_427, %add3A_711 : i32
      %get3A_713 = arith.index_cast %add3A_712 : i32 to index
      %get3A_714 = arith.constant 0 : index
      %get3A_715 = tpu.vector_load %arg9[%get3A_713, %get3A_714] {strides = array<i32>} : memref<2560x32xf32, #tpu.memory_space<vmem>>, vector<16xf32>,
      %add3A_716 = arith.constant 11 : i32
      %add3A_717 = arith.addi %mul3A_427, %add3A_716 : i32
      %get3A_718 = arith.index_cast %add3A_717 : i32 to index
      %get3A_719 = arith.constant 16 : index
      %get3A_720 = tpu.vector_load %arg9[%get3A_718, %get3A_719] {strides = array<i32>} : memref<2560x32xf32, #tpu.memory_space<vmem>>, vector<16xf32>,
      %mul3A_721 = arith.mulf %get3A_715, %get3A_715 : vector<16xf32>
      %add3A_722 = arith.addf %add3A_698, %mul3A_721 : vector<16xf32>
      %mul3A_723 = arith.mulf %get3A_720, %get3A_720 : vector<16xf32>
      %add3A_724 = arith.addf %add3A_722, %mul3A_723 : vector<16xf32>
      %mul3A_725 = arith.mulf %get3A_715, %get3A_418 : vector<16xf32>
      %mul3A_726 = arith.mulf %get3A_720, %get3A_421 : vector<16xf32>
      %add3A_727 = arith.addf %mul3A_725, %mul3A_726 : vector<16xf32>
      %reduce_sum3A_728 = arith.constant true
      %reduce_sum3A_729 = vector.broadcast %reduce_sum3A_728 : i1 to vector<16xi1>
      %reduce_sum3A_730 = tpu.scan <sum>, %add3A_727 masked %reduce_sum3A_729 : vector<16xf32>, vector<16xi1> -> vector<16xf32>
      %reduce_sum3A_731 = vector.extract %reduce_sum3A_730[15] : f32 from vector<16xf32>
      %eq3A_732 = arith.constant 11 : i32
      %eq3A_733 = vector.broadcast %eq3A_732 : i32 to vector<16xi32>
      %eq3A_734 = arith.cmpi eq, %iota3A, %eq3A_733 : vector<16xi32>
      %broadcast_in_dim3A_735 = vector.broadcast %reduce_sum3A_731 : f32 to vector<16xf32>
      %select_n3A_736 = arith.select %eq3A_734, %broadcast_in_dim3A_735, %select_n3A_710 : vector<16xi1>, vector<16xf32>
      %add3A_737 = arith.constant 12 : i32
      %add3A_738 = arith.addi %mul3A_427, %add3A_737 : i32
      %get3A_739 = arith.index_cast %add3A_738 : i32 to index
      %get3A_740 = arith.constant 0 : index
      %get3A_741 = tpu.vector_load %arg9[%get3A_739, %get3A_740] {strides = array<i32>} : memref<2560x32xf32, #tpu.memory_space<vmem>>, vector<16xf32>,
      %add3A_742 = arith.constant 12 : i32
      %add3A_743 = arith.addi %mul3A_427, %add3A_742 : i32
      %get3A_744 = arith.index_cast %add3A_743 : i32 to index
      %get3A_745 = arith.constant 16 : index
      %get3A_746 = tpu.vector_load %arg9[%get3A_744, %get3A_745] {strides = array<i32>} : memref<2560x32xf32, #tpu.memory_space<vmem>>, vector<16xf32>,
      %mul3A_747 = arith.mulf %get3A_741, %get3A_741 : vector<16xf32>
      %add3A_748 = arith.addf %add3A_724, %mul3A_747 : vector<16xf32>
      %mul3A_749 = arith.mulf %get3A_746, %get3A_746 : vector<16xf32>
      %add3A_750 = arith.addf %add3A_748, %mul3A_749 : vector<16xf32>
      %mul3A_751 = arith.mulf %get3A_741, %get3A_418 : vector<16xf32>
      %mul3A_752 = arith.mulf %get3A_746, %get3A_421 : vector<16xf32>
      %add3A_753 = arith.addf %mul3A_751, %mul3A_752 : vector<16xf32>
      %reduce_sum3A_754 = arith.constant true
      %reduce_sum3A_755 = vector.broadcast %reduce_sum3A_754 : i1 to vector<16xi1>
      %reduce_sum3A_756 = tpu.scan <sum>, %add3A_753 masked %reduce_sum3A_755 : vector<16xf32>, vector<16xi1> -> vector<16xf32>
      %reduce_sum3A_757 = vector.extract %reduce_sum3A_756[15] : f32 from vector<16xf32>
      %eq3A_758 = arith.constant 12 : i32
      %eq3A_759 = vector.broadcast %eq3A_758 : i32 to vector<16xi32>
      %eq3A_760 = arith.cmpi eq, %iota3A, %eq3A_759 : vector<16xi32>
      %broadcast_in_dim3A_761 = vector.broadcast %reduce_sum3A_757 : f32 to vector<16xf32>
      %select_n3A_762 = arith.select %eq3A_760, %broadcast_in_dim3A_761, %select_n3A_736 : vector<16xi1>, vector<16xf32>
      %add3A_763 = arith.constant 13 : i32
      %add3A_764 = arith.addi %mul3A_427, %add3A_763 : i32
      %get3A_765 = arith.index_cast %add3A_764 : i32 to index
      %get3A_766 = arith.constant 0 : index
      %get3A_767 = tpu.vector_load %arg9[%get3A_765, %get3A_766] {strides = array<i32>} : memref<2560x32xf32, #tpu.memory_space<vmem>>, vector<16xf32>,
      %add3A_768 = arith.constant 13 : i32
      %add3A_769 = arith.addi %mul3A_427, %add3A_768 : i32
      %get3A_770 = arith.index_cast %add3A_769 : i32 to index
      %get3A_771 = arith.constant 16 : index
      %get3A_772 = tpu.vector_load %arg9[%get3A_770, %get3A_771] {strides = array<i32>} : memref<2560x32xf32, #tpu.memory_space<vmem>>, vector<16xf32>,
      %mul3A_773 = arith.mulf %get3A_767, %get3A_767 : vector<16xf32>
      %add3A_774 = arith.addf %add3A_750, %mul3A_773 : vector<16xf32>
      %mul3A_775 = arith.mulf %get3A_772, %get3A_772 : vector<16xf32>
      %add3A_776 = arith.addf %add3A_774, %mul3A_775 : vector<16xf32>
      %mul3A_777 = arith.mulf %get3A_767, %get3A_418 : vector<16xf32>
      %mul3A_778 = arith.mulf %get3A_772, %get3A_421 : vector<16xf32>
      %add3A_779 = arith.addf %mul3A_777, %mul3A_778 : vector<16xf32>
      %reduce_sum3A_780 = arith.constant true
      %reduce_sum3A_781 = vector.broadcast %reduce_sum3A_780 : i1 to vector<16xi1>
      %reduce_sum3A_782 = tpu.scan <sum>, %add3A_779 masked %reduce_sum3A_781 : vector<16xf32>, vector<16xi1> -> vector<16xf32>
      %reduce_sum3A_783 = vector.extract %reduce_sum3A_782[15] : f32 from vector<16xf32>
      %eq3A_784 = arith.constant 13 : i32
      %eq3A_785 = vector.broadcast %eq3A_784 : i32 to vector<16xi32>
      %eq3A_786 = arith.cmpi eq, %iota3A, %eq3A_785 : vector<16xi32>
      %broadcast_in_dim3A_787 = vector.broadcast %reduce_sum3A_783 : f32 to vector<16xf32>
      %select_n3A_788 = arith.select %eq3A_786, %broadcast_in_dim3A_787, %select_n3A_762 : vector<16xi1>, vector<16xf32>
      %add3A_789 = arith.constant 14 : i32
      %add3A_790 = arith.addi %mul3A_427, %add3A_789 : i32
      %get3A_791 = arith.index_cast %add3A_790 : i32 to index
      %get3A_792 = arith.constant 0 : index
      %get3A_793 = tpu.vector_load %arg9[%get3A_791, %get3A_792] {strides = array<i32>} : memref<2560x32xf32, #tpu.memory_space<vmem>>, vector<16xf32>,
      %add3A_794 = arith.constant 14 : i32
      %add3A_795 = arith.addi %mul3A_427, %add3A_794 : i32
      %get3A_796 = arith.index_cast %add3A_795 : i32 to index
      %get3A_797 = arith.constant 16 : index
      %get3A_798 = tpu.vector_load %arg9[%get3A_796, %get3A_797] {strides = array<i32>} : memref<2560x32xf32, #tpu.memory_space<vmem>>, vector<16xf32>,
      %mul3A_799 = arith.mulf %get3A_793, %get3A_793 : vector<16xf32>
      %add3A_800 = arith.addf %add3A_776, %mul3A_799 : vector<16xf32>
      %mul3A_801 = arith.mulf %get3A_798, %get3A_798 : vector<16xf32>
      %add3A_802 = arith.addf %add3A_800, %mul3A_801 : vector<16xf32>
      %mul3A_803 = arith.mulf %get3A_793, %get3A_418 : vector<16xf32>
      %mul3A_804 = arith.mulf %get3A_798, %get3A_421 : vector<16xf32>
      %add3A_805 = arith.addf %mul3A_803, %mul3A_804 : vector<16xf32>
      %reduce_sum3A_806 = arith.constant true
      %reduce_sum3A_807 = vector.broadcast %reduce_sum3A_806 : i1 to vector<16xi1>
      %reduce_sum3A_808 = tpu.scan <sum>, %add3A_805 masked %reduce_sum3A_807 : vector<16xf32>, vector<16xi1> -> vector<16xf32>
      %reduce_sum3A_809 = vector.extract %reduce_sum3A_808[15] : f32 from vector<16xf32>
      %eq3A_810 = arith.constant 14 : i32
      %eq3A_811 = vector.broadcast %eq3A_810 : i32 to vector<16xi32>
      %eq3A_812 = arith.cmpi eq, %iota3A, %eq3A_811 : vector<16xi32>
      %broadcast_in_dim3A_813 = vector.broadcast %reduce_sum3A_809 : f32 to vector<16xf32>
      %select_n3A_814 = arith.select %eq3A_812, %broadcast_in_dim3A_813, %select_n3A_788 : vector<16xi1>, vector<16xf32>
      %add3A_815 = arith.constant 15 : i32
      %add3A_816 = arith.addi %mul3A_427, %add3A_815 : i32
      %get3A_817 = arith.index_cast %add3A_816 : i32 to index
      %get3A_818 = arith.constant 0 : index
      %get3A_819 = tpu.vector_load %arg9[%get3A_817, %get3A_818] {strides = array<i32>} : memref<2560x32xf32, #tpu.memory_space<vmem>>, vector<16xf32>,
      %add3A_820 = arith.constant 15 : i32
      %add3A_821 = arith.addi %mul3A_427, %add3A_820 : i32
      %get3A_822 = arith.index_cast %add3A_821 : i32 to index
      %get3A_823 = arith.constant 16 : index
      %get3A_824 = tpu.vector_load %arg9[%get3A_822, %get3A_823] {strides = array<i32>} : memref<2560x32xf32, #tpu.memory_space<vmem>>, vector<16xf32>,
      %mul3A_825 = arith.mulf %get3A_819, %get3A_819 : vector<16xf32>
      %add3A_826 = arith.addf %add3A_802, %mul3A_825 : vector<16xf32>
      %mul3A_827 = arith.mulf %get3A_824, %get3A_824 : vector<16xf32>
      %add3A_828 = arith.addf %add3A_826, %mul3A_827 : vector<16xf32>
      %mul3A_829 = arith.mulf %get3A_819, %get3A_418 : vector<16xf32>
      %mul3A_830 = arith.mulf %get3A_824, %get3A_421 : vector<16xf32>
      %add3A_831 = arith.addf %mul3A_829, %mul3A_830 : vector<16xf32>
      %reduce_sum3A_832 = arith.constant true
      %reduce_sum3A_833 = vector.broadcast %reduce_sum3A_832 : i1 to vector<16xi1>
      %reduce_sum3A_834 = tpu.scan <sum>, %add3A_831 masked %reduce_sum3A_833 : vector<16xf32>, vector<16xi1> -> vector<16xf32>
      %reduce_sum3A_835 = vector.extract %reduce_sum3A_834[15] : f32 from vector<16xf32>
      %eq3A_836 = arith.constant 15 : i32
      %eq3A_837 = vector.broadcast %eq3A_836 : i32 to vector<16xi32>
      %eq3A_838 = arith.cmpi eq, %iota3A, %eq3A_837 : vector<16xi32>
      %broadcast_in_dim3A_839 = vector.broadcast %reduce_sum3A_835 : f32 to vector<16xf32>
      %select_n3A_840 = arith.select %eq3A_838, %broadcast_in_dim3A_839, %select_n3A_814 : vector<16xi1>, vector<16xf32>
      %add3A_841 = arith.constant 16 : i32
      %add3A_842 = arith.addi %mul3A_427, %add3A_841 : i32
      %get3A_843 = arith.index_cast %add3A_842 : i32 to index
      %get3A_844 = arith.constant 0 : index
      %get3A_845 = tpu.vector_load %arg9[%get3A_843, %get3A_844] {strides = array<i32>} : memref<2560x32xf32, #tpu.memory_space<vmem>>, vector<16xf32>,
      %add3A_846 = arith.constant 16 : i32
      %add3A_847 = arith.addi %mul3A_427, %add3A_846 : i32
      %get3A_848 = arith.index_cast %add3A_847 : i32 to index
      %get3A_849 = arith.constant 16 : index
      %get3A_850 = tpu.vector_load %arg9[%get3A_848, %get3A_849] {strides = array<i32>} : memref<2560x32xf32, #tpu.memory_space<vmem>>, vector<16xf32>,
      %mul3A_851 = arith.mulf %get3A_845, %get3A_845 : vector<16xf32>
      %add3A_852 = arith.addf %add3A_828, %mul3A_851 : vector<16xf32>
      %mul3A_853 = arith.mulf %get3A_850, %get3A_850 : vector<16xf32>
      %add3A_854 = arith.addf %add3A_852, %mul3A_853 : vector<16xf32>
      %mul3A_855 = arith.mulf %get3A_845, %get3A_418 : vector<16xf32>
      %mul3A_856 = arith.mulf %get3A_850, %get3A_421 : vector<16xf32>
      %add3A_857 = arith.addf %mul3A_855, %mul3A_856 : vector<16xf32>
      %reduce_sum3A_858 = arith.constant true
      %reduce_sum3A_859 = vector.broadcast %reduce_sum3A_858 : i1 to vector<16xi1>
      %reduce_sum3A_860 = tpu.scan <sum>, %add3A_857 masked %reduce_sum3A_859 : vector<16xf32>, vector<16xi1> -> vector<16xf32>
      %reduce_sum3A_861 = vector.extract %reduce_sum3A_860[15] : f32 from vector<16xf32>
      %eq3A_862 = arith.constant 0 : i32
      %eq3A_863 = vector.broadcast %eq3A_862 : i32 to vector<16xi32>
      %eq3A_864 = arith.cmpi eq, %iota3A, %eq3A_863 : vector<16xi32>
      %broadcast_in_dim3A_865 = vector.broadcast %reduce_sum3A_861 : f32 to vector<16xf32>
      %select_n3A_866 = arith.select %eq3A_864, %broadcast_in_dim3A_865, %broadcast_in_dim3A_399 : vector<16xi1>, vector<16xf32>
      %add3A_867 = arith.constant 17 : i32
      %add3A_868 = arith.addi %mul3A_427, %add3A_867 : i32
      %get3A_869 = arith.index_cast %add3A_868 : i32 to index
      %get3A_870 = arith.constant 0 : index
      %get3A_871 = tpu.vector_load %arg9[%get3A_869, %get3A_870] {strides = array<i32>} : memref<2560x32xf32, #tpu.memory_space<vmem>>, vector<16xf32>,
      %add3A_872 = arith.constant 17 : i32
      %add3A_873 = arith.addi %mul3A_427, %add3A_872 : i32
      %get3A_874 = arith.index_cast %add3A_873 : i32 to index
      %get3A_875 = arith.constant 16 : index
      %get3A_876 = tpu.vector_load %arg9[%get3A_874, %get3A_875] {strides = array<i32>} : memref<2560x32xf32, #tpu.memory_space<vmem>>, vector<16xf32>,
      %mul3A_877 = arith.mulf %get3A_871, %get3A_871 : vector<16xf32>
      %add3A_878 = arith.addf %add3A_854, %mul3A_877 : vector<16xf32>
      %mul3A_879 = arith.mulf %get3A_876, %get3A_876 : vector<16xf32>
      %add3A_880 = arith.addf %add3A_878, %mul3A_879 : vector<16xf32>
      %mul3A_881 = arith.mulf %get3A_871, %get3A_418 : vector<16xf32>
      %mul3A_882 = arith.mulf %get3A_876, %get3A_421 : vector<16xf32>
      %add3A_883 = arith.addf %mul3A_881, %mul3A_882 : vector<16xf32>
      %reduce_sum3A_884 = arith.constant true
      %reduce_sum3A_885 = vector.broadcast %reduce_sum3A_884 : i1 to vector<16xi1>
      %reduce_sum3A_886 = tpu.scan <sum>, %add3A_883 masked %reduce_sum3A_885 : vector<16xf32>, vector<16xi1> -> vector<16xf32>
      %reduce_sum3A_887 = vector.extract %reduce_sum3A_886[15] : f32 from vector<16xf32>
      %eq3A_888 = arith.constant 1 : i32
      %eq3A_889 = vector.broadcast %eq3A_888 : i32 to vector<16xi32>
      %eq3A_890 = arith.cmpi eq, %iota3A, %eq3A_889 : vector<16xi32>
      %broadcast_in_dim3A_891 = vector.broadcast %reduce_sum3A_887 : f32 to vector<16xf32>
      %select_n3A_892 = arith.select %eq3A_890, %broadcast_in_dim3A_891, %select_n3A_866 : vector<16xi1>, vector<16xf32>
      %add3A_893 = arith.constant 18 : i32
      %add3A_894 = arith.addi %mul3A_427, %add3A_893 : i32
      %get3A_895 = arith.index_cast %add3A_894 : i32 to index
      %get3A_896 = arith.constant 0 : index
      %get3A_897 = tpu.vector_load %arg9[%get3A_895, %get3A_896] {strides = array<i32>} : memref<2560x32xf32, #tpu.memory_space<vmem>>, vector<16xf32>,
      %add3A_898 = arith.constant 18 : i32
      %add3A_899 = arith.addi %mul3A_427, %add3A_898 : i32
      %get3A_900 = arith.index_cast %add3A_899 : i32 to index
      %get3A_901 = arith.constant 16 : index
      %get3A_902 = tpu.vector_load %arg9[%get3A_900, %get3A_901] {strides = array<i32>} : memref<2560x32xf32, #tpu.memory_space<vmem>>, vector<16xf32>,
      %mul3A_903 = arith.mulf %get3A_897, %get3A_897 : vector<16xf32>
      %add3A_904 = arith.addf %add3A_880, %mul3A_903 : vector<16xf32>
      %mul3A_905 = arith.mulf %get3A_902, %get3A_902 : vector<16xf32>
      %add3A_906 = arith.addf %add3A_904, %mul3A_905 : vector<16xf32>
      %mul3A_907 = arith.mulf %get3A_897, %get3A_418 : vector<16xf32>
      %mul3A_908 = arith.mulf %get3A_902, %get3A_421 : vector<16xf32>
      %add3A_909 = arith.addf %mul3A_907, %mul3A_908 : vector<16xf32>
      %reduce_sum3A_910 = arith.constant true
      %reduce_sum3A_911 = vector.broadcast %reduce_sum3A_910 : i1 to vector<16xi1>
      %reduce_sum3A_912 = tpu.scan <sum>, %add3A_909 masked %reduce_sum3A_911 : vector<16xf32>, vector<16xi1> -> vector<16xf32>
      %reduce_sum3A_913 = vector.extract %reduce_sum3A_912[15] : f32 from vector<16xf32>
      %eq3A_914 = arith.constant 2 : i32
      %eq3A_915 = vector.broadcast %eq3A_914 : i32 to vector<16xi32>
      %eq3A_916 = arith.cmpi eq, %iota3A, %eq3A_915 : vector<16xi32>
      %broadcast_in_dim3A_917 = vector.broadcast %reduce_sum3A_913 : f32 to vector<16xf32>
      %select_n3A_918 = arith.select %eq3A_916, %broadcast_in_dim3A_917, %select_n3A_892 : vector<16xi1>, vector<16xf32>
      %add3A_919 = arith.constant 19 : i32
      %add3A_920 = arith.addi %mul3A_427, %add3A_919 : i32
      %get3A_921 = arith.index_cast %add3A_920 : i32 to index
      %get3A_922 = arith.constant 0 : index
      %get3A_923 = tpu.vector_load %arg9[%get3A_921, %get3A_922] {strides = array<i32>} : memref<2560x32xf32, #tpu.memory_space<vmem>>, vector<16xf32>,
      %add3A_924 = arith.constant 19 : i32
      %add3A_925 = arith.addi %mul3A_427, %add3A_924 : i32
      %get3A_926 = arith.index_cast %add3A_925 : i32 to index
      %get3A_927 = arith.constant 16 : index
      %get3A_928 = tpu.vector_load %arg9[%get3A_926, %get3A_927] {strides = array<i32>} : memref<2560x32xf32, #tpu.memory_space<vmem>>, vector<16xf32>,
      %mul3A_929 = arith.mulf %get3A_923, %get3A_923 : vector<16xf32>
      %add3A_930 = arith.addf %add3A_906, %mul3A_929 : vector<16xf32>
      %mul3A_931 = arith.mulf %get3A_928, %get3A_928 : vector<16xf32>
      %add3A_932 = arith.addf %add3A_930, %mul3A_931 : vector<16xf32>
      %mul3A_933 = arith.mulf %get3A_923, %get3A_418 : vector<16xf32>
      %mul3A_934 = arith.mulf %get3A_928, %get3A_421 : vector<16xf32>
      %add3A_935 = arith.addf %mul3A_933, %mul3A_934 : vector<16xf32>
      %reduce_sum3A_936 = arith.constant true
      %reduce_sum3A_937 = vector.broadcast %reduce_sum3A_936 : i1 to vector<16xi1>
      %reduce_sum3A_938 = tpu.scan <sum>, %add3A_935 masked %reduce_sum3A_937 : vector<16xf32>, vector<16xi1> -> vector<16xf32>
      %reduce_sum3A_939 = vector.extract %reduce_sum3A_938[15] : f32 from vector<16xf32>
      %eq3A_940 = arith.constant 3 : i32
      %eq3A_941 = vector.broadcast %eq3A_940 : i32 to vector<16xi32>
      %eq3A_942 = arith.cmpi eq, %iota3A, %eq3A_941 : vector<16xi32>
      %broadcast_in_dim3A_943 = vector.broadcast %reduce_sum3A_939 : f32 to vector<16xf32>
      %select_n3A_944 = arith.select %eq3A_942, %broadcast_in_dim3A_943, %select_n3A_918 : vector<16xi1>, vector<16xf32>
      %mul3A_945 = arith.constant 32 : i32
      %mul3A_946 = arith.muli %scan3A_414, %mul3A_945 : i32
      %swap3A_947 = arith.index_cast %mul3A_946 : i32 to index
      %swap3A_948 = tpu.vector_load %arg10[%swap3A_947] {strides = array<i32>} : memref<4096xf32, #tpu.memory_space<vmem>>, vector<16xf32>,
      tpu.vector_store %arg10[%swap3A_947], %select_n3A_840 {strides = array<i32>} : memref<4096xf32, #tpu.memory_space<vmem>>, vector<16xf32>,
      %mul3A_949 = arith.constant 32 : i32
      %mul3A_950 = arith.muli %scan3A_414, %mul3A_949 : i32
      %add3A_951 = arith.constant 16 : i32
      %add3A_952 = arith.addi %mul3A_950, %add3A_951 : i32
      %swap3A_953 = arith.index_cast %add3A_952 : i32 to index
      %swap3A_954 = tpu.vector_load %arg10[%swap3A_953] {strides = array<i32>} : memref<4096xf32, #tpu.memory_space<vmem>>, vector<16xf32>,
      tpu.vector_store %arg10[%swap3A_953], %select_n3A_944 {strides = array<i32>} : memref<4096xf32, #tpu.memory_space<vmem>>, vector<16xf32>,
      scf.yield %add3A_425, %add3A_932 : vector<16xf32>, vector<16xf32>
    }
    %scan3A_404 = arith.constant 128 : i32
    %mul3A_405 = arith.constant 2.000000e+01 : f32
    %mul3A_406 = vector.broadcast %mul3A_405 : f32 to vector<16xf32>
    %mul3A_407 = arith.mulf %scan3A_403#0, %mul3A_406 : vector<16xf32>
    %add3A_408 = arith.addf %mul3A_407, %scan3A_403#1 : vector<16xf32>
    %swap3A = arith.constant 0 : index
    %swap3A_409 = tpu.vector_load %arg11[%swap3A] {strides = array<i32>} : memref<16xf32, #tpu.memory_space<vmem>>, vector<16xf32>,
    tpu.vector_store %arg11[%swap3A], %add3A_408 {strides = array<i32>} : memref<16xf32, #tpu.memory_space<vmem>>, vector<16xf32>,
    %mul3A_410 = arith.constant 128 : i32
    %mul3A_411 = arith.muli %add3A, %mul3A_410 : i32
    %mul3A_412 = arith.constant 32 : i32
    %mul3A_413 = arith.muli %mul3A_411, %mul3A_412 : i32
    "tpu.region"() ({
      %run_scoped3A = tpu.sem_alloc : memref<!tpu.dma_semaphore, #tpu.memory_space<semaphore_mem>>
      %dma_start3A_414 = tpu.memref_slice %arg5[%mul3A_413] : memref<131072xf32, #tpu.memory_space<hbm>> -> memref<4096xf32, #tpu.memory_space<hbm>>
      %dma_start3A_415 = tpu.memref_slice %arg5[%mul3A_413] : memref<131072xf32, #tpu.memory_space<hbm>> -> memref<4096xf32, #tpu.memory_space<hbm>>
      tpu.enqueue_dma source(%arg10 : memref<4096xf32, #tpu.memory_space<vmem>>) target(%dma_start3A_415 : memref<4096xf32, #tpu.memory_space<hbm>>) target_semaphore(%run_scoped3A : memref<!tpu.dma_semaphore, #tpu.memory_space<semaphore_mem>>)
      %dma_wait3A_416 = tpu.memref_slice %arg5[%mul3A_413] : memref<131072xf32, #tpu.memory_space<hbm>> -> memref<4096xf32, #tpu.memory_space<hbm>>
      %dma_wait3A_417 = tpu.memref_slice %arg5[%mul3A_413] : memref<131072xf32, #tpu.memory_space<hbm>> -> memref<4096xf32, #tpu.memory_space<hbm>>
      tpu.wait_dma2 semaphore(%run_scoped3A : memref<!tpu.dma_semaphore, #tpu.memory_space<semaphore_mem>>) src(%arg10 : memref<4096xf32, #tpu.memory_space<vmem>>) dst(%dma_wait3A_417 : memref<4096xf32, #tpu.memory_space<hbm>>)
      tpu.yield
    }) : () -> ()
    "tpu.region"() ({
      %run_scoped3A = tpu.sem_alloc : memref<!tpu.dma_semaphore, #tpu.memory_space<semaphore_mem>>
      %dma_start3A_414 = arith.constant 0 : i32
      %dma_start3A_415 = tpu.memref_slice %arg6[%add3A, %dma_start3A_414] : memref<32x16xf32, #tpu.memory_space<hbm>> -> memref<1x16xf32, #tpu.memory_space<hbm>>
      %dma_start3A_416 = tpu.memref_squeeze %dma_start3A_415 : memref<1x16xf32, #tpu.memory_space<hbm>> -> memref<16xf32, #tpu.memory_space<hbm>>
      %dma_start3A_417 = arith.constant 0 : i32
      %dma_start3A_418 = tpu.memref_slice %arg6[%add3A, %dma_start3A_417] : memref<32x16xf32, #tpu.memory_space<hbm>> -> memref<1x16xf32, #tpu.memory_space<hbm>>
      %dma_start3A_419 = tpu.memref_squeeze %dma_start3A_418 : memref<1x16xf32, #tpu.memory_space<hbm>> -> memref<16xf32, #tpu.memory_space<hbm>>
      tpu.enqueue_dma source(%arg11 : memref<16xf32, #tpu.memory_space<vmem>>) target(%dma_start3A_419 : memref<16xf32, #tpu.memory_space<hbm>>) target_semaphore(%run_scoped3A : memref<!tpu.dma_semaphore, #tpu.memory_space<semaphore_mem>>)
      %dma_wait3A_420 = arith.constant 0 : i32
      %dma_wait3A_421 = tpu.memref_slice %arg6[%add3A, %dma_wait3A_420] : memref<32x16xf32, #tpu.memory_space<hbm>> -> memref<1x16xf32, #tpu.memory_space<hbm>>
      %dma_wait3A_422 = tpu.memref_squeeze %dma_wait3A_421 : memref<1x16xf32, #tpu.memory_space<hbm>> -> memref<16xf32, #tpu.memory_space<hbm>>
      %dma_wait3A_423 = arith.constant 0 : i32
      %dma_wait3A_424 = tpu.memref_slice %arg6[%add3A, %dma_wait3A_423] : memref<32x16xf32, #tpu.memory_space<hbm>> -> memref<1x16xf32, #tpu.memory_space<hbm>>
      %dma_wait3A_425 = tpu.memref_squeeze %dma_wait3A_424 : memref<1x16xf32, #tpu.memory_space<hbm>> -> memref<16xf32, #tpu.memory_space<hbm>>
      tpu.wait_dma2 semaphore(%run_scoped3A : memref<!tpu.dma_semaphore, #tpu.memory_space<semaphore_mem>>) src(%arg11 : memref<16xf32, #tpu.memory_space<vmem>>) dst(%dma_wait3A_425 : memref<16xf32, #tpu.memory_space<hbm>>)
      tpu.yield
    }) : () -> ()
    return
  }
}

</mosaic_0001>

<sc_bundles>
// kernel: gather_offload_async_start
scs
__scs_entry_jumppad:
0x0: {  	(pc) =	sbr.rel $0x88, $3  }
0x1: {  	(tag) =	ssettag $0x0;
	lr =	simm.s32 $0x1  }
0x2: {  	[smem:$0x3F9D] =	sst lr;
	_ =	strace $0xD0000000  }
0x3: {  	_ = 	snop  }
0x4: {  	_ = 	snop  }
0x5: {  	_ = 	snop  }
0x6: {  	_ = 	snop  }
0x7: {  	_ = 	snop  }
__scs_overlays_trampoline_lowered:
0x8: {  	[smem:$0x3FAC] =	sst s0  }
0x9: {  	[smem:$0x3FAD] =	sst s1  }
0xa: {  	[smem:$0x3FAE] =	sst s2  }
0xb: {  	[smem:$0x3FAF] =	sst s3  }
0xc: {  	[smem:$0x3FB0] =	sst s4  }
0xd: {  	[smem:$0x3FB1] =	sst s5  }
0xe: {  	[smem:$0x3FB2] =	sst s6  }
0xf: {  	[smem:$0x3FB3] =	sst s7  }
0x10: {  	[smem:$0x3FB4] =	sst s8  }
0x11: {  	[smem:$0x3FB5] =	sst s9;
	s0 =	simm.s32 @!p0 $0x0  }
0x12: {  	s1 =	sld [smem:$0x3F9B];
	s0 =	simm.s32 @p0 $0x1  }
0x13: {  	[smem:$0x3FB6] =	sst s0;
	s0 =	simm.s32 @!p1 $0x0  }
0x14: {  	s2 =	sld [smem:$0x3F9A];
	s0 =	simm.s32 @p1 $0x1  }
0x15: {  	[smem:$0x3FB7] =	sst s0;
	s0 =	simm.s32 @!p2 $0x0  }
0x16: {  	s3 =	sld [smem:$0x3FDB];
	s0 =	simm.s32 @p2 $0x1  }
0x17: {  	s4 =	simm.s32 $0x1BF5;
	[smem:$0x3FB9] =	sst s0  }
0x18: {  	s0 =	sld [smem:$0x3F9C];
	_ =	swait.ge [sflag:s4], $0x0  }
0x19: {  	s7 =	sld [smem:$0x3F9D]  }
0x1a: {  	s8 =	sadd.s32 $0xFFFFE003, lr  }
0x1b: {  	s9 =	sadd.s32 $0xFFFFFEF7, lr;
	s5 =	simm.s32 $0xFFFFFFFF;
	p2 =	slt.u32 s8, $0xFFFFF086  }
0x1c: {  	p1 =	slt.u32 s9, $0xF7A;
	s5 =	simm.s32 @!p2 $0x0  }
0x1d: {  	s5 =	simm.s32 @p1 $0x1;
	p0 =	seq.s32 s7, s2  }
0x1e: {  	s7 =	smul.u32 @!p0 $0xF7A, s2;
	p2 =	seq.s32 @!p0 s5, $0x0  }
0x1f: {  	s9 =	smul.u32 $0xF7A, s1;
	s8 =	simm.s32 @!p0 $0x1BF5;
	p2 =	por !p2, p0  }
0x20: {  	[sflag:s8] =	ssyncset.s32 @!p0 $0xFFFFF086;
	s6 =	sadd.s32 @!p0 s3, s7;
	s7 =	simm.s32 @!p0 $0x108  }
0x21: {  	s3 =	sadd.s32 s3, s9;
	s6 =	sadd.s32 @!p0 $0x88, s6;
	s7 =	simm.s32 @p2 $0x1082  }
0x22: {  	[simem:s7], [sflag:s8] =	dma.local @!p0 [hbm:s6], $0xF7A  }
0x23: {  	s9 =	sor.u32 $0xD0000000, s2;
	s6 =	simm.s32 $0x108;
	_ =	swait.ge @!p0 [sflag:s8], $0x0  }
0x24: {  	s3 =	sadd.s32 $0x88, s3;
	s6 =	simm.s32 @!p1 $0x1082;
	[sflag:s4] =	ssyncset.s32 $0xFFFFF086  }
0x25: {  	[simem:s6], [sflag:s4] =	dma.local [hbm:s3], $0xF7A  }
0x26: {  	[smem:$0x3F9D] =	sst s1;
	(tag) =	ssettag s2;
	_ =	strace s9  }
0x27: {  	s1 =	sld [smem:$0x3FAD]  }
0x28: {  	s2 =	sld [smem:$0x3FAE]  }
0x29: {  	s4 =	sld [smem:$0x3FB0]  }
0x2a: {  	p0 =	seq.s32 s5, $0x0;
	s5 =	sld [smem:$0x3FB1]  }
0x2b: {  	s6 =	sld [smem:$0x3FB2]  }
0x2c: {  	s7 =	sld [smem:$0x3FB3]  }
0x2d: {  	s3 =	simm.s32 $0x108;
	s8 =	sld [smem:$0x3FB4]  }
0x2e: {  	s3 =	simm.s32 @!p0 $0x1082;
	s9 =	sld [smem:$0x3FB5]  }
0x2f: {  	lr =	sadd.s32 s0, s3;
	s0 =	sld [smem:$0x3FAC]  }
0x30: {  	s3 =	sld [smem:$0x3FAF]  }
0x31: {  	[smem:$0x3FB8] =	sst s10  }
0x32: {  	s10 =	sld [smem:$0x3FB6];
	_ =	sdelay $0x3  }
0x33: {  	p0 =	seq.s32 s10, $0x1;
	s10 =	sld [smem:$0x3FB8];
	_ =	sdelay $0x3  }
0x34: {  	[smem:$0x3FB8] =	sst s10  }
0x35: {  	s10 =	sld [smem:$0x3FB7];
	_ =	sdelay $0x3  }
0x36: {  	p1 =	seq.s32 s10, $0x1;
	s10 =	sld [smem:$0x3FB8];
	_ =	sdelay $0x3  }
0x37: {  	[smem:$0x3FB8] =	sst s10  }
0x38: {  	s10 =	sld [smem:$0x3FB9]  }
0x39: {  	_ = 	snop;
	(pc) =	sbr.ind lr, $3  }
0x3a: {  	_ = 	snop  }
0x3b: {  	_ = 	snop  }
0x3c: {  	p2 =	seq.s32 s10, $0x1;
	s10 =	sld [smem:$0x3FB8]  }
0x3d: {  	_ =	shalt  }
0x3e: {  	_ =	shalt  }
0x3f: {  	_ =	shalt  }
0x40: {  	_ =	shalt  }
0x41: {  	_ =	shalt  }
0x42: {  	_ =	shalt  }
0x43: {  	_ =	shalt  }
0x44: {  	_ =	shalt  }
0x45: {  	_ =	shalt  }
0x46: {  	_ =	shalt  }
0x47: {  	_ =	shalt  }
0x48: {  	_ =	shalt  }
0x49: {  	_ =	shalt  }
0x4a: {  	_ =	shalt  }
0x4b: {  	_ =	shalt  }
0x4c: {  	_ =	shalt  }
0x4d: {  	_ =	shalt  }
0x4e: {  	_ =	shalt  }
0x4f: {  	_ =	shalt  }
0x50: {  	_ =	shalt  }
0x51: {  	_ =	shalt  }
0x52: {  	_ =	shalt  }
0x53: {  	_ =	shalt  }
0x54: {  	_ =	shalt  }
0x55: {  	_ =	shalt  }
0x56: {  	_ =	shalt  }
0x57: {  	_ =	shalt  }
0x58: {  	_ =	shalt  }
0x59: {  	_ =	shalt  }
0x5a: {  	_ =	shalt  }
0x5b: {  	_ =	shalt  }
0x5c: {  	_ =	shalt  }
0x5d: {  	_ =	shalt  }
0x5e: {  	_ =	shalt  }
0x5f: {  	_ =	shalt  }
0x60: {  	_ =	shalt  }
0x61: {  	_ =	shalt  }
0x62: {  	_ =	shalt  }
0x63: {  	_ =	shalt  }
0x64: {  	_ =	shalt  }
0x65: {  	_ =	shalt  }
0x66: {  	_ =	shalt  }
0x67: {  	_ =	shalt  }
0x68: {  	_ =	shalt  }
0x69: {  	_ =	shalt  }
0x6a: {  	_ =	shalt  }
0x6b: {  	_ =	shalt  }
0x6c: {  	_ =	shalt  }
0x6d: {  	_ =	shalt  }
0x6e: {  	_ =	shalt  }
0x6f: {  	_ =	shalt  }
0x70: {  	_ =	shalt  }
0x71: {  	_ =	shalt  }
0x72: {  	_ =	shalt  }
0x73: {  	_ =	shalt  }
0x74: {  	_ =	shalt  }
0x75: {  	_ =	shalt  }
0x76: {  	_ =	shalt  }
0x77: {  	_ =	shalt  }
0x78: {  	_ =	shalt  }
0x79: {  	_ =	shalt  }
0x7a: {  	_ =	shalt  }
0x7b: {  	_ =	shalt  }
0x7c: {  	_ =	shalt  }
0x7d: {  	_ =	shalt  }
0x7e: {  	_ =	shalt  }
0x7f: {  	_ =	shalt  }
0x80: {  	_ =	shalt  }
0x81: {  	_ =	shalt  }
0x82: {  	_ =	shalt  }
0x83: {  	_ =	shalt  }
0x84: {  	_ =	shalt  }
0x85: {  	_ =	shalt  }
0x86: {  	_ =	shalt  }
0x87: {  	_ =	shalt  }
.Lfunc_end0:
.L_simem_size_0:
called_computation_lowered:
.L_overlay_start_0:
0x88: {  	s2 =	sld [smem:$0x3FD9]  }
0x89: {  	s3 =	sld [smem:$0x3FFE];
	_ =	sdelay $0x1  }
0x8a: {  	s1 =	srdreg.scid  }
0x8b: {  	s0 =	sand.u32 $0x1, s1  }
0x8c: {  	s17 =	sshll.u32 s0, $0xA;
	s2 =	sadd.s32 s3, s2  }
0x8d: {  	s2 =	sadd.s32 s2, s17  }
0x8e: {  	[smem:$0x3FC4] =	sst s2  }
0x8f: {  	_ = 	snop  }
0x90: {  	s2 =	sld [smem:$0x3FC7];
	(tm) =	ssettm $0x1  }
0x91: {  	s18 =	sld [smem:$0x3FFB];
	_ =	sdelay $0x3  }
0x92: {  	_ =	strace s18  }
0x93: {  	s3 =	sld [smem:$0x3FFC];
	_ =	sdelay $0x3  }
0x94: {  	_ =	strace s3  }
0x95: {  	s3 =	sld [smem:$0x3FFD];
	_ =	sdelay $0x3  }
0x96: {  	_ =	strace s3  }
0x97: {  	_ =	strace $0x8FFFFFFF  }
0x98: {  	s19 =	sld [smem:$0x3FDB];
	_ =	sdelay $0x1  }
0x99: {  	s4 =	simm.s32 $_scs_section_size  }
0x9a: {  	s5 =	simm.s32 $_size__tile_overlayer_lowered;
	s6 =	simm.s32 $_tile_overlayer_lowered  }
0x9b: {  	s22 =	simm.s32 $0x1BFF;
	s21 =	sshll.u32 s6, $0x1;
	s3 =	sadd.s32 s4, s19  }
0x9c: {  	s7 =	simm.s32 $0x0;
	s20 =	sshll.u32 s5, $0x1;
	s5 =	sadd.s32 s21, s3  }
0x9d: {  	[timem:s7], [sflag:s22] =	dma.local [hbm:s5], s20  }
0x9e: {  	_ =	swait.ge [sflag:s22], s20  }
0x9f: {  	s4 =	ssub.s32 $0x0, s20;
	[sflag:s22] =	ssyncset.done $0x0  }
0xa0: {  	[sflag:s22] =	ssyncadd.s32 s4;
	_ =	sdelay $0x1  }
0xa1: {  	s23 =	simm.s32 $0x1B8B  }
0xa2: {  	_ =	swait.ge [sflag:s23], $0x1  }
0xa3: {  	[sflag:s23] =	ssyncset.done $0x0  }
0xa4: {  	s25 =	simm.s32 $0x1B8E;
	s24 =	sld [smem:$0x3FFE];
	[sflag:s23] =	ssyncadd.s32 $0xFFFFFFFF  }
0xa5: {  	s26 =	simm.s32 $execute0_lowered;
	[smem:$0x3FD2] =	sst s25  }
0xa6: {  	s5 =	sshll.u32 s26, $0x1;
	_ =	strace $0x80000046;
	[dreg:$0x1] =	wrdreg $0xFFFFFFFF  }
0xa7: {  	s28 =	simm.s32 $_size_execute0_lowered;
	s3 =	sadd.s32 s3, s5;
	[dreg:$0x0] =	wrdreg $0x0  }
0xa8: {  	s5 =	sshll.u32 s28, $0x1;
	[dreg:$0x2] =	wrdreg s3  }
0xa9: {  	[dreg:$0x3] =	wrdreg s5  }
0xaa: {  	[dreg:$0x4] =	wrdreg $0xC0  }
0xab: {  	_ =	task [dreg:s7], $0x5FFFF  }
0xac: {  	[dreg:$0x1] =	wrdreg $0xFFFFFFFF  }
0xad: {  	[dreg:$0x0] =	wrdreg $0x60  }
0xae: {  	[dreg:$0x2] =	wrdreg s2  }
0xaf: {  	[dreg:$0x3] =	wrdreg s24  }
0xb0: {  	[dreg:$0x4] =	wrdreg $0x9  }
0xb1: {  	_ =	task.clear_ibuf [dreg:s7], $0x5FFFF;
	_ =	strace $0x90000046  }
0xb2: {  	s29 =	simm.s32 $0x9;
	_ =	strace $0x80000048  }
0xb3: {  	_ =	swait.ge [sflag:s29], $0x1  }
0xb4: {  	[sflag:s29] =	ssyncadd.s32 $0xFFFFFFFF  }
0xb5: {  	_ =	strace $0x90000048  }
0xb6: {  	_ =	sfence  }
0xb7: {  	s30 =	sld [smem:$0x0];
	_ =	sdelay $0x2  }
0xb8: {  	s31 =	sshll.u32 s1, $0xD;
	s1 =	sshrl.u32 s1, $0x2  }
0xb9: {  	s3 =	sand.u32 $0x4000, s31;
	s1 =	sadd.s32 s1, s30  }
0xba: {  	s0 =	sor.u32 s3, s0;
	s1 =	sshll.u32 s1, $0x11  }
0xbb: {  	s0 =	sor.u32 s1, s0  }
0xbc: {  	s0 =	sadd.s32 $0x8F2B, s0  }
0xbd: {  	[sflag:s0] =	ssyncadd.remote.s32 $0x1  }
0xbe: {  	_ =	sfence.sel $0xFFFF  }
0xbf: {  	[dreg:$0x0] =	wrdreg $0xFFFFFFFF;
	(pc) =	sbr.abs _section_cstart, $3  }
0xc0: {  	[dreg:$0x1] =	wrdreg $0xFFFFFFFF  }
0xc1: {  	_ =	task.clear_ibuf [dreg:s7], $0x2FFFF;
	_ =	strace $0x9FFFFFFF  }
0xc2: {  	(tm) =	ssettm $0x7FFFFFFF  }
0xc3: {  	_ =	shalt  }
tec
execute0_lowered:
.L_overlay_start_1:
0x0: {  	(tag) =	ssettag $0x1  }
0x1: {  	s1 =	srdreg.scid  }
0x2: {  	s2 =	rddreg [dreg:$0x0];
	s0 =	stileid.u32  }
0x3: {  	s11 =	rddreg [dreg:$0x1];
	s5 =	simm.s32 $0x2;
	s1 =	sshll.u32 s1, $0x7  }
0x4: {  	s9 =	simm.s32 $0x3;
	s3 =	sshll.u32 s0, $0x8;
	s4 =	sand.u32 $0x80, s1  }
0x5: {  	s13 =	simm.s32 $0x0;
	s15 =	simm.s32 $0x0;
	s3 =	sor.u32 s3, s4  }
0x6: {  	s14 =	simm.s32 $0x0;
	s1 =	rddreg [dreg:$0x2];
	s4 =	sshrl.u32 s3, $0x3  }
0x7: {  	_ =	strace $0x80000047;
	s6 =	ssub.s32 $0x1000, s3;
	s8 =	sadd.s32 s4, s11  }
0x8: {  	s4 =	simm.s32 $0x1;
	s7 =	sand.u32 $0xF80, s6;
	s10 =	sshrl.u32 s6, $0xC  }
.Ltmp0:
0x9: {  	s6 =	sadd.s32 $0xE00, s11;
	[sflag:s4] =	ssyncpa.u1 $0x0;
	(pc) =	sbr.rel .LBB2_1-.Ltmp0, $4  }
0xa: {  	p0 =	sne.s32 s7, $0x0;
	s7 =	simm.s32 $0x1;
	s8 =	sadd.s32 $0xC00, s8  }
0xb: {  	[sflag:s5] =	ssyncpa.u1 $0x0;
	s7 =	simm.s32 @!p0 $0x0;
	p0 =	por $0x0, $0x0  }
0xc: {  	[sflag:s9] =	ssyncpa.u1 $0x0;
	s7 =	sadd.s32 s7, s10;
	s9 =	sadd.s32 $0x1E00, s11  }
0xd: {  	vm0 =	vmmov $0xffff;
	s10 =	sadd.s32 $0x2E00, s11;
	s11 =	sadd.s32 $0x3E00, s11;
	s12 =	sadd.s32 $0x1, s7  }
.LBB2_4:
0xe: {  	_ =	sdelay $0x3  }
0xf: {  	[tilespmem:s19], [sflag:$0x1] =	stream.indirect_vreg.gather [hbm4b:s2+s13], $0x1, v0, vm0, $0x4038;
	[tilespmem:$0x2100] =	vst v63  }
0x10: {  	v0 =	vld.msk [tilespmem:s22+$0x0 ss:$0x1], $0xffff;
	_ =	sdelay $0x4  }
0x11: {  	vm1 =	vgt.s32 v0, $0x0  }
0x12: {  	v0 =	vnsel vm1, $0x0, v0  }
0x13: {  	v0 =	vmin.u32 v0, $0xF423F  }
0x14: {  	v1 =	vshll.u32 v0, $0x3  }
0x15: {  	v0 =	vand.u32 $0x7F, v0;
	v1 =	vand.u32 $0x7FFC00, v1  }
0x16: {  	v0 =	vor.u32 v0, v1;
	_ =	sdelay $0x2  }
0x17: {  	(ifvalue) =	ssetifvalue $0x7FFFFFFF;
	s18 =	rddreg [dreg:$0x4];
	v1 =	vor.u32 $0x80, v0  }
0x18: {  	s18 =	sadd.s32 s21, s18;
	(ifvalue) =	ssetifvalue $0x7FFFFFFF  }
0x19: {  	[tilespmem:s18], [sflag:$0x1] =	stream.indirect_vreg.gather [hbm4b:s2+s13], $0x1, v0, vm0, $0x4038;
	[tilespmem:$0x2100] =	vst v63  }
0x1a: {  	v2 =	vor.u32 $0x100, v0;
	(ifvalue) =	ssetifvalue $0x7FFFFFFF  }
0x1b: {  	s26 =	sadd.s32 $0x80, s18;
	(ifvalue) =	ssetifvalue $0x7FFFFFFF  }
0x1c: {  	[tilespmem:s26], [sflag:$0x1] =	stream.indirect_vreg.gather [hbm4b:s2+s13], $0x1, v1, vm0, $0x4038;
	[tilespmem:$0x2100] =	vst v63  }
0x1d: {  	v36 =	vor.u32 $0x180, v0;
	(ifvalue) =	ssetifvalue $0x7FFFFFFF  }
0x1e: {  	s28 =	sadd.s32 $0x100, s18;
	(ifvalue) =	ssetifvalue $0x7FFFFFFF  }
0x1f: {  	[tilespmem:s28], [sflag:$0x1] =	stream.indirect_vreg.gather [hbm4b:s2+s13], $0x1, v2, vm0, $0x4038;
	[tilespmem:$0x2100] =	vst v63  }
0x20: {  	v37 =	vor.u32 $0x200, v0;
	(ifvalue) =	ssetifvalue $0x7FFFFFFF  }
0x21: {  	s29 =	sadd.s32 $0x180, s18;
	(ifvalue) =	ssetifvalue $0x7FFFFFFF  }
0x22: {  	[tilespmem:s29], [sflag:$0x1] =	stream.indirect_vreg.gather [hbm4b:s2+s13], $0x1, v36, vm0, $0x4038;
	[tilespmem:$0x2100] =	vst v63  }
0x23: {  	v38 =	vor.u32 $0x280, v0;
	(ifvalue) =	ssetifvalue $0x7FFFFFFF  }
0x24: {  	s30 =	sadd.s32 $0x200, s18;
	(ifvalue) =	ssetifvalue $0x7FFFFFFF  }
0x25: {  	[tilespmem:s30], [sflag:$0x1] =	stream.indirect_vreg.gather [hbm4b:s2+s13], $0x1, v37, vm0, $0x4038;
	[tilespmem:$0x2100] =	vst v63  }
0x26: {  	v39 =	vor.u32 $0x300, v0;
	(ifvalue) =	ssetifvalue $0x7FFFFFFF  }
0x27: {  	s31 =	sadd.s32 $0x280, s18;
	(ifvalue) =	ssetifvalue $0x7FFFFFFF  }
0x28: {  	[tilespmem:s31], [sflag:$0x1] =	stream.indirect_vreg.gather [hbm4b:s2+s13], $0x1, v38, vm0, $0x4038;
	[tilespmem:$0x2100] =	vst v63  }
0x29: {  	v40 =	vor.u32 $0x380, v0;
	(ifvalue) =	ssetifvalue $0x7FFFFFFF  }
0x2a: {  	s20 =	sadd.s32 $0x300, s18;
	(ifvalue) =	ssetifvalue $0x7FFFFFFF  }
0x2b: {  	[tilespmem:s20], [sflag:$0x1] =	stream.indirect_vreg.gather [hbm4b:s2+s13], $0x1, v39, vm0, $0x4038;
	[tilespmem:$0x2100] =	vst v63  }
0x2c: {  	v41 =	vadd.s32 $0x7A1400, v0;
	(ifvalue) =	ssetifvalue $0x7FFFFFFF  }
0x2d: {  	s21 =	sadd.s32 $0x380, s18;
	(ifvalue) =	ssetifvalue $0x7FFFFFFF  }
0x2e: {  	[tilespmem:s21], [sflag:$0x1] =	stream.indirect_vreg.gather [hbm4b:s2+s13], $0x1, v40, vm0, $0x4038;
	[tilespmem:$0x2100] =	vst v63  }
0x2f: {  	v42 =	vadd.s32 $0x7A1480, v0;
	(ifvalue) =	ssetifvalue $0x7FFFFFFF  }
0x30: {  	s22 =	sadd.s32 $0x400, s18;
	(ifvalue) =	ssetifvalue $0x7FFFFFFF  }
0x31: {  	[tilespmem:s22], [sflag:$0x1] =	stream.indirect_vreg.gather [hbm4b:s2+s13], $0x1, v41, vm0, $0x4038;
	[tilespmem:$0x2100] =	vst v63  }
0x32: {  	v43 =	vadd.s32 $0x7A1500, v0;
	(ifvalue) =	ssetifvalue $0x7FFFFFFF  }
0x33: {  	s23 =	sadd.s32 $0x480, s18;
	(ifvalue) =	ssetifvalue $0x7FFFFFFF  }
0x34: {  	[tilespmem:s23], [sflag:$0x1] =	stream.indirect_vreg.gather [hbm4b:s2+s13], $0x1, v42, vm0, $0x4038;
	[tilespmem:$0x2100] =	vst v63  }
0x35: {  	v44 =	vadd.s32 $0x7A1580, v0;
	(ifvalue) =	ssetifvalue $0x7FFFFFFF  }
0x36: {  	s24 =	sadd.s32 $0x500, s18;
	(ifvalue) =	ssetifvalue $0x7FFFFFFF  }
0x37: {  	[tilespmem:s24], [sflag:$0x1] =	stream.indirect_vreg.gather [hbm4b:s2+s13], $0x1, v43, vm0, $0x4038;
	[tilespmem:$0x2100] =	vst v63  }
0x38: {  	v45 =	vadd.s32 $0x7A1600, v0;
	(ifvalue) =	ssetifvalue $0x7FFFFFFF  }
0x39: {  	s25 =	sadd.s32 $0x580, s18;
	(ifvalue) =	ssetifvalue $0x7FFFFFFF  }
0x3a: {  	[tilespmem:s25], [sflag:$0x1] =	stream.indirect_vreg.gather [hbm4b:s2+s13], $0x1, v44, vm0, $0x4038;
	[tilespmem:$0x2100] =	vst v63  }
0x3b: {  	v46 =	vadd.s32 $0x7A1680, v0;
	(ifvalue) =	ssetifvalue $0x7FFFFFFF  }
0x3c: {  	s26 =	sadd.s32 $0x600, s18;
	(ifvalue) =	ssetifvalue $0x7FFFFFFF  }
0x3d: {  	[tilespmem:s26], [sflag:$0x1] =	stream.indirect_vreg.gather [hbm4b:s2+s13], $0x1, v45, vm0, $0x4038;
	[tilespmem:$0x2100] =	vst v63  }
0x3e: {  	v47 =	vadd.s32 $0x7A1700, v0;
	(ifvalue) =	ssetifvalue $0x7FFFFFFF  }
0x3f: {  	s28 =	sadd.s32 $0x680, s18;
	(ifvalue) =	ssetifvalue $0x7FFFFFFF  }
0x40: {  	[tilespmem:s28], [sflag:$0x1] =	stream.indirect_vreg.gather [hbm4b:s2+s13], $0x1, v46, vm0, $0x4038;
	[tilespmem:$0x2100] =	vst v63  }
0x41: {  	v48 =	vadd.s32 $0x7A1780, v0;
	(ifvalue) =	ssetifvalue $0x7FFFFFFF  }
0x42: {  	s29 =	sadd.s32 $0x700, s18;
	(ifvalue) =	ssetifvalue $0x7FFFFFFF  }
0x43: {  	[tilespmem:s29], [sflag:$0x1] =	stream.indirect_vreg.gather [hbm4b:s2+s13], $0x1, v47, vm0, $0x4038;
	[tilespmem:$0x2100] =	vst v63  }
0x44: {  	v49 =	vadd.s32 $0xF42800, v0;
	(ifvalue) =	ssetifvalue $0x7FFFFFFF  }
0x45: {  	s30 =	sadd.s32 $0x780, s18;
	(ifvalue) =	ssetifvalue $0x7FFFFFFF  }
0x46: {  	[tilespmem:s30], [sflag:$0x1] =	stream.indirect_vreg.gather [hbm4b:s2+s13], $0x1, v48, vm0, $0x4038;
	[tilespmem:$0x2100] =	vst v63  }
0x47: {  	v50 =	vadd.s32 $0xF42880, v0;
	(ifvalue) =	ssetifvalue $0x7FFFFFFF  }
0x48: {  	s31 =	sadd.s32 $0x800, s18;
	(ifvalue) =	ssetifvalue $0x7FFFFFFF  }
0x49: {  	[tilespmem:s31], [sflag:$0x1] =	stream.indirect_vreg.gather [hbm4b:s2+s13], $0x1, v49, vm0, $0x4038;
	[tilespmem:$0x2100] =	vst v63  }
0x4a: {  	v51 =	vadd.s32 $0xF42900, v0;
	(ifvalue) =	ssetifvalue $0x7FFFFFFF  }
0x4b: {  	s20 =	sadd.s32 $0x880, s18;
	(ifvalue) =	ssetifvalue $0x7FFFFFFF  }
0x4c: {  	[tilespmem:s20], [sflag:$0x1] =	stream.indirect_vreg.gather [hbm4b:s2+s13], $0x1, v50, vm0, $0x4038;
	[tilespmem:$0x2100] =	vst v63  }
0x4d: {  	v52 =	vadd.s32 $0xF42980, v0;
	(ifvalue) =	ssetifvalue $0x7FFFFFFF  }
0x4e: {  	s21 =	sadd.s32 $0x900, s18;
	(ifvalue) =	ssetifvalue $0x7FFFFFFF  }
0x4f: {  	[tilespmem:s21], [sflag:$0x1] =	stream.indirect_vreg.gather [hbm4b:s2+s13], $0x1, v51, vm0, $0x4038;
	[tilespmem:$0x2100] =	vst v63  }
0x50: {  	v53 =	vadd.s32 $0xF42A00, v0;
	(ifvalue) =	ssetifvalue $0x7FFFFFFF  }
0x51: {  	s22 =	sadd.s32 $0x980, s18;
	(ifvalue) =	ssetifvalue $0x7FFFFFFF  }
0x52: {  	[tilespmem:s22], [sflag:$0x1] =	stream.indirect_vreg.gather [hbm4b:s2+s13], $0x1, v52, vm0, $0x4038;
	[tilespmem:$0x2100] =	vst v63  }
0x53: {  	v54 =	vadd.s32 $0xF42A80, v0;
	(ifvalue) =	ssetifvalue $0x7FFFFFFF  }
0x54: {  	s23 =	sadd.s32 $0xA00, s18;
	(ifvalue) =	ssetifvalue $0x7FFFFFFF  }
0x55: {  	[tilespmem:s23], [sflag:$0x1] =	stream.indirect_vreg.gather [hbm4b:s2+s13], $0x1, v53, vm0, $0x4038;
	[tilespmem:$0x2100] =	vst v63  }
0x56: {  	v55 =	vadd.s32 $0xF42B00, v0;
	(ifvalue) =	ssetifvalue $0x7FFFFFFF  }
0x57: {  	s24 =	sadd.s32 $0xA80, s18;
	(ifvalue) =	ssetifvalue $0x7FFFFFFF  }
0x58: {  	[tilespmem:s24], [sflag:$0x1] =	stream.indirect_vreg.gather [hbm4b:s2+s13], $0x1, v54, vm0, $0x4038;
	[tilespmem:$0x2100] =	vst v63  }
0x59: {  	v56 =	vadd.s32 $0xF42B80, v0;
	(ifvalue) =	ssetifvalue $0x7FFFFFFF  }
0x5a: {  	s25 =	sadd.s32 $0xB00, s18;
	(ifvalue) =	ssetifvalue $0x7FFFFFFF  }
0x5b: {  	[tilespmem:s25], [sflag:$0x1] =	stream.indirect_vreg.gather [hbm4b:s2+s13], $0x1, v55, vm0, $0x4038;
	[tilespmem:$0x2100] =	vst v63  }
0x5c: {  	v57 =	vadd.s32 $0x16E3C00, v0;
	(ifvalue) =	ssetifvalue $0x7FFFFFFF  }
0x5d: {  	s26 =	sadd.s32 $0xB80, s18;
	(ifvalue) =	ssetifvalue $0x7FFFFFFF  }
0x5e: {  	[tilespmem:s26], [sflag:$0x1] =	stream.indirect_vreg.gather [hbm4b:s2+s13], $0x1, v56, vm0, $0x4038;
	[tilespmem:$0x2100] =	vst v63  }
0x5f: {  	v58 =	vadd.s32 $0x16E3C80, v0;
	(ifvalue) =	ssetifvalue $0x7FFFFFFF  }
0x60: {  	s28 =	sadd.s32 $0xC00, s18;
	(ifvalue) =	ssetifvalue $0x7FFFFFFF  }
0x61: {  	[tilespmem:s28], [sflag:$0x1] =	stream.indirect_vreg.gather [hbm4b:s2+s13], $0x1, v57, vm0, $0x4038;
	[tilespmem:$0x2100] =	vst v63  }
0x62: {  	v59 =	vadd.s32 $0x16E3D00, v0;
	(ifvalue) =	ssetifvalue $0x7FFFFFFF  }
0x63: {  	s29 =	sadd.s32 $0xC80, s18;
	(ifvalue) =	ssetifvalue $0x7FFFFFFF  }
0x64: {  	[tilespmem:s29], [sflag:$0x1] =	stream.indirect_vreg.gather [hbm4b:s2+s13], $0x1, v58, vm0, $0x4038;
	[tilespmem:$0x2100] =	vst v63  }
0x65: {  	v60 =	vadd.s32 $0x16E3D80, v0;
	(ifvalue) =	ssetifvalue $0x7FFFFFFF  }
0x66: {  	s30 =	sadd.s32 $0xD00, s18;
	(ifvalue) =	ssetifvalue $0x7FFFFFFF  }
0x67: {  	[tilespmem:s30], [sflag:$0x1] =	stream.indirect_vreg.gather [hbm4b:s2+s13], $0x1, v59, vm0, $0x4038;
	[tilespmem:$0x2100] =	vst v63  }
0x68: {  	v61 =	vadd.s32 $0x16E3E00, v0;
	(ifvalue) =	ssetifvalue $0x7FFFFFFF  }
0x69: {  	s31 =	sadd.s32 $0xD80, s18;
	(ifvalue) =	ssetifvalue $0x7FFFFFFF  }
0x6a: {  	[tilespmem:s31], [sflag:$0x1] =	stream.indirect_vreg.gather [hbm4b:s2+s13], $0x1, v60, vm0, $0x4038;
	[tilespmem:$0x2100] =	vst v63  }
0x6b: {  	v62 =	vadd.s32 $0x16E3E80, v0;
	(ifvalue) =	ssetifvalue $0x7FFFFFFF  }
0x6c: {  	s20 =	sadd.s32 $0xE00, s18;
	(ifvalue) =	ssetifvalue $0x7FFFFFFF  }
0x6d: {  	[tilespmem:s20], [sflag:$0x1] =	stream.indirect_vreg.gather [hbm4b:s2+s13], $0x1, v61, vm0, $0x4038;
	[tilespmem:$0x2100] =	vst v63  }
0x6e: {  	v63 =	vadd.s32 $0x16E3F00, v0;
	(ifvalue) =	ssetifvalue $0x7FFFFFFF  }
0x6f: {  	s21 =	sadd.s32 $0xE80, s18;
	(ifvalue) =	ssetifvalue $0x7FFFFFFF  }
0x70: {  	[tilespmem:s21], [sflag:$0x1] =	stream.indirect_vreg.gather [hbm4b:s2+s13], $0x1, v62, vm0, $0x4038;
	[tilespmem:$0x2100] =	vst v63  }
0x71: {  	v0 =	vadd.s32 $0x16E3F80, v0;
	(ifvalue) =	ssetifvalue $0x7FFFFFFF  }
0x72: {  	s22 =	sadd.s32 $0xF00, s18;
	(ifvalue) =	ssetifvalue $0x7FFFFFFF  }
0x73: {  	[tilespmem:s22], [sflag:$0x1] =	stream.indirect_vreg.gather [hbm4b:s2+s13], $0x1, v63, vm0, $0x4038;
	[tilespmem:$0x2100] =	vst v63  }
0x74: {  	(ifvalue) =	ssetifvalue $0x7FFFFFFF  }
0x75: {  	s18 =	sadd.s32 $0xF80, s18;
	s23 =	sshll.u32 s15, $0x3;
	(ifvalue) =	ssetifvalue $0x7FFFFFFF  }
0x76: {  	[tilespmem:s18], [sflag:$0x1] =	stream.indirect_vreg.gather [hbm4b:s2+s13], $0x1, v0, vm0, $0x4038;
	[tilespmem:$0x2100] =	vst v63  }
0x77: {  	s24 =	sand.u32 $0x78, s15;
	s18 =	sand.u32 $0x7FFFFC00, s23  }
0x78: {  	_ =	swait.ge [sflag:s4], $0x1000;
	s15 =	sor.u32 s24, s18  }
0x79: {  	[sflag:s4] =	ssyncset.done $0x0;
	s15 =	sshrl.u32 s15, $0x3  }
0x7a: {  	[sflag:s4] =	ssyncadd.s32 $0xFFFFF000;
	s25 =	sadd.s32 s6, s15  }
0x7b: {  	[hbm:s25] =	stream.linear.scatter [tilespmem:s17], [sflag:$0x3], $0x400, $0x38;
	[tilespmem:$0x2100] =	vst v63  }
0x7c: {  	s26 =	sadd.s32 $0x500, s16;
	s28 =	sadd.s32 s15, s9  }
0x7d: {  	[hbm:s28] =	stream.linear.scatter [tilespmem:s26], [sflag:$0x3], $0x400, $0x38;
	[tilespmem:$0x2100] =	vst v63  }
0x7e: {  	s29 =	sadd.s32 $0x900, s16;
	s30 =	sadd.s32 s15, s10  }
0x7f: {  	[hbm:s30] =	stream.linear.scatter [tilespmem:s29], [sflag:$0x3], $0x400, $0x38;
	[tilespmem:$0x2100] =	vst v63  }
0x80: {  	s31 =	sadd.s32 $0xD00, s16;
	s15 =	sadd.s32 s15, s11  }
0x81: {  	[hbm:s15] =	stream.linear.scatter [tilespmem:s31], [sflag:$0x3], $0x400, $0x38;
	[tilespmem:$0x2100] =	vst v63  }
.LBB2_5:
0x82: {  	p2 =	sne.s32 s14, s12  }
.Ltmp1:
0x83: {  	p1 =	slt.u32 s14, $0x2;
	(pc) =	sbr.rel @!p2 .LBB2_6-.Ltmp1, $4  }
0x84: {  	s15 =	simm.s32 @!p1 $0x3  }
0x85: {  	_ =	swait.ge @!p1 [sflag:s15], $0x1000  }
0x86: {  	s16 =	sadd.s32 $0x1, s14;
	p0 =	por !p0, !p0;
	[sflag:s15] =	ssyncset.done @!p1 $0x0  }
0x87: {  	s14 =	smov.u32 s16;
	[sflag:s15] =	ssyncadd.s32 @!p1 $0xFFFFF000;
	s15 =	smov.u32 s3  }
.LBB2_1:
0x88: {  	p1 =	sge.u32 s14, s7  }
0x89: {  	s16 =	sxor.u32 @!p1 $0xFFFFFFFF, s14  }
0x8a: {  	s16 =	sshll.u32 @!p1 s16, $0x7  }
0x8b: {  	s31 =	sadd.s32 $0xFFFFFFFF, s14;
	s17 =	simm.s32 @!p1 $0x0;
	s16 =	sand.u32 @!p1 $0x80, s16  }
0x8c: {  	[tilespmem:s16], [sflag:$0x2] =	stream.linear.gather @!p1 [hbm4b:s8+s17], $0x80, $0x38;
	[tilespmem:$0x2100] =	vst v63  }
0x8d: {  	p1 =	sge.u32 s31, s7  }
.Ltmp2:
0x8e: {  	_ = 	snop;
	(pc) =	sbr.rel @p1 .LBB2_5-.Ltmp2, $1  }
0x8f: {  	_ =	sdelay $0x3  }
0x90: {  	s16 =	simm.s32 $0x1  }
0x91: {  	s16 =	simm.s32 @!p0 $0x0  }
0x92: {  	s17 =	sshll.u32 s16, $0xC;
	s16 =	sshll.u32 s16, $0x7  }
0x93: {  	s17 =	sor.u32 $0x100, s17;
	[dreg:$0x3] =	wrdreg s16  }
0x94: {  	[dreg:$0x4] =	wrdreg s17  }
0x95: {  	_ =	swait.ge [sflag:s5], $0x80  }
0x96: {  	s26 =	rddreg [dreg:$0x3];
	[sflag:s5] =	ssyncset.done $0x0  }
0x97: {  	[sflag:s5] =	ssyncadd.s32 $0xFFFFFF80;
	s16 =	sadd.s32 $0x0, s26  }
0x98: {  	v0 =	vld.msk [tilespmem:s16+$0x0 ss:$0x1], $0xffff;
	_ =	sdelay $0x4  }
0x99: {  	vm1 =	vgt.s32 v0, $0x0  }
0x9a: {  	v0 =	vnsel vm1, $0x0, v0  }
0x9b: {  	v0 =	vmin.u32 v0, $0xF423F  }
0x9c: {  	v1 =	vshll.u32 v0, $0x3  }
0x9d: {  	v0 =	vand.u32 $0x7F, v0;
	v1 =	vand.u32 $0x7FFC00, v1  }
0x9e: {  	v0 =	vor.u32 v0, v1;
	_ =	sdelay $0x2  }
0x9f: {  	(ifvalue) =	ssetifvalue $0x7FFFFFFF;
	s28 =	rddreg [dreg:$0x4];
	v1 =	vor.u32 $0x80, v0  }
0xa0: {  	s19 =	sadd.s32 $0x0, s28;
	(ifvalue) =	ssetifvalue $0x7FFFFFFF  }
0xa1: {  	[tilespmem:s19], [sflag:$0x1] =	stream.indirect_vreg.gather [hbm4b:s2+s13], $0x1, v0, vm0, $0x4038;
	[tilespmem:$0x2100] =	vst v63  }
0xa2: {  	v2 =	vor.u32 $0x100, v0;
	(ifvalue) =	ssetifvalue $0x7FFFFFFF  }
0xa3: {  	s16 =	sadd.s32 $0x80, s19;
	(ifvalue) =	ssetifvalue $0x7FFFFFFF  }
0xa4: {  	[tilespmem:s16], [sflag:$0x1] =	stream.indirect_vreg.gather [hbm4b:s2+s13], $0x1, v1, vm0, $0x4038;
	[tilespmem:$0x2100] =	vst v63  }
0xa5: {  	v1 =	vor.u32 $0x180, v0;
	(ifvalue) =	ssetifvalue $0x7FFFFFFF  }
0xa6: {  	s29 =	sadd.s32 $0x100, s19;
	(ifvalue) =	ssetifvalue $0x7FFFFFFF  }
0xa7: {  	[tilespmem:s29], [sflag:$0x1] =	stream.indirect_vreg.gather [hbm4b:s2+s13], $0x1, v2, vm0, $0x4038;
	[tilespmem:$0x2100] =	vst v63  }
0xa8: {  	v2 =	vor.u32 $0x200, v0;
	(ifvalue) =	ssetifvalue $0x7FFFFFFF  }
0xa9: {  	s30 =	sadd.s32 $0x180, s19;
	(ifvalue) =	ssetifvalue $0x7FFFFFFF  }
0xaa: {  	[tilespmem:s30], [sflag:$0x1] =	stream.indirect_vreg.gather [hbm4b:s2+s13], $0x1, v1, vm0, $0x4038;
	[tilespmem:$0x2100] =	vst v63  }
0xab: {  	(ifvalue) =	ssetifvalue $0x7FFFFFFF;
	v1 =	vor.u32 $0x280, v0  }
0xac: {  	s31 =	sadd.s32 $0x200, s19;
	(ifvalue) =	ssetifvalue $0x7FFFFFFF  }
0xad: {  	[tilespmem:s31], [sflag:$0x1] =	stream.indirect_vreg.gather [hbm4b:s2+s13], $0x1, v2, vm0, $0x4038;
	[tilespmem:$0x2100] =	vst v63  }
0xae: {  	(ifvalue) =	ssetifvalue $0x7FFFFFFF;
	v2 =	vor.u32 $0x300, v0  }
0xaf: {  	s17 =	sadd.s32 $0x280, s19;
	(ifvalue) =	ssetifvalue $0x7FFFFFFF  }
0xb0: {  	[tilespmem:s17], [sflag:$0x1] =	stream.indirect_vreg.gather [hbm4b:s2+s13], $0x1, v1, vm0, $0x4038;
	[tilespmem:$0x2100] =	vst v63  }
0xb1: {  	(ifvalue) =	ssetifvalue $0x7FFFFFFF;
	v1 =	vor.u32 $0x380, v0  }
0xb2: {  	s18 =	sadd.s32 $0x300, s19;
	(ifvalue) =	ssetifvalue $0x7FFFFFFF  }
0xb3: {  	[tilespmem:s18], [sflag:$0x1] =	stream.indirect_vreg.gather [hbm4b:s2+s13], $0x1, v2, vm0, $0x4038;
	[tilespmem:$0x2100] =	vst v63  }
0xb4: {  	(ifvalue) =	ssetifvalue $0x7FFFFFFF;
	v2 =	vadd.s32 $0x7A1400, v0  }
0xb5: {  	s20 =	sadd.s32 $0x380, s19;
	(ifvalue) =	ssetifvalue $0x7FFFFFFF  }
0xb6: {  	[tilespmem:s20], [sflag:$0x1] =	stream.indirect_vreg.gather [hbm4b:s2+s13], $0x1, v1, vm0, $0x4038;
	[tilespmem:$0x2100] =	vst v63  }
0xb7: {  	(ifvalue) =	ssetifvalue $0x7FFFFFFF;
	v1 =	vadd.s32 $0x7A1480, v0  }
0xb8: {  	s21 =	sadd.s32 $0x400, s19;
	(ifvalue) =	ssetifvalue $0x7FFFFFFF  }
0xb9: {  	[tilespmem:s21], [sflag:$0x1] =	stream.indirect_vreg.gather [hbm4b:s2+s13], $0x1, v2, vm0, $0x4038;
	[tilespmem:$0x2100] =	vst v63  }
0xba: {  	(ifvalue) =	ssetifvalue $0x7FFFFFFF;
	v2 =	vadd.s32 $0x7A1500, v0  }
0xbb: {  	s22 =	sadd.s32 $0x480, s19;
	(ifvalue) =	ssetifvalue $0x7FFFFFFF  }
0xbc: {  	[tilespmem:s22], [sflag:$0x1] =	stream.indirect_vreg.gather [hbm4b:s2+s13], $0x1, v1, vm0, $0x4038;
	[tilespmem:$0x2100] =	vst v63  }
0xbd: {  	(ifvalue) =	ssetifvalue $0x7FFFFFFF;
	v1 =	vadd.s32 $0x7A1580, v0  }
0xbe: {  	s23 =	sadd.s32 $0x500, s19;
	(ifvalue) =	ssetifvalue $0x7FFFFFFF  }
0xbf: {  	[tilespmem:s23], [sflag:$0x1] =	stream.indirect_vreg.gather [hbm4b:s2+s13], $0x1, v2, vm0, $0x4038;
	[tilespmem:$0x2100] =	vst v63  }
0xc0: {  	(ifvalue) =	ssetifvalue $0x7FFFFFFF;
	v2 =	vadd.s32 $0x7A1600, v0  }
0xc1: {  	s24 =	sadd.s32 $0x580, s19;
	(ifvalue) =	ssetifvalue $0x7FFFFFFF  }
0xc2: {  	[tilespmem:s24], [sflag:$0x1] =	stream.indirect_vreg.gather [hbm4b:s2+s13], $0x1, v1, vm0, $0x4038;
	[tilespmem:$0x2100] =	vst v63  }
0xc3: {  	(ifvalue) =	ssetifvalue $0x7FFFFFFF;
	v1 =	vadd.s32 $0x7A1680, v0  }
0xc4: {  	s25 =	sadd.s32 $0x600, s19;
	(ifvalue) =	ssetifvalue $0x7FFFFFFF  }
0xc5: {  	[tilespmem:s25], [sflag:$0x1] =	stream.indirect_vreg.gather [hbm4b:s2+s13], $0x1, v2, vm0, $0x4038;
	[tilespmem:$0x2100] =	vst v63  }
0xc6: {  	(ifvalue) =	ssetifvalue $0x7FFFFFFF;
	v2 =	vadd.s32 $0x7A1700, v0  }
0xc7: {  	s26 =	sadd.s32 $0x680, s19;
	(ifvalue) =	ssetifvalue $0x7FFFFFFF  }
0xc8: {  	[tilespmem:s26], [sflag:$0x1] =	stream.indirect_vreg.gather [hbm4b:s2+s13], $0x1, v1, vm0, $0x4038;
	[tilespmem:$0x2100] =	vst v63  }
0xc9: {  	(ifvalue) =	ssetifvalue $0x7FFFFFFF;
	v1 =	vadd.s32 $0x7A1780, v0  }
0xca: {  	s28 =	sadd.s32 $0x700, s19;
	(ifvalue) =	ssetifvalue $0x7FFFFFFF  }
0xcb: {  	[tilespmem:s28], [sflag:$0x1] =	stream.indirect_vreg.gather [hbm4b:s2+s13], $0x1, v2, vm0, $0x4038;
	[tilespmem:$0x2100] =	vst v63  }
0xcc: {  	(ifvalue) =	ssetifvalue $0x7FFFFFFF;
	v2 =	vadd.s32 $0xF42800, v0  }
0xcd: {  	s29 =	sadd.s32 $0x780, s19;
	(ifvalue) =	ssetifvalue $0x7FFFFFFF  }
0xce: {  	[tilespmem:s29], [sflag:$0x1] =	stream.indirect_vreg.gather [hbm4b:s2+s13], $0x1, v1, vm0, $0x4038;
	[tilespmem:$0x2100] =	vst v63  }
0xcf: {  	(ifvalue) =	ssetifvalue $0x7FFFFFFF;
	v1 =	vadd.s32 $0xF42880, v0  }
0xd0: {  	s30 =	sadd.s32 $0x800, s19;
	(ifvalue) =	ssetifvalue $0x7FFFFFFF  }
0xd1: {  	[tilespmem:s30], [sflag:$0x1] =	stream.indirect_vreg.gather [hbm4b:s2+s13], $0x1, v2, vm0, $0x4038;
	[tilespmem:$0x2100] =	vst v63  }
0xd2: {  	(ifvalue) =	ssetifvalue $0x7FFFFFFF;
	v2 =	vadd.s32 $0xF42900, v0  }
0xd3: {  	s31 =	sadd.s32 $0x880, s19;
	(ifvalue) =	ssetifvalue $0x7FFFFFFF  }
0xd4: {  	[tilespmem:s31], [sflag:$0x1] =	stream.indirect_vreg.gather [hbm4b:s2+s13], $0x1, v1, vm0, $0x4038;
	[tilespmem:$0x2100] =	vst v63  }
0xd5: {  	(ifvalue) =	ssetifvalue $0x7FFFFFFF;
	v1 =	vadd.s32 $0xF42980, v0  }
0xd6: {  	s17 =	sadd.s32 $0x900, s19;
	(ifvalue) =	ssetifvalue $0x7FFFFFFF  }
0xd7: {  	[tilespmem:s17], [sflag:$0x1] =	stream.indirect_vreg.gather [hbm4b:s2+s13], $0x1, v2, vm0, $0x4038;
	[tilespmem:$0x2100] =	vst v63  }
0xd8: {  	(ifvalue) =	ssetifvalue $0x7FFFFFFF;
	v2 =	vadd.s32 $0xF42A00, v0  }
0xd9: {  	s18 =	sadd.s32 $0x980, s19;
	(ifvalue) =	ssetifvalue $0x7FFFFFFF  }
0xda: {  	[tilespmem:s18], [sflag:$0x1] =	stream.indirect_vreg.gather [hbm4b:s2+s13], $0x1, v1, vm0, $0x4038;
	[tilespmem:$0x2100] =	vst v63  }
0xdb: {  	(ifvalue) =	ssetifvalue $0x7FFFFFFF;
	v1 =	vadd.s32 $0xF42A80, v0  }
0xdc: {  	s20 =	sadd.s32 $0xA00, s19;
	(ifvalue) =	ssetifvalue $0x7FFFFFFF  }
0xdd: {  	[tilespmem:s20], [sflag:$0x1] =	stream.indirect_vreg.gather [hbm4b:s2+s13], $0x1, v2, vm0, $0x4038;
	[tilespmem:$0x2100] =	vst v63  }
0xde: {  	(ifvalue) =	ssetifvalue $0x7FFFFFFF;
	v2 =	vadd.s32 $0xF42B00, v0  }
0xdf: {  	s21 =	sadd.s32 $0xA80, s19;
	(ifvalue) =	ssetifvalue $0x7FFFFFFF  }
0xe0: {  	[tilespmem:s21], [sflag:$0x1] =	stream.indirect_vreg.gather [hbm4b:s2+s13], $0x1, v1, vm0, $0x4038;
	[tilespmem:$0x2100] =	vst v63  }
0xe1: {  	(ifvalue) =	ssetifvalue $0x7FFFFFFF;
	v1 =	vadd.s32 $0xF42B80, v0  }
0xe2: {  	s22 =	sadd.s32 $0xB00, s19;
	(ifvalue) =	ssetifvalue $0x7FFFFFFF  }
0xe3: {  	[tilespmem:s22], [sflag:$0x1] =	stream.indirect_vreg.gather [hbm4b:s2+s13], $0x1, v2, vm0, $0x4038;
	[tilespmem:$0x2100] =	vst v63  }
0xe4: {  	(ifvalue) =	ssetifvalue $0x7FFFFFFF;
	v2 =	vadd.s32 $0x16E3C00, v0  }
0xe5: {  	s23 =	sadd.s32 $0xB80, s19;
	(ifvalue) =	ssetifvalue $0x7FFFFFFF  }
0xe6: {  	[tilespmem:s23], [sflag:$0x1] =	stream.indirect_vreg.gather [hbm4b:s2+s13], $0x1, v1, vm0, $0x4038;
	[tilespmem:$0x2100] =	vst v63  }
0xe7: {  	(ifvalue) =	ssetifvalue $0x7FFFFFFF;
	v1 =	vadd.s32 $0x16E3C80, v0  }
0xe8: {  	s24 =	sadd.s32 $0xC00, s19;
	(ifvalue) =	ssetifvalue $0x7FFFFFFF  }
0xe9: {  	[tilespmem:s24], [sflag:$0x1] =	stream.indirect_vreg.gather [hbm4b:s2+s13], $0x1, v2, vm0, $0x4038;
	[tilespmem:$0x2100] =	vst v63  }
0xea: {  	(ifvalue) =	ssetifvalue $0x7FFFFFFF;
	v2 =	vadd.s32 $0x16E3D00, v0  }
0xeb: {  	s25 =	sadd.s32 $0xC80, s19;
	(ifvalue) =	ssetifvalue $0x7FFFFFFF  }
0xec: {  	[tilespmem:s25], [sflag:$0x1] =	stream.indirect_vreg.gather [hbm4b:s2+s13], $0x1, v1, vm0, $0x4038;
	[tilespmem:$0x2100] =	vst v63  }
0xed: {  	(ifvalue) =	ssetifvalue $0x7FFFFFFF;
	v1 =	vadd.s32 $0x16E3D80, v0  }
0xee: {  	s26 =	sadd.s32 $0xD00, s19;
	(ifvalue) =	ssetifvalue $0x7FFFFFFF  }
0xef: {  	[tilespmem:s26], [sflag:$0x1] =	stream.indirect_vreg.gather [hbm4b:s2+s13], $0x1, v2, vm0, $0x4038;
	[tilespmem:$0x2100] =	vst v63  }
0xf0: {  	(ifvalue) =	ssetifvalue $0x7FFFFFFF;
	v2 =	vadd.s32 $0x16E3E00, v0  }
0xf1: {  	s28 =	sadd.s32 $0xD80, s19;
	(ifvalue) =	ssetifvalue $0x7FFFFFFF  }
0xf2: {  	[tilespmem:s28], [sflag:$0x1] =	stream.indirect_vreg.gather [hbm4b:s2+s13], $0x1, v1, vm0, $0x4038;
	[tilespmem:$0x2100] =	vst v63  }
0xf3: {  	(ifvalue) =	ssetifvalue $0x7FFFFFFF;
	v1 =	vadd.s32 $0x16E3E80, v0  }
0xf4: {  	s29 =	sadd.s32 $0xE00, s19;
	(ifvalue) =	ssetifvalue $0x7FFFFFFF  }
0xf5: {  	[tilespmem:s29], [sflag:$0x1] =	stream.indirect_vreg.gather [hbm4b:s2+s13], $0x1, v2, vm0, $0x4038;
	[tilespmem:$0x2100] =	vst v63  }
0xf6: {  	s31 =	sshll.u32 s14, $0xC;
	(ifvalue) =	ssetifvalue $0x7FFFFFFF;
	v2 =	vadd.s32 $0x16E3F00, v0  }
0xf7: {  	s30 =	sadd.s32 $0xE80, s19;
	s16 =	sand.u32 $0x1000, s31;
	(ifvalue) =	ssetifvalue $0x7FFFFFFF  }
0xf8: {  	[tilespmem:s30], [sflag:$0x1] =	stream.indirect_vreg.gather [hbm4b:s2+s13], $0x1, v1, vm0, $0x4038;
	[tilespmem:$0x2100] =	vst v63  }
0xf9: {  	s17 =	sor.u32 $0x100, s16;
	v0 =	vadd.s32 $0x16E3F80, v0;
	(ifvalue) =	ssetifvalue $0x7FFFFFFF  }
0xfa: {  	s18 =	sadd.s32 $0xF00, s19;
	s20 =	rddreg [dreg:$0x3];
	(ifvalue) =	ssetifvalue $0x7FFFFFFF  }
0xfb: {  	[tilespmem:s18], [sflag:$0x1] =	stream.indirect_vreg.gather [hbm4b:s2+s13], $0x1, v2, vm0, $0x4038;
	[tilespmem:$0x2100] =	vst v63  }
0xfc: {  	s19 =	sadd.s32 $0xF80, s19;
	s21 =	simm.s32 $0x10;
	(ifvalue) =	ssetifvalue $0x7FFFFFFF  }
0xfd: {  	s22 =	sadd.s32 $0x10, s20;
	s18 =	simm.s32 $0x80;
	(ifvalue) =	ssetifvalue $0x7FFFFFFF  }
.LBB2_3:
0xfe: {  	[tilespmem:s19], [sflag:$0x1] =	stream.indirect_vreg.gather [hbm4b:s2+s13], $0x1, v0, vm0, $0x4038;
	[tilespmem:$0x2100] =	vst v63  }
0xff: {  	v0 =	vld.msk [tilespmem:s22+$0x0 ss:$0x1], $0xffff;
	_ =	sdelay $0x4  }
0x100: {  	vm1 =	vgt.s32 v0, $0x0  }
0x101: {  	v0 =	vnsel vm1, $0x0, v0  }
0x102: {  	v0 =	vmin.u32 v0, $0xF423F  }
0x103: {  	v1 =	vshll.u32 v0, $0x3  }
0x104: {  	v0 =	vand.u32 $0x7F, v0;
	v1 =	vand.u32 $0x7FFC00, v1  }
0x105: {  	v0 =	vor.u32 v0, v1;
	_ =	sdelay $0x2  }
0x106: {  	(ifvalue) =	ssetifvalue $0x7FFFFFFF;
	s20 =	rddreg [dreg:$0x4];
	v1 =	vor.u32 $0x80, v0  }
0x107: {  	s20 =	sadd.s32 s21, s20;
	(ifvalue) =	ssetifvalue $0x7FFFFFFF  }
0x108: {  	[tilespmem:s20], [sflag:$0x1] =	stream.indirect_vreg.gather [hbm4b:s2+s13], $0x1, v0, vm0, $0x4038;
	[tilespmem:$0x2100] =	vst v63  }
0x109: {  	v2 =	vor.u32 $0x100, v0;
	(ifvalue) =	ssetifvalue $0x7FFFFFFF  }
0x10a: {  	s21 =	sadd.s32 $0x80, s20;
	(ifvalue) =	ssetifvalue $0x7FFFFFFF  }
0x10b: {  	[tilespmem:s21], [sflag:$0x1] =	stream.indirect_vreg.gather [hbm4b:s2+s13], $0x1, v1, vm0, $0x4038;
	[tilespmem:$0x2100] =	vst v63  }
0x10c: {  	v1 =	vor.u32 $0x180, v0;
	(ifvalue) =	ssetifvalue $0x7FFFFFFF  }
0x10d: {  	s29 =	sadd.s32 $0x100, s20;
	(ifvalue) =	ssetifvalue $0x7FFFFFFF  }
0x10e: {  	[tilespmem:s29], [sflag:$0x1] =	stream.indirect_vreg.gather [hbm4b:s2+s13], $0x1, v2, vm0, $0x4038;
	[tilespmem:$0x2100] =	vst v63  }
0x10f: {  	v2 =	vor.u32 $0x200, v0;
	(ifvalue) =	ssetifvalue $0x7FFFFFFF  }
0x110: {  	s30 =	sadd.s32 $0x180, s20;
	(ifvalue) =	ssetifvalue $0x7FFFFFFF  }
0x111: {  	[tilespmem:s30], [sflag:$0x1] =	stream.indirect_vreg.gather [hbm4b:s2+s13], $0x1, v1, vm0, $0x4038;
	[tilespmem:$0x2100] =	vst v63  }
0x112: {  	(ifvalue) =	ssetifvalue $0x7FFFFFFF;
	v1 =	vor.u32 $0x280, v0  }
0x113: {  	s31 =	sadd.s32 $0x200, s20;
	(ifvalue) =	ssetifvalue $0x7FFFFFFF  }
0x114: {  	[tilespmem:s31], [sflag:$0x1] =	stream.indirect_vreg.gather [hbm4b:s2+s13], $0x1, v2, vm0, $0x4038;
	[tilespmem:$0x2100] =	vst v63  }
0x115: {  	(ifvalue) =	ssetifvalue $0x7FFFFFFF;
	v2 =	vor.u32 $0x300, v0  }
0x116: {  	s22 =	sadd.s32 $0x280, s20;
	(ifvalue) =	ssetifvalue $0x7FFFFFFF  }
0x117: {  	[tilespmem:s22], [sflag:$0x1] =	stream.indirect_vreg.gather [hbm4b:s2+s13], $0x1, v1, vm0, $0x4038;
	[tilespmem:$0x2100] =	vst v63  }
0x118: {  	(ifvalue) =	ssetifvalue $0x7FFFFFFF;
	v1 =	vor.u32 $0x380, v0  }
0x119: {  	s23 =	sadd.s32 $0x300, s20;
	(ifvalue) =	ssetifvalue $0x7FFFFFFF  }
0x11a: {  	[tilespmem:s23], [sflag:$0x1] =	stream.indirect_vreg.gather [hbm4b:s2+s13], $0x1, v2, vm0, $0x4038;
	[tilespmem:$0x2100] =	vst v63  }
0x11b: {  	(ifvalue) =	ssetifvalue $0x7FFFFFFF;
	v2 =	vadd.s32 $0x7A1400, v0  }
0x11c: {  	s24 =	sadd.s32 $0x380, s20;
	(ifvalue) =	ssetifvalue $0x7FFFFFFF  }
0x11d: {  	[tilespmem:s24], [sflag:$0x1] =	stream.indirect_vreg.gather [hbm4b:s2+s13], $0x1, v1, vm0, $0x4038;
	[tilespmem:$0x2100] =	vst v63  }
0x11e: {  	(ifvalue) =	ssetifvalue $0x7FFFFFFF;
	v1 =	vadd.s32 $0x7A1480, v0  }
0x11f: {  	s25 =	sadd.s32 $0x400, s20;
	(ifvalue) =	ssetifvalue $0x7FFFFFFF  }
0x120: {  	[tilespmem:s25], [sflag:$0x1] =	stream.indirect_vreg.gather [hbm4b:s2+s13], $0x1, v2, vm0, $0x4038;
	[tilespmem:$0x2100] =	vst v63  }
0x121: {  	(ifvalue) =	ssetifvalue $0x7FFFFFFF;
	v2 =	vadd.s32 $0x7A1500, v0  }
0x122: {  	s26 =	sadd.s32 $0x480, s20;
	(ifvalue) =	ssetifvalue $0x7FFFFFFF  }
0x123: {  	[tilespmem:s26], [sflag:$0x1] =	stream.indirect_vreg.gather [hbm4b:s2+s13], $0x1, v1, vm0, $0x4038;
	[tilespmem:$0x2100] =	vst v63  }
0x124: {  	(ifvalue) =	ssetifvalue $0x7FFFFFFF;
	v1 =	vadd.s32 $0x7A1580, v0  }
0x125: {  	s28 =	sadd.s32 $0x500, s20;
	(ifvalue) =	ssetifvalue $0x7FFFFFFF  }
0x126: {  	[tilespmem:s28], [sflag:$0x1] =	stream.indirect_vreg.gather [hbm4b:s2+s13], $0x1, v2, vm0, $0x4038;
	[tilespmem:$0x2100] =	vst v63  }
0x127: {  	(ifvalue) =	ssetifvalue $0x7FFFFFFF;
	v2 =	vadd.s32 $0x7A1600, v0  }
0x128: {  	s29 =	sadd.s32 $0x580, s20;
	(ifvalue) =	ssetifvalue $0x7FFFFFFF  }
0x129: {  	[tilespmem:s29], [sflag:$0x1] =	stream.indirect_vreg.gather [hbm4b:s2+s13], $0x1, v1, vm0, $0x4038;
	[tilespmem:$0x2100] =	vst v63  }
0x12a: {  	(ifvalue) =	ssetifvalue $0x7FFFFFFF;
	v1 =	vadd.s32 $0x7A1680, v0  }
0x12b: {  	s30 =	sadd.s32 $0x600, s20;
	(ifvalue) =	ssetifvalue $0x7FFFFFFF  }
0x12c: {  	[tilespmem:s30], [sflag:$0x1] =	stream.indirect_vreg.gather [hbm4b:s2+s13], $0x1, v2, vm0, $0x4038;
	[tilespmem:$0x2100] =	vst v63  }
0x12d: {  	(ifvalue) =	ssetifvalue $0x7FFFFFFF;
	v2 =	vadd.s32 $0x7A1700, v0  }
0x12e: {  	s31 =	sadd.s32 $0x680, s20;
	(ifvalue) =	ssetifvalue $0x7FFFFFFF  }
0x12f: {  	[tilespmem:s31], [sflag:$0x1] =	stream.indirect_vreg.gather [hbm4b:s2+s13], $0x1, v1, vm0, $0x4038;
	[tilespmem:$0x2100] =	vst v63  }
0x130: {  	(ifvalue) =	ssetifvalue $0x7FFFFFFF;
	v1 =	vadd.s32 $0x7A1780, v0  }
0x131: {  	s22 =	sadd.s32 $0x700, s20;
	(ifvalue) =	ssetifvalue $0x7FFFFFFF  }
0x132: {  	[tilespmem:s22], [sflag:$0x1] =	stream.indirect_vreg.gather [hbm4b:s2+s13], $0x1, v2, vm0, $0x4038;
	[tilespmem:$0x2100] =	vst v63  }
0x133: {  	(ifvalue) =	ssetifvalue $0x7FFFFFFF;
	v2 =	vadd.s32 $0xF42800, v0  }
0x134: {  	s23 =	sadd.s32 $0x780, s20;
	(ifvalue) =	ssetifvalue $0x7FFFFFFF  }
0x135: {  	[tilespmem:s23], [sflag:$0x1] =	stream.indirect_vreg.gather [hbm4b:s2+s13], $0x1, v1, vm0, $0x4038;
	[tilespmem:$0x2100] =	vst v63  }
0x136: {  	(ifvalue) =	ssetifvalue $0x7FFFFFFF;
	v1 =	vadd.s32 $0xF42880, v0  }
0x137: {  	s24 =	sadd.s32 $0x800, s20;
	(ifvalue) =	ssetifvalue $0x7FFFFFFF  }
0x138: {  	[tilespmem:s24], [sflag:$0x1] =	stream.indirect_vreg.gather [hbm4b:s2+s13], $0x1, v2, vm0, $0x4038;
	[tilespmem:$0x2100] =	vst v63  }
0x139: {  	(ifvalue) =	ssetifvalue $0x7FFFFFFF;
	v2 =	vadd.s32 $0xF42900, v0  }
0x13a: {  	s25 =	sadd.s32 $0x880, s20;
	(ifvalue) =	ssetifvalue $0x7FFFFFFF  }
0x13b: {  	[tilespmem:s25], [sflag:$0x1] =	stream.indirect_vreg.gather [hbm4b:s2+s13], $0x1, v1, vm0, $0x4038;
	[tilespmem:$0x2100] =	vst v63  }
0x13c: {  	(ifvalue) =	ssetifvalue $0x7FFFFFFF;
	v1 =	vadd.s32 $0xF42980, v0  }
0x13d: {  	s26 =	sadd.s32 $0x900, s20;
	(ifvalue) =	ssetifvalue $0x7FFFFFFF  }
0x13e: {  	[tilespmem:s26], [sflag:$0x1] =	stream.indirect_vreg.gather [hbm4b:s2+s13], $0x1, v2, vm0, $0x4038;
	[tilespmem:$0x2100] =	vst v63  }
0x13f: {  	(ifvalue) =	ssetifvalue $0x7FFFFFFF;
	v2 =	vadd.s32 $0xF42A00, v0  }
0x140: {  	s28 =	sadd.s32 $0x980, s20;
	(ifvalue) =	ssetifvalue $0x7FFFFFFF  }
0x141: {  	[tilespmem:s28], [sflag:$0x1] =	stream.indirect_vreg.gather [hbm4b:s2+s13], $0x1, v1, vm0, $0x4038;
	[tilespmem:$0x2100] =	vst v63  }
0x142: {  	(ifvalue) =	ssetifvalue $0x7FFFFFFF;
	v1 =	vadd.s32 $0xF42A80, v0  }
0x143: {  	s29 =	sadd.s32 $0xA00, s20;
	(ifvalue) =	ssetifvalue $0x7FFFFFFF  }
0x144: {  	[tilespmem:s29], [sflag:$0x1] =	stream.indirect_vreg.gather [hbm4b:s2+s13], $0x1, v2, vm0, $0x4038;
	[tilespmem:$0x2100] =	vst v63  }
0x145: {  	(ifvalue) =	ssetifvalue $0x7FFFFFFF;
	v2 =	vadd.s32 $0xF42B00, v0  }
0x146: {  	s30 =	sadd.s32 $0xA80, s20;
	(ifvalue) =	ssetifvalue $0x7FFFFFFF  }
0x147: {  	[tilespmem:s30], [sflag:$0x1] =	stream.indirect_vreg.gather [hbm4b:s2+s13], $0x1, v1, vm0, $0x4038;
	[tilespmem:$0x2100] =	vst v63  }
0x148: {  	(ifvalue) =	ssetifvalue $0x7FFFFFFF;
	v1 =	vadd.s32 $0xF42B80, v0  }
0x149: {  	s31 =	sadd.s32 $0xB00, s20;
	(ifvalue) =	ssetifvalue $0x7FFFFFFF  }
0x14a: {  	[tilespmem:s31], [sflag:$0x1] =	stream.indirect_vreg.gather [hbm4b:s2+s13], $0x1, v2, vm0, $0x4038;
	[tilespmem:$0x2100] =	vst v63  }
0x14b: {  	(ifvalue) =	ssetifvalue $0x7FFFFFFF;
	v2 =	vadd.s32 $0x16E3C00, v0  }
0x14c: {  	s22 =	sadd.s32 $0xB80, s20;
	(ifvalue) =	ssetifvalue $0x7FFFFFFF  }
0x14d: {  	[tilespmem:s22], [sflag:$0x1] =	stream.indirect_vreg.gather [hbm4b:s2+s13], $0x1, v1, vm0, $0x4038;
	[tilespmem:$0x2100] =	vst v63  }
0x14e: {  	(ifvalue) =	ssetifvalue $0x7FFFFFFF;
	v1 =	vadd.s32 $0x16E3C80, v0  }
0x14f: {  	s23 =	sadd.s32 $0xC00, s20;
	(ifvalue) =	ssetifvalue $0x7FFFFFFF  }
0x150: {  	[tilespmem:s23], [sflag:$0x1] =	stream.indirect_vreg.gather [hbm4b:s2+s13], $0x1, v2, vm0, $0x4038;
	[tilespmem:$0x2100] =	vst v63  }
0x151: {  	(ifvalue) =	ssetifvalue $0x7FFFFFFF;
	v2 =	vadd.s32 $0x16E3D00, v0  }
0x152: {  	s24 =	sadd.s32 $0xC80, s20;
	(ifvalue) =	ssetifvalue $0x7FFFFFFF  }
0x153: {  	[tilespmem:s24], [sflag:$0x1] =	stream.indirect_vreg.gather [hbm4b:s2+s13], $0x1, v1, vm0, $0x4038;
	[tilespmem:$0x2100] =	vst v63  }
0x154: {  	(ifvalue) =	ssetifvalue $0x7FFFFFFF;
	v1 =	vadd.s32 $0x16E3D80, v0  }
0x155: {  	s25 =	sadd.s32 $0xD00, s20;
	(ifvalue) =	ssetifvalue $0x7FFFFFFF  }
0x156: {  	[tilespmem:s25], [sflag:$0x1] =	stream.indirect_vreg.gather [hbm4b:s2+s13], $0x1, v2, vm0, $0x4038;
	[tilespmem:$0x2100] =	vst v63  }
0x157: {  	(ifvalue) =	ssetifvalue $0x7FFFFFFF;
	v2 =	vadd.s32 $0x16E3E00, v0  }
0x158: {  	s26 =	sadd.s32 $0xD80, s20;
	(ifvalue) =	ssetifvalue $0x7FFFFFFF  }
0x159: {  	[tilespmem:s26], [sflag:$0x1] =	stream.indirect_vreg.gather [hbm4b:s2+s13], $0x1, v1, vm0, $0x4038;
	[tilespmem:$0x2100] =	vst v63  }
0x15a: {  	(ifvalue) =	ssetifvalue $0x7FFFFFFF;
	v1 =	vadd.s32 $0x16E3E80, v0  }
0x15b: {  	s28 =	sadd.s32 $0xE00, s20;
	(ifvalue) =	ssetifvalue $0x7FFFFFFF  }
0x15c: {  	[tilespmem:s28], [sflag:$0x1] =	stream.indirect_vreg.gather [hbm4b:s2+s13], $0x1, v2, vm0, $0x4038;
	[tilespmem:$0x2100] =	vst v63  }
0x15d: {  	(ifvalue) =	ssetifvalue $0x7FFFFFFF;
	v2 =	vadd.s32 $0x16E3F00, v0  }
0x15e: {  	p1 =	sne.s32 s18, $0x1C0;
	s29 =	sadd.s32 $0xE80, s20;
	(ifvalue) =	ssetifvalue $0x7FFFFFFF  }
0x15f: {  	[tilespmem:s29], [sflag:$0x1] =	stream.indirect_vreg.gather [hbm4b:s2+s13], $0x1, v1, vm0, $0x4038;
	[tilespmem:$0x2100] =	vst v63  }
.Ltmp3:
0x160: {  	s19 =	smov.u32 s18;
	(ifvalue) =	ssetifvalue $0x7FFFFFFF;
	(pc) =	sbr.rel @p1 .LBB2_3-.Ltmp3, $4  }
0x161: {  	s31 =	sadd.s32 $0xF00, s20;
	s30 =	rddreg [dreg:$0x3];
	(ifvalue) =	ssetifvalue $0x7FFFFFFF  }
0x162: {  	[tilespmem:s31], [sflag:$0x1] =	stream.indirect_vreg.gather [hbm4b:s2+s13], $0x1, v2, vm0, $0x4038;
	[tilespmem:$0x2100] =	vst v63  }
0x163: {  	s18 =	sadd.s32 $0x40, s18;
	s21 =	sshra.s32 s19, $0x2;
	(ifvalue) =	ssetifvalue $0x7FFFFFFF  }
0x164: {  	s19 =	sadd.s32 $0xF80, s20;
	v0 =	vadd.s32 $0x16E3F80, v0;
	s22 =	sadd.s32 s21, s30;
	(ifvalue) =	ssetifvalue $0x7FFFFFFF  }
.Ltmp4:
0x165: {  	_ = 	snop;
	(pc) =	sbr.rel .LBB2_4-.Ltmp4, $1  }
0x166: {  	_ =	sdelay $0x3  }
.LBB2_6:
0x167: {  	_ =	sfence.sel $0x180000  }
0x168: {  	s2 =	simm.s32 $0x2;
	[bflag:$0x0] =	sbarrier.arrive $0xFFFF  }
0x169: {  	s30 =	simm.s32 $0x3;
	[sflag:s2] =	ssyncpa.u1 $0x1  }
0x16a: {  	s31 =	simm.s32 $0x1;
	[sflag:s30] =	ssyncpa.u1 $0x1  }
0x16b: {  	[sflag:s31] =	ssyncpa.u1 $0x1  }
0x16c: {  	p0 =	sne.s32 s0, $0x0;
	_ =	strace $0x90000047  }
0x16d: {  	s0 =	sadd.s32 @!p0 $0x100000, s1;
	[bflag:$0x2] =	sbarrier.arrive $0xFFFF  }
0x16e: {  	[sflag:s0] =	ssyncadd.tile.s32 @!p0 $0x1;
	_ =	shalt  }
.Lfunc_end2:
_tile_overlayer_lowered:
.L_overlay_start_2:
0x16f: {  	(tag) =	ssettag $0x2  }
0x170: {  	s0 =	rddreg [dreg:$0x0];
	s2 =	stileid.u32  }
0x171: {  	s1 =	rddreg [dreg:$0x1];
	p0 =	sne.s32 s2, $0x0  }
0x172: {  	s3 =	rddreg [dreg:$0x2];
	[bflag:$0x3] =	sbarrier.arrive $0xFFFF;
	s2 =	simm.s32 @!p0 $0x1C01  }
0x173: {  	[timem:s3], [sflag:s2] =	dma.local @!p0 [hbm:s0], s1  }
0x174: {  	s0 =	simm.s32 @!p0 $0x1  }
0x175: {  	_ =	swait.ge @!p0 [sflag:s0], s1  }
0x176: {  	s1 =	ssub.s32 @!p0 $0x0, s1;
	[sflag:s0] =	ssyncset.done @!p0 $0x0  }
0x177: {  	[sflag:s0] =	ssyncadd.s32 @!p0 s1  }
0x178: {  	[bflag:$0x3] =	sbarrier.arrive $0xFFFF  }
0x179: {  	_ =	shalt  }

// kernel: kernel.3.cloned.1.call-start
scs
__scs_entry_jumppad:
0x0: {  	(pc) =	sbr.rel $0x88, $3  }
0x1: {  	(tag) =	ssettag $0x0;
	lr =	simm.s32 $0x1  }
0x2: {  	[smem:$0x3F9D] =	sst lr;
	_ =	strace $0xD0000000  }
0x3: {  	_ = 	snop  }
0x4: {  	_ = 	snop  }
0x5: {  	_ = 	snop  }
0x6: {  	_ = 	snop  }
0x7: {  	_ = 	snop  }
__scs_overlays_trampoline_lowered:
0x8: {  	[smem:$0x3FAC] =	sst s0  }
0x9: {  	[smem:$0x3FAD] =	sst s1  }
0xa: {  	[smem:$0x3FAE] =	sst s2  }
0xb: {  	[smem:$0x3FAF] =	sst s3  }
0xc: {  	[smem:$0x3FB0] =	sst s4  }
0xd: {  	[smem:$0x3FB1] =	sst s5  }
0xe: {  	[smem:$0x3FB2] =	sst s6  }
0xf: {  	[smem:$0x3FB3] =	sst s7  }
0x10: {  	[smem:$0x3FB4] =	sst s8  }
0x11: {  	[smem:$0x3FB5] =	sst s9;
	s0 =	simm.s32 @!p0 $0x0  }
0x12: {  	s1 =	sld [smem:$0x3F9B];
	s0 =	simm.s32 @p0 $0x1  }
0x13: {  	[smem:$0x3FB6] =	sst s0;
	s0 =	simm.s32 @!p1 $0x0  }
0x14: {  	s2 =	sld [smem:$0x3F9A];
	s0 =	simm.s32 @p1 $0x1  }
0x15: {  	[smem:$0x3FB7] =	sst s0;
	s0 =	simm.s32 @!p2 $0x0  }
0x16: {  	s3 =	sld [smem:$0x3FDB];
	s0 =	simm.s32 @p2 $0x1  }
0x17: {  	s4 =	simm.s32 $0x1BF5;
	[smem:$0x3FB9] =	sst s0  }
0x18: {  	s0 =	sld [smem:$0x3F9C];
	_ =	swait.ge [sflag:s4], $0x0  }
0x19: {  	s7 =	sld [smem:$0x3F9D]  }
0x1a: {  	s8 =	sadd.s32 $0xFFFFE003, lr  }
0x1b: {  	s9 =	sadd.s32 $0xFFFFFEF7, lr;
	s5 =	simm.s32 $0xFFFFFFFF;
	p2 =	slt.u32 s8, $0xFFFFF086  }
0x1c: {  	p1 =	slt.u32 s9, $0xF7A;
	s5 =	simm.s32 @!p2 $0x0  }
0x1d: {  	s5 =	simm.s32 @p1 $0x1;
	p0 =	seq.s32 s7, s2  }
0x1e: {  	s7 =	smul.u32 @!p0 $0xF7A, s2;
	p2 =	seq.s32 @!p0 s5, $0x0  }
0x1f: {  	s9 =	smul.u32 $0xF7A, s1;
	s8 =	simm.s32 @!p0 $0x1BF5;
	p2 =	por !p2, p0  }
0x20: {  	[sflag:s8] =	ssyncset.s32 @!p0 $0xFFFFF086;
	s6 =	sadd.s32 @!p0 s3, s7;
	s7 =	simm.s32 @!p0 $0x108  }
0x21: {  	s3 =	sadd.s32 s3, s9;
	s6 =	sadd.s32 @!p0 $0x88, s6;
	s7 =	simm.s32 @p2 $0x1082  }
0x22: {  	[simem:s7], [sflag:s8] =	dma.local @!p0 [hbm:s6], $0xF7A  }
0x23: {  	s9 =	sor.u32 $0xD0000000, s2;
	s6 =	simm.s32 $0x108;
	_ =	swait.ge @!p0 [sflag:s8], $0x0  }
0x24: {  	s3 =	sadd.s32 $0x88, s3;
	s6 =	simm.s32 @!p1 $0x1082;
	[sflag:s4] =	ssyncset.s32 $0xFFFFF086  }
0x25: {  	[simem:s6], [sflag:s4] =	dma.local [hbm:s3], $0xF7A  }
0x26: {  	[smem:$0x3F9D] =	sst s1;
	(tag) =	ssettag s2;
	_ =	strace s9  }
0x27: {  	s1 =	sld [smem:$0x3FAD]  }
0x28: {  	s2 =	sld [smem:$0x3FAE]  }
0x29: {  	s4 =	sld [smem:$0x3FB0]  }
0x2a: {  	p0 =	seq.s32 s5, $0x0;
	s5 =	sld [smem:$0x3FB1]  }
0x2b: {  	s6 =	sld [smem:$0x3FB2]  }
0x2c: {  	s7 =	sld [smem:$0x3FB3]  }
0x2d: {  	s3 =	simm.s32 $0x108;
	s8 =	sld [smem:$0x3FB4]  }
0x2e: {  	s3 =	simm.s32 @!p0 $0x1082;
	s9 =	sld [smem:$0x3FB5]  }
0x2f: {  	lr =	sadd.s32 s0, s3;
	s0 =	sld [smem:$0x3FAC]  }
0x30: {  	s3 =	sld [smem:$0x3FAF]  }
0x31: {  	[smem:$0x3FB8] =	sst s10  }
0x32: {  	s10 =	sld [smem:$0x3FB6];
	_ =	sdelay $0x3  }
0x33: {  	p0 =	seq.s32 s10, $0x1;
	s10 =	sld [smem:$0x3FB8];
	_ =	sdelay $0x3  }
0x34: {  	[smem:$0x3FB8] =	sst s10  }
0x35: {  	s10 =	sld [smem:$0x3FB7];
	_ =	sdelay $0x3  }
0x36: {  	p1 =	seq.s32 s10, $0x1;
	s10 =	sld [smem:$0x3FB8];
	_ =	sdelay $0x3  }
0x37: {  	[smem:$0x3FB8] =	sst s10  }
0x38: {  	s10 =	sld [smem:$0x3FB9]  }
0x39: {  	_ = 	snop;
	(pc) =	sbr.ind lr, $3  }
0x3a: {  	_ = 	snop  }
0x3b: {  	_ = 	snop  }
0x3c: {  	p2 =	seq.s32 s10, $0x1;
	s10 =	sld [smem:$0x3FB8]  }
0x3d: {  	_ =	shalt  }
0x3e: {  	_ =	shalt  }
0x3f: {  	_ =	shalt  }
0x40: {  	_ =	shalt  }
0x41: {  	_ =	shalt  }
0x42: {  	_ =	shalt  }
0x43: {  	_ =	shalt  }
0x44: {  	_ =	shalt  }
0x45: {  	_ =	shalt  }
0x46: {  	_ =	shalt  }
0x47: {  	_ =	shalt  }
0x48: {  	_ =	shalt  }
0x49: {  	_ =	shalt  }
0x4a: {  	_ =	shalt  }
0x4b: {  	_ =	shalt  }
0x4c: {  	_ =	shalt  }
0x4d: {  	_ =	shalt  }
0x4e: {  	_ =	shalt  }
0x4f: {  	_ =	shalt  }
0x50: {  	_ =	shalt  }
0x51: {  	_ =	shalt  }
0x52: {  	_ =	shalt  }
0x53: {  	_ =	shalt  }
0x54: {  	_ =	shalt  }
0x55: {  	_ =	shalt  }
0x56: {  	_ =	shalt  }
0x57: {  	_ =	shalt  }
0x58: {  	_ =	shalt  }
0x59: {  	_ =	shalt  }
0x5a: {  	_ =	shalt  }
0x5b: {  	_ =	shalt  }
0x5c: {  	_ =	shalt  }
0x5d: {  	_ =	shalt  }
0x5e: {  	_ =	shalt  }
0x5f: {  	_ =	shalt  }
0x60: {  	_ =	shalt  }
0x61: {  	_ =	shalt  }
0x62: {  	_ =	shalt  }
0x63: {  	_ =	shalt  }
0x64: {  	_ =	shalt  }
0x65: {  	_ =	shalt  }
0x66: {  	_ =	shalt  }
0x67: {  	_ =	shalt  }
0x68: {  	_ =	shalt  }
0x69: {  	_ =	shalt  }
0x6a: {  	_ =	shalt  }
0x6b: {  	_ =	shalt  }
0x6c: {  	_ =	shalt  }
0x6d: {  	_ =	shalt  }
0x6e: {  	_ =	shalt  }
0x6f: {  	_ =	shalt  }
0x70: {  	_ =	shalt  }
0x71: {  	_ =	shalt  }
0x72: {  	_ =	shalt  }
0x73: {  	_ =	shalt  }
0x74: {  	_ =	shalt  }
0x75: {  	_ =	shalt  }
0x76: {  	_ =	shalt  }
0x77: {  	_ =	shalt  }
0x78: {  	_ =	shalt  }
0x79: {  	_ =	shalt  }
0x7a: {  	_ =	shalt  }
0x7b: {  	_ =	shalt  }
0x7c: {  	_ =	shalt  }
0x7d: {  	_ =	shalt  }
0x7e: {  	_ =	shalt  }
0x7f: {  	_ =	shalt  }
0x80: {  	_ =	shalt  }
0x81: {  	_ =	shalt  }
0x82: {  	_ =	shalt  }
0x83: {  	_ =	shalt  }
0x84: {  	_ =	shalt  }
0x85: {  	_ =	shalt  }
0x86: {  	_ =	shalt  }
0x87: {  	_ =	shalt  }
.Lfunc_end0:
.L_simem_size_0:
called_computation.1_lowered:
.L_overlay_start_0:
0x88: {  	s2 =	sld [smem:$0x3FD9]  }
0x89: {  	s3 =	sld [smem:$0x3FFE];
	_ =	sdelay $0x1  }
0x8a: {  	s1 =	srdreg.scid  }
0x8b: {  	s0 =	sand.u32 $0x1, s1  }
0x8c: {  	s14 =	sshll.u32 s0, $0xA;
	s2 =	sadd.s32 s3, s2  }
0x8d: {  	s2 =	sadd.s32 s2, s14  }
0x8e: {  	[smem:$0x3FC4] =	sst s2  }
0x8f: {  	_ = 	snop  }
0x90: {  	s2 =	sld [smem:$0x3FD0];
	_ =	sdelay $0x2  }
0x91: {  	s15 =	simm.s32 $0xA;
	s4 =	simm.s32 $0x10  }
0x92: {  	[smem:s4], [sflag:s15] =	dma.local [hbm:s2], $0x1  }
0x93: {  	_ =	swait.eq [sflag:s15], $0x1  }
0x94: {  	[sflag:s15] =	ssyncset.done $0x0  }
0x95: {  	[sflag:s15] =	ssyncadd.s32 $0xFFFFFFFF  }
0x96: {  	s16 =	sld [smem:$0x10];
	(tm) =	ssettm $0x1  }
0x97: {  	s17 =	sld [smem:$0x3FFB];
	_ =	sdelay $0x3  }
0x98: {  	_ =	strace s17  }
0x99: {  	s3 =	sld [smem:$0x3FFC];
	_ =	sdelay $0x3  }
0x9a: {  	_ =	strace s3  }
0x9b: {  	s3 =	sld [smem:$0x3FFD];
	_ =	sdelay $0x3  }
0x9c: {  	_ =	strace s3  }
0x9d: {  	_ =	strace $0x8FFFFFFF  }
0x9e: {  	s18 =	sld [smem:$0x3FDB];
	_ =	sdelay $0x1  }
0x9f: {  	s19 =	simm.s32 $_scs_section_size  }
0xa0: {  	s5 =	simm.s32 $_size__tile_overlayer_lowered;
	s6 =	simm.s32 $_tile_overlayer_lowered  }
0xa1: {  	s22 =	simm.s32 $0x1BFF;
	s21 =	sshll.u32 s6, $0x1;
	s3 =	sadd.s32 s19, s18  }
0xa2: {  	s7 =	simm.s32 $0x0;
	s20 =	sshll.u32 s5, $0x1;
	s5 =	sadd.s32 s21, s3  }
0xa3: {  	[timem:s7], [sflag:s22] =	dma.local [hbm:s5], s20  }
0xa4: {  	_ =	swait.ge [sflag:s22], s20  }
0xa5: {  	s4 =	ssub.s32 $0x0, s20;
	[sflag:s22] =	ssyncset.done $0x0  }
0xa6: {  	[sflag:s22] =	ssyncadd.s32 s4;
	_ =	sdelay $0x1  }
0xa7: {  	s23 =	simm.s32 $0x1B8B  }
0xa8: {  	_ =	swait.ge [sflag:s23], $0x1  }
0xa9: {  	[sflag:s23] =	ssyncset.done $0x0  }
0xaa: {  	s25 =	simm.s32 $0x1B8E;
	s24 =	sld [smem:$0x3FFE];
	[sflag:s23] =	ssyncadd.s32 $0xFFFFFFFF  }
0xab: {  	s26 =	simm.s32 $execute0_lowered;
	[smem:$0x3FD2] =	sst s25  }
0xac: {  	s5 =	sshll.u32 s26, $0x1;
	_ =	strace $0x80000049;
	[dreg:$0x1] =	wrdreg $0xFFFFFFFF  }
0xad: {  	s28 =	simm.s32 $_size_execute0_lowered;
	s3 =	sadd.s32 s3, s5;
	[dreg:$0x0] =	wrdreg $0x0  }
0xae: {  	s5 =	sshll.u32 s28, $0x1;
	[dreg:$0x2] =	wrdreg s3  }
0xaf: {  	[dreg:$0x3] =	wrdreg s5  }
0xb0: {  	[dreg:$0x4] =	wrdreg $0xC0  }
0xb1: {  	_ =	task [dreg:s7], $0x5FFFF  }
0xb2: {  	[dreg:$0x1] =	wrdreg $0xFFFFFFFF  }
0xb3: {  	[dreg:$0x0] =	wrdreg $0x60  }
0xb4: {  	[dreg:$0x2] =	wrdreg s24  }
0xb5: {  	[dreg:$0x3] =	wrdreg s16  }
0xb6: {  	[dreg:$0x4] =	wrdreg $0x9  }
0xb7: {  	_ =	task.clear_ibuf [dreg:s7], $0x5FFFF;
	_ =	strace $0x90000049  }
0xb8: {  	s29 =	simm.s32 $0x9;
	_ =	strace $0x8000004B  }
0xb9: {  	_ =	swait.ge [sflag:s29], $0x1  }
0xba: {  	[sflag:s29] =	ssyncadd.s32 $0xFFFFFFFF  }
0xbb: {  	_ =	strace $0x9000004B  }
0xbc: {  	_ =	sfence  }
0xbd: {  	s30 =	sld [smem:$0x0];
	_ =	sdelay $0x2  }
0xbe: {  	s31 =	sshll.u32 s1, $0xD;
	s1 =	sshrl.u32 s1, $0x2  }
0xbf: {  	s3 =	sand.u32 $0x4000, s31;
	s1 =	sadd.s32 s1, s30  }
0xc0: {  	s0 =	sor.u32 s3, s0;
	s1 =	sshll.u32 s1, $0x11  }
0xc1: {  	s0 =	sor.u32 s1, s0  }
0xc2: {  	s0 =	sadd.s32 $0x8F2B, s0  }
0xc3: {  	[sflag:s0] =	ssyncadd.remote.s32 $0x1  }
0xc4: {  	_ =	sfence.sel $0xFFFF  }
0xc5: {  	[dreg:$0x0] =	wrdreg $0xFFFFFFFF;
	(pc) =	sbr.abs _section_cstart, $3  }
0xc6: {  	[dreg:$0x1] =	wrdreg $0xFFFFFFFF  }
0xc7: {  	_ =	task.clear_ibuf [dreg:s7], $0x2FFFF;
	_ =	strace $0x9FFFFFFF  }
0xc8: {  	(tm) =	ssettm $0x7FFFFFFF  }
0xc9: {  	_ =	shalt  }
tec
execute0_lowered:
.L_overlay_start_1:
0x0: {  	(tag) =	ssettag $0x1  }
0x1: {  	s0 =	rddreg [dreg:$0x0]  }
0x2: {  	s1 =	rddreg [dreg:$0x1];
	s2 =	simm.s32 $0x0;
	s3 =	srdreg.scid  }
0x3: {  	s5 =	stileid.u32;
	s9 =	simm.s32 $0x2;
	s11 =	simm.s32 $0x80  }
0x4: {  	s15 =	simm.s32 $0xEA00;
	s16 =	simm.s32 $0x700;
	s17 =	simm.s32 $0xFA00  }
0x5: {  	s18 =	simm.s32 $0x780;
	s19 =	simm.s32 $0x10A00;
	s20 =	simm.s32 $0x800  }
0x6: {  	s21 =	simm.s32 $0x11A00;
	s22 =	simm.s32 $0x880;
	s23 =	simm.s32 $0x12A00  }
0x7: {  	s24 =	simm.s32 $0x900;
	s28 =	simm.s32 $0x14A00;
	s29 =	simm.s32 $0x1  }
0x8: {  	s30 =	simm.s32 $0x15A00;
	s31 =	simm.s32 $0x16A00;
	[smem:$0x7FF] =	sst s2  }
0x9: {  	s4 =	sand.u32 $0x1, s3;
	s25 =	sshll.u32 s5, $0x1;
	s3 =	sadd.s32 $0x18B800, s0  }
0xa: {  	_ =	strace $0x8000004A;
	s5 =	sor.u32 s4, s25;
	s4 =	ssub.s32 $0x2, s4  }
0xb: {  	vm0 =	vmmov $0x1;
	vm1 =	vmmov $0x3;
	vm2 =	vmmov $0x7;
	s25 =	simm.s32 $0x13A00;
	s6 =	sshll.u32 s5, $0x9;
	s7 =	sshll.u32 s5, $0x1  }
0xc: {  	vm3 =	vmmov $0xf;
	vm4 =	vmmov $0x1f;
	vm5 =	vmmov $0x3f;
	s5 =	smul.u32 $0x140, s5;
	s26 =	sshrl.u32 s4, $0x1;
	s6 =	sadd.s32 s6, s0  }
0xd: {  	vm6 =	vmmov $0x7f;
	vm7 =	vmmov $0xff;
	vm8 =	vmmov $0x1ff;
	s0 =	sadd.s32 s7, s0;
	s8 =	ssub.s32 s4, s26;
	s26 =	simm.s32 $0x980  }
0xe: {  	vm9 =	vmmov $0x3ff;
	vm10 =	vmmov $0x7ff;
	vm11 =	vmmov $0xfff;
	s4 =	sadd.s32 s1, s5;
	s5 =	sadd.s32 $0xC00, s6;
	s6 =	sadd.s32 $0x4C00, s6  }
0xf: {  	vm12 =	vmmov $0x1fff;
	vm13 =	vmmov $0x3fff;
	vm14 =	vmmov $0x7fff;
	s7 =	sadd.s32 $0x8C00, s0;
	s8 =	smax.u32 s8, $0x1;
	s0 =	simm.s32 $0x0  }
.LBB2_1:
0x10: {  	[tilespmem:s2], [sflag:$0x2] =	stream.linear.gather [hbm4b:s4+s2], $0xA00, $0x38;
	[tilespmem:$0x16A10] =	vst v63  }
0x11: {  	_ =	swait.ge [sflag:s9], $0xA00  }
0x12: {  	[sflag:s9] =	ssyncset.done $0x0  }
0x13: {  	s1 =	simm.s32 $0xA00;
	[sflag:s9] =	ssyncadd.s32 $0xFFFFF600  }
0x14: {  	[tilespmem:s1], [sflag:$0x2] =	stream.linear.gather [hbm4b:s5+s2], $0x1000, $0x38;
	[tilespmem:$0x16A10] =	vst v63  }
0x15: {  	_ =	swait.ge [sflag:s9], $0x1000  }
0x16: {  	[sflag:s9] =	ssyncset.done $0x0  }
0x17: {  	s14 =	simm.s32 $0x1A00;
	[sflag:s9] =	ssyncadd.s32 $0xFFFFF000  }
0x18: {  	[tilespmem:s14], [sflag:$0x1] =	stream.indirect.gather [hbm4b:s3+s11], $0x20, s2, s11, $0xb8;
	[tilespmem:$0x16A10] =	vst v63  }
0x19: {  	s10 =	simm.s32 $0x2A00  }
0x1a: {  	[tilespmem:s10], [sflag:$0x1] =	stream.indirect.gather [hbm4b:s3+s11], $0x20, s11, s11, $0xb8;
	[tilespmem:$0x16A10] =	vst v63  }
0x1b: {  	s12 =	simm.s32 $0x100;
	s10 =	simm.s32 $0x3A00  }
0x1c: {  	[tilespmem:s10], [sflag:$0x1] =	stream.indirect.gather [hbm4b:s3+s11], $0x20, s12, s11, $0xb8;
	[tilespmem:$0x16A10] =	vst v63  }
0x1d: {  	s13 =	simm.s32 $0x180;
	s14 =	simm.s32 $0x4A00  }
0x1e: {  	[tilespmem:s14], [sflag:$0x1] =	stream.indirect.gather [hbm4b:s3+s11], $0x20, s13, s11, $0xb8;
	[tilespmem:$0x16A10] =	vst v63  }
0x1f: {  	s10 =	simm.s32 $0x200;
	s12 =	simm.s32 $0x5A00  }
0x20: {  	[tilespmem:s12], [sflag:$0x1] =	stream.indirect.gather [hbm4b:s3+s11], $0x20, s10, s11, $0xb8;
	[tilespmem:$0x16A10] =	vst v63  }
0x21: {  	s13 =	simm.s32 $0x280;
	s14 =	simm.s32 $0x6A00  }
0x22: {  	[tilespmem:s14], [sflag:$0x1] =	stream.indirect.gather [hbm4b:s3+s11], $0x20, s13, s11, $0xb8;
	[tilespmem:$0x16A10] =	vst v63  }
0x23: {  	s10 =	simm.s32 $0x300;
	s12 =	simm.s32 $0x7A00  }
0x24: {  	[tilespmem:s12], [sflag:$0x1] =	stream.indirect.gather [hbm4b:s3+s11], $0x20, s10, s11, $0xb8;
	[tilespmem:$0x16A10] =	vst v63  }
0x25: {  	s13 =	simm.s32 $0x380;
	s14 =	simm.s32 $0x8A00  }
0x26: {  	[tilespmem:s14], [sflag:$0x1] =	stream.indirect.gather [hbm4b:s3+s11], $0x20, s13, s11, $0xb8;
	[tilespmem:$0x16A10] =	vst v63  }
0x27: {  	s10 =	simm.s32 $0x400;
	s12 =	simm.s32 $0x9A00  }
0x28: {  	[tilespmem:s12], [sflag:$0x1] =	stream.indirect.gather [hbm4b:s3+s11], $0x20, s10, s11, $0xb8;
	[tilespmem:$0x16A10] =	vst v63  }
0x29: {  	s13 =	simm.s32 $0x480;
	s14 =	simm.s32 $0xAA00  }
0x2a: {  	[tilespmem:s14], [sflag:$0x1] =	stream.indirect.gather [hbm4b:s3+s11], $0x20, s13, s11, $0xb8;
	[tilespmem:$0x16A10] =	vst v63  }
0x2b: {  	s10 =	simm.s32 $0x500;
	s12 =	simm.s32 $0xBA00  }
0x2c: {  	[tilespmem:s12], [sflag:$0x1] =	stream.indirect.gather [hbm4b:s3+s11], $0x20, s10, s11, $0xb8;
	[tilespmem:$0x16A10] =	vst v63  }
0x2d: {  	s13 =	simm.s32 $0x580;
	s14 =	simm.s32 $0xCA00  }
0x2e: {  	[tilespmem:s14], [sflag:$0x1] =	stream.indirect.gather [hbm4b:s3+s11], $0x20, s13, s11, $0xb8;
	[tilespmem:$0x16A10] =	vst v63  }
0x2f: {  	s10 =	simm.s32 $0x600;
	s12 =	simm.s32 $0xDA00  }
0x30: {  	[tilespmem:s12], [sflag:$0x1] =	stream.indirect.gather [hbm4b:s3+s11], $0x20, s10, s11, $0xb8;
	[tilespmem:$0x16A10] =	vst v63  }
0x31: {  	s13 =	simm.s32 $0x680  }
0x32: {  	[tilespmem:s15], [sflag:$0x1] =	stream.indirect.gather [hbm4b:s3+s11], $0x20, s13, s11, $0xb8;
	[tilespmem:$0x16A10] =	vst v63  }
0x33: {  	_ = 	snop  }
0x34: {  	[tilespmem:s17], [sflag:$0x1] =	stream.indirect.gather [hbm4b:s3+s11], $0x20, s16, s11, $0xb8;
	[tilespmem:$0x16A10] =	vst v63  }
0x35: {  	_ = 	snop  }
0x36: {  	[tilespmem:s19], [sflag:$0x1] =	stream.indirect.gather [hbm4b:s3+s11], $0x20, s18, s11, $0xb8;
	[tilespmem:$0x16A10] =	vst v63  }
0x37: {  	_ = 	snop  }
0x38: {  	[tilespmem:s21], [sflag:$0x1] =	stream.indirect.gather [hbm4b:s3+s11], $0x20, s20, s11, $0xb8;
	[tilespmem:$0x16A10] =	vst v63  }
0x39: {  	_ = 	snop  }
0x3a: {  	[tilespmem:s23], [sflag:$0x1] =	stream.indirect.gather [hbm4b:s3+s11], $0x20, s22, s11, $0xb8;
	[tilespmem:$0x16A10] =	vst v63  }
0x3b: {  	_ = 	snop  }
0x3c: {  	[tilespmem:s25], [sflag:$0x1] =	stream.indirect.gather [hbm4b:s3+s11], $0x20, s24, s11, $0xb8;
	[tilespmem:$0x16A10] =	vst v63  }
0x3d: {  	_ = 	snop  }
0x3e: {  	[tilespmem:s28], [sflag:$0x1] =	stream.indirect.gather [hbm4b:s3+s11], $0x20, s26, s11, $0xb8;
	[tilespmem:$0x16A10] =	vst v63  }
0x3f: {  	_ =	swait.ge [sflag:s29], $0x1000  }
0x40: {  	[sflag:s29] =	ssyncset.done $0x0  }
0x41: {  	[sflag:s29] =	ssyncadd.s32 $0xFFFFF000  }
0x42: {  	_ =	swait.ge [sflag:s29], $0x1000  }
0x43: {  	[sflag:s29] =	ssyncset.done $0x0  }
0x44: {  	[sflag:s29] =	ssyncadd.s32 $0xFFFFF000  }
0x45: {  	_ =	swait.ge [sflag:s29], $0x1000  }
0x46: {  	[sflag:s29] =	ssyncset.done $0x0  }
0x47: {  	[sflag:s29] =	ssyncadd.s32 $0xFFFFF000  }
0x48: {  	_ =	swait.ge [sflag:s29], $0x1000  }
0x49: {  	[sflag:s29] =	ssyncset.done $0x0  }
0x4a: {  	[sflag:s29] =	ssyncadd.s32 $0xFFFFF000  }
0x4b: {  	_ =	swait.ge [sflag:s29], $0x1000  }
0x4c: {  	[sflag:s29] =	ssyncset.done $0x0  }
0x4d: {  	[sflag:s29] =	ssyncadd.s32 $0xFFFFF000  }
0x4e: {  	_ =	swait.ge [sflag:s29], $0x1000  }
0x4f: {  	[sflag:s29] =	ssyncset.done $0x0  }
0x50: {  	[sflag:s29] =	ssyncadd.s32 $0xFFFFF000  }
0x51: {  	_ =	swait.ge [sflag:s29], $0x1000  }
0x52: {  	[sflag:s29] =	ssyncset.done $0x0  }
0x53: {  	[sflag:s29] =	ssyncadd.s32 $0xFFFFF000  }
0x54: {  	_ =	swait.ge [sflag:s29], $0x1000  }
0x55: {  	[sflag:s29] =	ssyncset.done $0x0  }
0x56: {  	[sflag:s29] =	ssyncadd.s32 $0xFFFFF000  }
0x57: {  	_ =	swait.ge [sflag:s29], $0x1000  }
0x58: {  	[sflag:s29] =	ssyncset.done $0x0  }
0x59: {  	[sflag:s29] =	ssyncadd.s32 $0xFFFFF000  }
0x5a: {  	_ =	swait.ge [sflag:s29], $0x1000  }
0x5b: {  	[sflag:s29] =	ssyncset.done $0x0  }
0x5c: {  	[sflag:s29] =	ssyncadd.s32 $0xFFFFF000  }
0x5d: {  	_ =	swait.ge [sflag:s29], $0x1000  }
0x5e: {  	[sflag:s29] =	ssyncset.done $0x0  }
0x5f: {  	[sflag:s29] =	ssyncadd.s32 $0xFFFFF000  }
0x60: {  	_ =	swait.ge [sflag:s29], $0x1000  }
0x61: {  	[sflag:s29] =	ssyncset.done $0x0  }
0x62: {  	[sflag:s29] =	ssyncadd.s32 $0xFFFFF000  }
0x63: {  	_ =	swait.ge [sflag:s29], $0x1000  }
0x64: {  	[sflag:s29] =	ssyncset.done $0x0  }
0x65: {  	[sflag:s29] =	ssyncadd.s32 $0xFFFFF000  }
0x66: {  	_ =	swait.ge [sflag:s29], $0x1000  }
0x67: {  	[sflag:s29] =	ssyncset.done $0x0  }
0x68: {  	[sflag:s29] =	ssyncadd.s32 $0xFFFFF000  }
0x69: {  	_ =	swait.ge [sflag:s29], $0x1000  }
0x6a: {  	[sflag:s29] =	ssyncset.done $0x0  }
0x6b: {  	[sflag:s29] =	ssyncadd.s32 $0xFFFFF000  }
0x6c: {  	_ =	swait.ge [sflag:s29], $0x1000  }
0x6d: {  	[sflag:s29] =	ssyncset.done $0x0  }
0x6e: {  	[sflag:s29] =	ssyncadd.s32 $0xFFFFF000  }
0x6f: {  	_ =	swait.ge [sflag:s29], $0x1000  }
0x70: {  	[sflag:s29] =	ssyncset.done $0x0  }
0x71: {  	[sflag:s29] =	ssyncadd.s32 $0xFFFFF000  }
0x72: {  	_ =	swait.ge [sflag:s29], $0x1000  }
0x73: {  	[sflag:s29] =	ssyncset.done $0x0  }
0x74: {  	[sflag:s29] =	ssyncadd.s32 $0xFFFFF000  }
0x75: {  	_ =	swait.ge [sflag:s29], $0x1000  }
0x76: {  	[sflag:s29] =	ssyncset.done $0x0  }
0x77: {  	[sflag:s29] =	ssyncadd.s32 $0xFFFFF000  }
0x78: {  	_ =	swait.ge [sflag:s29], $0x1000  }
0x79: {  	[sflag:s29] =	ssyncset.done $0x0  }
0x7a: {  	s12 =	simm.s32 $0x0;
	[sflag:s29] =	ssyncadd.s32 $0xFFFFF000  }
0x7b: {  	v4 =	vld [tilespmem:s12+$0xA10]  }
0x7c: {  	s14 =	simm.s32 $0x1B40;
	v7 =	vld [tilespmem:s12+$0xA00]  }
0x7d: {  	v14 =	vld [tilespmem:s14+$0x130]  }
0x7e: {  	v13 =	vld [tilespmem:s14+$0x100]  }
0x7f: {  	v8 =	vld [tilespmem:s14+$0x110]  }
0x80: {  	v11 =	vld [tilespmem:s14+$0x120]  }
0x81: {  	v3 =	vld [tilespmem:s14+$0xFFFFFEF0]  }
0x82: {  	v6 =	vld [tilespmem:s14+$0xFFFFFEC0]  }
0x83: {  	v5 =	vld [tilespmem:s14+$0xFFFFFEE0]  }
0x84: {  	v10 =	vld [tilespmem:s14+$0xFFFFFED0]  }
0x85: {  	v12 =	vld [tilespmem:s14+$0xFFFFFF80]  }
0x86: {  	v2 =	vld [tilespmem:s14+$0xFFFFFFD0]  }
0x87: {  	v0 =	vld [tilespmem:s14+$0x10];
	v15 =	vmul.f32 v6, v6  }
0x88: {  	v9 =	vimm.f32 $0.0e+00;
	v1 =	vld [tilespmem:s14+$0x0];
	v16 =	vmul.f32 v13, v7;
	v17 =	vmul.f32 v8, v4  }
0x89: {  	v18 =	vld [tilespmem:s14+$0xFFFFFF90];
	v19 =	vmul.f32 v14, v4;
	v21 =	vmul.f32 v10, v10;
	v15 =	vadd.f32 v15, v9  }
0x8a: {  	v23 =	vld [tilespmem:s14+$0xFFFFFF00];
	v22 =	vmul.f32 v11, v7;
	v24 =	vmul.f32 v5, v7  }
0x8b: {  	v20 =	vld [tilespmem:s14+$0xFFFFFFC0];
	v5 =	vmul.f32 v5, v5;
	v26 =	vmul.f32 v12, v7;
	v15 =	vadd.f32 v21, v15  }
0x8c: {  	v25 =	vld [tilespmem:s14+$0xFFFFFF10];
	v10 =	vmul.f32 v10, v4;
	v16 =	vadd.f32 v17, v16;
	v17 =	vmul.f32 v3, v4  }
0x8d: {  	v19 =	vadd.f32 v19, v22;
	v3 =	vmul.f32 v3, v3;
	v5 =	vadd.f32 v5, v15  }
0x8e: {  	v27 =	vld [tilespmem:s14+$0xFFFFFF20];
	v22 =	vmul.f32 v1, v7;
	v15 =	vadd.f32 v17, v24;
	v17 =	vmul.f32 v18, v4  }
0x8f: {  	v21 =	vmul.f32 v0, v4;
	(xrf2) =	vadd.scan.msk.f32 $0xffff, v16;
	v3 =	vadd.f32 v3, v5;
	v5 =	vmul.f32 v23, v23  }
0x90: {  	v16 =	vmul.f32 v2, v4;
	(xrf2) =	vadd.scan.msk.f32 $0xffff, v19;
	v19 =	vld [tilespmem:s14+$0xFFFFFF30];
	v24 =	vmul.f32 v20, v7;
	v17 =	vadd.f32 v17, v26  }
0x91: {  	v21 =	vadd.f32 v21, v22;
	(xrf2) =	vadd.scan.msk.f32 $0xffff, v15;
	v3 =	vadd.f32 v5, v3;
	v5 =	vmul.f32 v25, v25  }
0x92: {  	v6 =	vmul.f32 v6, v7;
	v22 =	vmul.f32 v23, v7;
	v15 =	vadd.f32 v16, v24;
	v16 =	vld [tilespmem:s14+$0xFFFFFF40];
	(xrf2) =	vadd.scan.msk.f32 $0xffff, v17  }
0x93: {  	v17 =	vmul.f32 v25, v4;
	(xrf2) =	vadd.scan.msk.f32 $0xffff, v21;
	v3 =	vadd.f32 v5, v3;
	v5 =	vmul.f32 v27, v27  }
0x94: {  	v6 =	vadd.f32 v10, v6;
	v10 =	vld [tilespmem:s14+$0xFFFFFF50]  }
0x95: {  	v29 =	vld [tilespmem:s14+$0xFFFFFFF0];
	(xrf2) =	vadd.scan.msk.f32 $0xffff, v15;
	v15 =	vadd.f32 v17, v22;
	v3 =	vadd.f32 v5, v3;
	v5 =	vmul.f32 v19, v19  }
0x96: {  	(xrf2) =	vadd.scan.msk.f32 $0xffff, v6;
	v6 =	vld [tilespmem:s14+$0xFFFFFF60]  }
0x97: {  	v22 =	vmul.f32 v27, v7;
	(xrf2) =	vadd.scan.msk.f32 $0xffff, v15;
	v15 =	vld [tilespmem:s14+$0xFFFFFF70];
	v3 =	vadd.f32 v5, v3;
	v5 =	vmul.f32 v16, v16  }
0x98: {  	v19 =	vmul.f32 v19, v4  }
0x99: {  	v25 =	vmul.f32 v10, v4;
	v21 =	vld [tilespmem:s14+$0xFFFFFFB0];
	v23, _, _ =	vpop (xrf2);
	v3 =	vadd.f32 v5, v3;
	v5 =	vmul.f32 v10, v10  }
0x9a: {  	v35 =	vmul.f32 v29, v4;
	v29 =	vmul.f32 v29, v29;
	v17 =	vld [tilespmem:s14+$0xFFFFFFA0];
	v24, _, _ =	vpop (xrf2);
	v19 =	vadd.f32 v19, v22  }
0x9b: {  	v16 =	vmul.f32 v16, v7;
	v22, _, _ =	vpop (xrf2);
	v10 =	vld [tilespmem:s14+$0xD0];
	v3 =	vadd.f32 v5, v3;
	v5 =	vmul.f32 v6, v6  }
0x9c: {  	v30 =	vmul.f32 v15, v4;
	v28, _, _ =	vpop (xrf2);
	v6 =	vmul.f32 v6, v7  }
0x9d: {  	v16 =	vadd.f32 v25, v16;
	v25, _, _ =	vpop (xrf2);
	(xrf2) =	vadd.scan.msk.f32 $0xffff, v19;
	v19 =	vld [tilespmem:s14+$0xFFFFFFE0];
	v3 =	vadd.f32 v5, v3;
	v5 =	vmul.f32 v15, v15  }
0x9e: {  	v1 =	vmul.f32 v1, v1;
	v26 =	vmul.f32 v21, v4;
	v6 =	vadd.f32 v30, v6;
	v30 =	vld [tilespmem:s14+$0x20]  }
0x9f: {  	v27 =	vmul.f32 v17, v7;
	v31, _, _ =	vpop (xrf2);
	(xrf2) =	vadd.scan.msk.f32 $0xffff, v16;
	v16 =	vld [tilespmem:s14+$0xE0];
	v3 =	vadd.f32 v5, v3;
	v5 =	vmul.f32 v12, v12  }
0xa0: {  	v22 =	vbroadcast v22, $0xF;
	v15 =	vld [tilespmem:s14+$0xC0];
	v32, _, _ =	vpop (xrf2);
	v34 =	vmul.f32 v10, v4  }
0xa1: {  	v32 =	vbroadcast v32, $0xF;
	v36, _, _ =	vpop (xrf2);
	v12 =	vld [tilespmem:s14+$0xF0];
	v3 =	vadd.f32 v5, v3;
	v5 =	vmul.f32 v18, v18  }
0xa2: {  	v33 =	vld [tilespmem:s14+$0x30];
	v18 =	vadd.f32 v26, v27;
	v26 =	vbroadcast v36, $0xF;
	v27 =	vmul.f32 v19, v7  }
0xa3: {  	(xrf2) =	vadd.scan.msk.f32 $0xffff, v6;
	v6 =	vsel vm0, v32, v22;
	v3 =	vadd.f32 v5, v3;
	v5 =	vmul.f32 v17, v17  }
0xa4: {  	v22 =	vld [tilespmem:s14+$0x50];
	v56 =	vmul.f32 v30, v7;
	v58 =	vmul.f32 v16, v7;
	v6 =	vsel vm1, v6, v26  }
0xa5: {  	v26 =	vadd.f32 v35, v27;
	v27 =	vld [tilespmem:s14+$0x40];
	v3 =	vadd.f32 v5, v3;
	v5 =	vmul.f32 v21, v21  }
0xa6: {  	v57 =	vld [tilespmem:s14+$0x70];
	v17 =	vmul.f32 v15, v7;
	v37 =	vmul.f32 v12, v4  }
0xa7: {  	v59 =	vld [tilespmem:s14+$0x60];
	(xrf2) =	vadd.scan.msk.f32 $0xffff, v18;
	v21 =	vmul.f32 v33, v4;
	v18, _, _ =	vpop (xrf2);
	v3 =	vadd.f32 v5, v3;
	v5 =	vmul.f32 v20, v20  }
0xa8: {  	v60 =	vld [tilespmem:s14+$0x80];
	v17 =	vadd.f32 v34, v17;
	v34 =	vadd.f32 v37, v58;
	v18 =	vbroadcast v18, $0xF  }
0xa9: {  	v38 =	vld [tilespmem:s14+$0x90];
	v2 =	vmul.f32 v2, v2;
	(xrf2) =	vadd.scan.msk.f32 $0xffff, v26;
	v20 =	vadd.f32 v21, v56;
	v3 =	vadd.f32 v5, v3  }
0xaa: {  	v61 =	vld [tilespmem:s14+$0xA0];
	v21 =	vmul.f32 v22, v4;
	v26, _, _ =	vpop (xrf2);
	v5 =	vmul.f32 v27, v7;
	v6 =	vsel vm2, v6, v18  }
0xab: {  	(xrf2) =	vadd.scan.msk.f32 $0xffff, v17;
	v18 =	vbroadcast v26, $0xF;
	v26 =	vld [tilespmem:s14+$0xB0];
	v2 =	vadd.f32 v2, v3;
	v3 =	vmul.f32 v19, v19  }
0xac: {  	v17 =	vmul.f32 v57, v4;
	(xrf2) =	vadd.scan.msk.f32 $0xffff, v34;
	v19 =	vmul.f32 v59, v7  }
0xad: {  	(xrf2) =	vadd.scan.msk.f32 $0xffff, v20;
	v20 =	vmul.f32 v60, v7;
	v5 =	vadd.f32 v21, v5;
	v2 =	vadd.f32 v3, v2  }
0xae: {  	v62, _, _ =	vpop (xrf2);
	v21 =	vmul.f32 v38, v4;
	v6 =	vsel vm3, v6, v18;
	v17 =	vadd.f32 v17, v19  }
0xaf: {  	v28 =	vbroadcast v28, $0xF;
	v3 =	vbroadcast v62, $0xF;
	(xrf2) =	vadd.scan.msk.f32 $0xffff, v5;
	v2 =	vadd.f32 v29, v2  }
0xb0: {  	v18 =	vmul.f32 v61, v7;
	v5 =	vadd.f32 v21, v20;
	(xrf2) =	vadd.scan.msk.f32 $0xffff, v17;
	v17 =	vmul.f32 v26, v4  }
0xb1: {  	v3 =	vsel vm4, v6, v3;
	v6, _, _ =	vpop (xrf2);
	v1 =	vadd.f32 v1, v2  }
0xb2: {  	(xrf2) =	vadd.scan.msk.f32 $0xffff, v5;
	v2 =	vsel vm5, v3, v28;
	v3 =	vbroadcast v6, $0xF;
	v5 =	vadd.f32 v17, v18  }
0xb3: {  	v0 =	vmul.f32 v0, v0;
	v6, _, _ =	vpop (xrf2)  }
0xb4: {  	v2 =	vsel vm6, v2, v3;
	v3 =	vbroadcast v6, $0xF  }
0xb5: {  	v17 =	vbroadcast v31, $0xF;
	v0 =	vadd.f32 v0, v1;
	v1 =	vmul.f32 v30, v30  }
0xb6: {  	vm15 =	vcmask $0x310;
	(xrf2) =	vadd.scan.msk.f32 $0xffff, v5;
	v5, _, _ =	vpop (xrf2)  }
0xb7: {  	v2 =	vsel vm7, v2, v17;
	v0 =	vadd.f32 v1, v0;
	v1 =	vmul.f32 v33, v33;
	v6, _, _ =	vpop (xrf2)  }
0xb8: {  	v20 =	vmul.f32 v27, v27;
	v17 =	vbroadcast v25, $0xF;
	v2 =	vsel vm8, v2, v3;
	v3, _, _ =	vpop (xrf2)  }
0xb9: {  	v5 =	vbroadcast v5, $0xF;
	v0 =	vadd.f32 v1, v0;
	v3 =	vbroadcast v3, $0xF  }
0xba: {  	v19 =	vbroadcast v23, $0xF;
	v1 =	vsel vm9, v2, v17;
	v2 =	vbroadcast v6, $0xF  }
0xbb: {  	v17 =	vmul.f32 v22, v22;
	v5 =	vnsel vm0, $0x0, v5;
	v6, _, _ =	vpop (xrf2);
	v0 =	vadd.f32 v20, v0  }
0xbc: {  	v2 =	vsel vm15, v5, v2;
	v5 =	vbroadcast v6, $0xF;
	vm15 =	vcmask $0x710  }
0xbd: {  	v1 =	vsel vm10, v1, v3;
	v0 =	vadd.f32 v17, v0;
	v17 =	vmul.f32 v59, v59;
	v3, _, _ =	vpop (xrf2)  }
0xbe: {  	v18 =	vbroadcast v24, $0xF;
	v2 =	vsel vm15, v2, v19;
	v3 =	vbroadcast v3, $0xF  }
0xbf: {  	vm15 =	vcmask $0xB10;
	v1 =	vsel vm11, v1, v5;
	v6, _, _ =	vpop (xrf2);
	v0 =	vadd.f32 v17, v0  }
0xc0: {  	s1 =	simm.s32 $0x20;
	v19 =	vbroadcast v6, $0xF;
	v1 =	vsel vm12, v1, v3;
	v3 =	vmul.f32 v57, v57  }
0xc1: {  	v5 =	vld [tilespmem:s1+$0xA10];
	v2 =	vsel vm15, v2, v18  }
0xc2: {  	v6 =	vld [tilespmem:s1+$0xA00];
	[tilespmem:s12+$0x15A10] =	vst v2;
	v2 =	vmul.f32 v60, v60;
	v17, _, _ =	vpop (xrf2);
	v1 =	vsel vm13, v1, v19;
	v0 =	vadd.f32 v3, v0  }
0xc3: {  	v1 =	vsel vm14, v1, v17  }
0xc4: {  	s10 =	simm.s32 $0x1DC0;
	[tilespmem:s12+$0x15A00] =	vst v1;
	v1 =	vmul.f32 v38, v38;
	v0 =	vadd.f32 v2, v0  }
0xc5: {  	v3 =	vld [tilespmem:s10+$0x100]  }
0xc6: {  	v18 =	vmul.f32 v61, v61;
	v2 =	vld [tilespmem:s10+$0x110];
	v17 =	vadd.f32 v1, v0;
	_ =	sdelay $0x1  }
0xc7: {  	v17 =	vadd.f32 v18, v17;
	v18 =	vmul.f32 v26, v26  }
0xc8: {  	v7 =	vmul.f32 v7, v7;
	v1 =	vld [tilespmem:s10+$0x120]  }
0xc9: {  	v4 =	vmul.f32 v4, v4;
	v0 =	vld [tilespmem:s10+$0x130];
	v17 =	vadd.f32 v18, v17;
	v18 =	vmul.f32 v15, v15  }
0xca: {  	v7 =	vadd.f32 v7, v9;
	v22 =	vld [tilespmem:s10+$0xFFFFFEF0];
	v19 =	vmul.f32 v3, v6;
	v21 =	vmul.f32 v2, v5  }
0xcb: {  	v20 =	vld [tilespmem:s10+$0xFFFFFEE0];
	v9 =	vadd.f32 v18, v17;
	v17 =	vmul.f32 v10, v10  }
0xcc: {  	v23 =	vmul.f32 v16, v16;
	v4 =	vadd.f32 v4, v7;
	v7 =	vld [tilespmem:s10+$0x10];
	v18 =	vadd.f32 v21, v19  }
0xcd: {  	v16 =	vld [tilespmem:s10+$0xFFFFFF90];
	v24 =	vmul.f32 v1, v6;
	v19 =	vmul.f32 v6, v6;
	v17 =	vadd.f32 v17, v9  }
0xce: {  	v15 =	vld [tilespmem:s10+$0xFFFFFF80];
	v21 =	vmul.f32 v5, v5;
	(xrf2) =	vadd.scan.msk.f32 $0xffff, v18;
	v18 =	vmul.f32 v0, v5  }
0xcf: {  	v10 =	vld [tilespmem:s10+$0xFFFFFFD0];
	v4 =	vadd.f32 v19, v4;
	v17 =	vadd.f32 v23, v17;
	v23 =	vmul.f32 v12, v12  }
0xd0: {  	v26 =	vmul.f32 v13, v13;
	v25 =	vmul.f32 v22, v5;
	v9 =	vld [tilespmem:s10+$0x0];
	v18 =	vadd.f32 v18, v24  }
0xd1: {  	v12 =	vld [tilespmem:s10+$0xFFFFFFC0];
	v4 =	vadd.f32 v21, v4;
	v21 =	vmul.f32 v20, v6;
	v17 =	vadd.f32 v23, v17  }
0xd2: {  	v11 =	vmul.f32 v11, v11;
	v8 =	vmul.f32 v8, v8;
	v13 =	vld [tilespmem:s10+$0xFFFFFFA0];
	(xrf2) =	vadd.scan.msk.f32 $0xffff, v18  }
0xd3: {  	v19 =	vmul.f32 v14, v14;
	v14 =	vld [tilespmem:s10+$0xFFFFFFB0];
	v21 =	vadd.f32 v25, v21;
	v26 =	vadd.f32 v26, v17  }
0xd4: {  	v29 =	vmul.f32 v16, v5;
	v28 =	vmul.f32 v15, v6;
	v23 =	vld [tilespmem:s10+$0xFFFFFF70]  }
0xd5: {  	v27 =	vmul.f32 v7, v5;
	v24 =	vld [tilespmem:s10+$0xFFFFFF30];
	v25 =	vmul.f32 v9, v6;
	(xrf2) =	vadd.scan.msk.f32 $0xffff, v21;
	v8 =	vadd.f32 v8, v26  }
0xd6: {  	v31 =	vmul.f32 v10, v5;
	v63 =	vadd.f32 v29, v28;
	v28 =	vld [tilespmem:s10+$0xFFFFFED0];
	v30 =	vmul.f32 v12, v6  }
0xd7: {  	v29 =	vadd.f32 v27, v25;
	v26 =	vld [tilespmem:s10+$0xFFFFFF20]  }
0xd8: {  	v18 =	vmul.f32 v14, v5;
	v17 =	vld [tilespmem:s10+$0xFFFFFF60];
	v27 =	vadd.f32 v31, v30;
	v30 =	vadd.f32 v11, v8  }
0xd9: {  	s13 =	simm.s32 $0x100;
	s12 =	simm.s32 $0x1DC0;
	v21 =	vmul.f32 v13, v6;
	(xrf2) =	vadd.scan.msk.f32 $0xffff, v63;
	v25 =	vmul.f32 v23, v5;
	v11 =	vld [tilespmem:s10+$0xFFFFFF10];
	v8, _, _ =	vpop (xrf2)  }
.LBB2_2:
0xda: {  	p0 =	sne.s32 s13, $0x3F80;
	v31 =	vld [tilespmem:s10+$0xFFFFFEC0];
	v30 =	vadd.f32 v19, v30;
	s14 =	smov.u32 s13;
	s13 =	sadd.s32 $0x80, s13  }
0xdb: {  	v32 =	vld [tilespmem:s10+$0xFFFFFF00];
	v33 =	vmul.f32 v24, v5  }
0xdc: {  	v34 =	vmul.f32 v26, v6;
	v35 =	vld [tilespmem:s10+$0xFFFFFF50];
	(xrf2) =	vadd.scan.msk.f32 $0xffff, v29;
	v19, _, _ =	vpop (xrf2)  }
0xdd: {  	v29 =	vmul.f32 v28, v5;
	v36 =	vld [tilespmem:s10+$0xFFFFFF40];
	v19 =	vbroadcast v19, $0xF  }
0xde: {  	v37 =	vmul.f32 v11, v5;
	v33 =	vadd.f32 v33, v34  }
0xdf: {  	v34 =	vmul.f32 v31, v31;
	v31 =	vmul.f32 v31, v6;
	v38, _, _ =	vpop (xrf2)  }
0xe0: {  	v39 =	vmul.f32 v32, v6;
	(xrf2) =	vadd.scan.msk.f32 $0xffff, v27  }
0xe1: {  	v40 =	vmul.f32 v28, v28;
	v27 =	vadd.f32 v34, v30;
	v29 =	vadd.f32 v29, v31  }
0xe2: {  	v34 =	vmul.f32 v35, v5;
	v30 =	vadd.f32 v37, v39;
	v31 =	vmul.f32 v36, v6  }
0xe3: {  	v20 =	vmul.f32 v20, v20;
	v37 =	vadd.f32 v40, v27;
	(xrf2) =	vadd.scan.msk.f32 $0xffff, v29;
	v28, _, _ =	vpop (xrf2)  }
0xe4: {  	v29 =	vadd.f32 v34, v31  }
0xe5: {  	v22 =	vmul.f32 v22, v22;
	v20 =	vadd.f32 v20, v37  }
0xe6: {  	(xrf2) =	vadd.scan.msk.f32 $0xffff, v30;
	v27, _, _ =	vpop (xrf2)  }
0xe7: {  	v20 =	vadd.f32 v22, v20;
	v22 =	vmul.f32 v32, v32;
	_ =	sdelay $0x1  }
0xe8: {  	v20 =	vadd.f32 v22, v20;
	v22 =	vmul.f32 v11, v11  }
0xe9: {  	v30 =	vmul.f32 v17, v6;
	v11 =	vld [tilespmem:s10+$0xD0];
	(xrf2) =	vadd.scan.msk.f32 $0xffff, v33;
	v31, _, _ =	vpop (xrf2)  }
0xea: {  	v20 =	vadd.f32 v22, v20;
	v22 =	vmul.f32 v26, v26;
	v26 =	vld [tilespmem:s10+$0xFFFFFFF0]  }
0xeb: {  	v25 =	vadd.f32 v25, v30;
	v30 =	vld [tilespmem:s10+$0xFFFFFFE0]  }
0xec: {  	v24 =	vmul.f32 v24, v24;
	v32 =	vadd.f32 v22, v20;
	v20 =	vld [tilespmem:s10+$0xC0];
	v33, _, _ =	vpop (xrf2);
	(xrf2) =	vadd.scan.msk.f32 $0xffff, v29  }
0xed: {  	v29 =	vbroadcast v38, $0xF;
	v22 =	vld [tilespmem:s10+$0x30]  }
0xee: {  	v34 =	vmul.f32 v36, v36;
	v32 =	vadd.f32 v24, v32;
	v24 =	vld [tilespmem:s10+$0x20];
	v36 =	vmul.f32 v11, v5  }
0xef: {  	v37 =	vadd.f32 v18, v21;
	v33 =	vbroadcast v33, $0xF;
	v38 =	vmul.f32 v26, v5;
	v18 =	vld [tilespmem:s10+$0xF0];
	v21, _, _ =	vpop (xrf2);
	(xrf2) =	vadd.scan.msk.f32 $0xffff, v25  }
0xf0: {  	v25 =	vbroadcast v21, $0xF;
	v32 =	vadd.f32 v34, v32;
	v34 =	vmul.f32 v35, v35;
	v21 =	vld [tilespmem:s10+$0xE0]  }
0xf1: {  	v29 =	vsel vm0, v33, v29;
	v33 =	vmul.f32 v30, v6;
	v35 =	vmul.f32 v20, v6  }
0xf2: {  	v25 =	vsel vm1, v29, v25;
	v29 =	vadd.f32 v34, v32;
	v32 =	vmul.f32 v17, v17;
	v17 =	vld [tilespmem:s10+$0x50];
	(xrf2) =	vadd.scan.msk.f32 $0xffff, v37  }
0xf3: {  	v33 =	vadd.f32 v38, v33;
	v37 =	vmul.f32 v22, v5;
	v34 =	vmul.f32 v24, v6;
	v38 =	vld [tilespmem:s10+$0x40];
	v39, _, _ =	vpop (xrf2)  }
0xf4: {  	v23 =	vmul.f32 v23, v23;
	v40 =	vadd.f32 v32, v29;
	v32 =	vadd.f32 v36, v35  }
0xf5: {  	v36 =	vmul.f32 v18, v5;
	v34 =	vadd.f32 v37, v34;
	v35 =	vmul.f32 v21, v6;
	(xrf2) =	vadd.scan.msk.f32 $0xffff, v33  }
0xf6: {  	v15 =	vmul.f32 v15, v15;
	v39 =	vbroadcast v39, $0xF;
	v23 =	vadd.f32 v23, v40;
	v29, _, _ =	vpop (xrf2)  }
0xf7: {  	v37 =	vmul.f32 v17, v5;
	v35 =	vadd.f32 v36, v35  }
0xf8: {  	v16 =	vmul.f32 v16, v16;
	v15 =	vadd.f32 v15, v23;
	v23 =	vmul.f32 v38, v6;
	v36 =	vld [tilespmem:s10+$0x70];
	(xrf2) =	vadd.scan.msk.f32 $0xffff, v32  }
0xf9: {  	v25 =	vsel vm2, v25, v39;
	v39 =	vbroadcast v29, $0xF;
	v32 =	vld [tilespmem:s10+$0x60];
	v33, _, _ =	vpop (xrf2)  }
0xfa: {  	v13 =	vmul.f32 v13, v13;
	v33 =	vbroadcast v33, $0xF;
	v15 =	vadd.f32 v16, v15  }
0xfb: {  	v16 =	vsel vm3, v25, v39;
	v25 =	vbroadcast v28, $0xF;
	v23 =	vadd.f32 v37, v23;
	v28 =	vld [tilespmem:s10+$0x90];
	(xrf2) =	vadd.scan.msk.f32 $0xffff, v35  }
0xfc: {  	v14 =	vmul.f32 v14, v14;
	v16 =	vsel vm4, v16, v33;
	v13 =	vadd.f32 v13, v15;
	v15 =	vld [tilespmem:s10+$0x80];
	v29, _, _ =	vpop (xrf2)  }
0xfd: {  	v16 =	vsel vm5, v16, v25;
	v33 =	vbroadcast v29, $0xF;
	v29 =	vmul.f32 v36, v5  }
0xfe: {  	v12 =	vmul.f32 v12, v12;
	s10 =	sadd.s32 $0x280, s10;
	v13 =	vadd.f32 v14, v13;
	v14 =	vmul.f32 v32, v6;
	(xrf2) =	vadd.scan.msk.f32 $0xffff, v34  }
0xff: {  	v10 =	vmul.f32 v10, v10;
	v16 =	vsel vm6, v16, v33;
	v25, _, _ =	vpop (xrf2)  }
0x100: {  	v12 =	vadd.f32 v12, v13;
	v13 =	vbroadcast v27, $0xF;
	v27 =	vmul.f32 v28, v5;
	v33 =	vld [tilespmem:s12+$0xB0]  }
0x101: {  	v31 =	vbroadcast v31, $0xF;
	v14 =	vadd.f32 v29, v14;
	v29 =	vmul.f32 v15, v6;
	v34 =	vld [tilespmem:s12+$0xA0];
	(xrf2) =	vadd.scan.msk.f32 $0xffff, v23;
	s12 =	smov.u32 s10  }
0x102: {  	v23 =	vbroadcast v25, $0xF;
	v10 =	vadd.f32 v10, v12;
	v12 =	vmul.f32 v30, v30;
	v25, _, _ =	vpop (xrf2)  }
0x103: {  	s14 =	sshra.s32 s14, $0x2;
	v26 =	vmul.f32 v26, v26;
	v30 =	vsel vm7, v16, v31;
	v27 =	vadd.f32 v27, v29  }
0x104: {  	v8 =	vbroadcast v8, $0xF;
	v29 =	vld [tilespmem:s14+$0xA10];
	v10 =	vadd.f32 v12, v10;
	(xrf2) =	vadd.scan.msk.f32 $0xffff, v14;
	v14 =	vsel vm8, v30, v23  }
0x105: {  	v9 =	vmul.f32 v9, v9;
	v12 =	vld [tilespmem:s14+$0xA00];
	v5 =	vmul.f32 v33, v5;
	v16, _, _ =	vpop (xrf2);
	v13 =	vsel vm9, v14, v13  }
0x106: {  	v14 =	vbroadcast v25, $0xF;
	v23 =	vadd.f32 v26, v10;
	v6 =	vmul.f32 v34, v6  }
0x107: {  	v7 =	vmul.f32 v7, v7;
	vm15 =	vcmask $0x310;
	v16 =	vbroadcast v16, $0xF;
	(xrf2) =	vadd.scan.msk.f32 $0xffff, v27  }
0x108: {  	v14 =	vnsel vm0, $0x0, v14;
	v9 =	vadd.f32 v9, v23;
	v25 =	vadd.f32 v5, v6;
	v10, _, _ =	vpop (xrf2)  }
0x109: {  	v22 =	vmul.f32 v22, v22;
	v14 =	vsel vm15, v14, v16;
	v5 =	vmov v29  }
0x10a: {  	v23 =	vmul.f32 v12, v12;
	v7 =	vadd.f32 v7, v9;
	v9 =	vmul.f32 v24, v24;
	(xrf2) =	vadd.scan.msk.f32 $0xffff, v25  }
0x10b: {  	vm15 =	vcmask $0x710;
	v10 =	vbroadcast v10, $0xF;
	v24 =	vmul.f32 v29, v5;
	v6, _, _ =	vpop (xrf2)  }
0x10c: {  	v8 =	vsel vm15, v14, v8;
	v7 =	vadd.f32 v9, v7;
	v16 =	vbroadcast v6, $0xF;
	v6 =	vmovc v12  }
0x10d: {  	vm15 =	vcmask $0xB10;
	v10 =	vsel vm10, v13, v10;
	v12 =	vmul.f32 v38, v38  }
0x10e: {  	v8 =	vsel vm15, v8, v19;
	v4 =	vadd.f32 v23, v4;
	v7 =	vadd.f32 v22, v7;
	v9, _, _ =	vpop (xrf2)  }
0x10f: {  	v13 =	vsel vm11, v10, v16;
	v9 =	vbroadcast v9, $0xF;
	[tilespmem:s1+$0x15A10] =	vst v8  }
0x110: {  	v4 =	vadd.f32 v24, v4;
	v8 =	vmul.f32 v17, v17;
	v7 =	vadd.f32 v12, v7  }
0x111: {  	v9 =	vsel vm12, v13, v9;
	v10, _, _ =	vpop (xrf2)  }
0x112: {  	v7 =	vadd.f32 v8, v7;
	v8 =	vmul.f32 v32, v32;
	v12 =	vbroadcast v10, $0xF;
	_ =	sdelay $0x1  }
0x113: {  	v7 =	vadd.f32 v8, v7;
	v8 =	vmul.f32 v36, v36;
	v9 =	vsel vm13, v9, v12;
	v10, _, _ =	vpop (xrf2)  }
0x114: {  	v9 =	vsel vm14, v9, v10  }
0x115: {  	v7 =	vadd.f32 v8, v7;
	v8 =	vmul.f32 v15, v15;
	[tilespmem:s1+$0x15A00] =	vst v9;
	s1 =	smov.u32 s14;
	_ =	sdelay $0x1  }
0x116: {  	v13 =	vld [tilespmem:s10+$0x130];
	v7 =	vadd.f32 v8, v7;
	v8 =	vmul.f32 v28, v28  }
0x117: {  	v17 =	vld [tilespmem:s10+$0x100]  }
0x118: {  	v24 =	vld [tilespmem:s10+$0x110];
	v7 =	vadd.f32 v8, v7;
	v8 =	vmul.f32 v34, v34  }
0x119: {  	v23 =	vld [tilespmem:s10+$0x120]  }
0x11a: {  	v7 =	vadd.f32 v8, v7;
	v8 =	vmul.f32 v33, v33  }
0x11b: {  	v9 =	vmul.f32 v13, v5  }
0x11c: {  	v22 =	vld [tilespmem:s10+$0xFFFFFEF0];
	v12 =	vmul.f32 v17, v6;
	v7 =	vadd.f32 v8, v7;
	v8 =	vmul.f32 v20, v20  }
0x11d: {  	v20 =	vld [tilespmem:s10+$0xFFFFFEE0];
	v14 =	vmul.f32 v24, v5  }
0x11e: {  	v11 =	vmul.f32 v11, v11;
	v15 =	vld [tilespmem:s10+$0xFFFFFF80];
	v16 =	vmul.f32 v23, v6;
	v8 =	vadd.f32 v8, v7  }
0x11f: {  	v10 =	vld [tilespmem:s10+$0xFFFFFFD0];
	v12 =	vadd.f32 v14, v12  }
0x120: {  	v7 =	vld [tilespmem:s10+$0x10];
	v25 =	vadd.f32 v9, v16;
	v8 =	vadd.f32 v11, v8;
	v11 =	vmul.f32 v21, v21  }
0x121: {  	v14 =	vmul.f32 v22, v5;
	v9 =	vld [tilespmem:s10+$0x0];
	(xrf2) =	vadd.scan.msk.f32 $0xffff, v12  }
0x122: {  	v21 =	vmul.f32 v20, v6;
	v16 =	vld [tilespmem:s10+$0xFFFFFF90];
	v8 =	vadd.f32 v11, v8;
	v11 =	vmul.f32 v18, v18  }
0x123: {  	v19 =	vmul.f32 v0, v0;
	v0 =	vmov v13;
	v12 =	vld [tilespmem:s10+$0xFFFFFFC0]  }
0x124: {  	v18 =	vadd.f32 v14, v21;
	v14 =	vld [tilespmem:s10+$0xFFFFFFB0];
	(xrf2) =	vadd.scan.msk.f32 $0xffff, v25;
	v8 =	vadd.f32 v11, v8;
	v11 =	vmul.f32 v3, v3  }
0x125: {  	v25 =	vmul.f32 v1, v1;
	v3 =	vmovc v17;
	v1 =	vmov v23;
	v13 =	vld [tilespmem:s10+$0xFFFFFFA0];
	v21 =	vmul.f32 v7, v5  }
0x126: {  	v23 =	vld [tilespmem:s10+$0xFFFFFF70];
	v27 =	vmul.f32 v9, v6;
	v8 =	vadd.f32 v11, v8;
	v11 =	vmul.f32 v2, v2;
	v2 =	vmovc v24  }
.Ltmp0:
0x127: {  	v28 =	vmul.f32 v15, v6;
	v17 =	vld [tilespmem:s10+$0xFFFFFF60];
	v29 =	vmul.f32 v16, v5;
	(xrf2) =	vadd.scan.msk.f32 $0xffff, v18;
	(pc) =	sbr.rel @p0 .LBB2_2-.Ltmp0, $4  }
0x128: {  	v31 =	vmul.f32 v10, v5;
	v24 =	vld [tilespmem:s10+$0xFFFFFF30];
	v30 =	vmul.f32 v12, v6;
	v33 =	vadd.f32 v11, v8  }
0x129: {  	v26 =	vld [tilespmem:s10+$0xFFFFFF20];
	v32 =	vadd.f32 v29, v28;
	v18 =	vmul.f32 v14, v5;
	v29 =	vadd.f32 v21, v27  }
0x12a: {  	v28 =	vld [tilespmem:s10+$0xFFFFFED0];
	v21 =	vmul.f32 v13, v6;
	v27 =	vadd.f32 v31, v30;
	v30 =	vadd.f32 v25, v33  }
0x12b: {  	v11 =	vld [tilespmem:s10+$0xFFFFFF10];
	v25 =	vmul.f32 v23, v5;
	(xrf2) =	vadd.scan.msk.f32 $0xffff, v32;
	v8, _, _ =	vpop (xrf2)  }
0x12c: {  	v31 =	vld [tilespmem:s10+$0xFFFFFEC0];
	_ =	sdelay $0x4  }
0x12d: {  	v19 =	vadd.f32 v19, v30;
	v35 =	vmul.f32 v31, v31;
	_ =	sdelay $0x1  }
0x12e: {  	v36 =	vmul.f32 v28, v28;
	v19 =	vadd.f32 v35, v19  }
0x12f: {  	v32 =	vld [tilespmem:s10+$0xFFFFFF00]  }
0x130: {  	v20 =	vmul.f32 v20, v20;
	v19 =	vadd.f32 v36, v19;
	_ =	sdelay $0x1  }
0x131: {  	v37 =	vmul.f32 v22, v22;
	v19 =	vadd.f32 v20, v19;
	_ =	sdelay $0x1  }
0x132: {  	v38 =	vmul.f32 v32, v32;
	v19 =	vadd.f32 v37, v19;
	_ =	sdelay $0x1  }
0x133: {  	v39 =	vmul.f32 v11, v11;
	v19 =	vadd.f32 v38, v19  }
0x134: {  	v40 =	vld [tilespmem:s10+$0xFFFFFF40]  }
0x135: {  	v41 =	vmul.f32 v26, v26;
	v19 =	vadd.f32 v39, v19  }
0x136: {  	v42 =	vld [tilespmem:s10+$0xFFFFFF50]  }
0x137: {  	v43 =	vmul.f32 v24, v24;
	v19 =	vadd.f32 v41, v19;
	_ =	sdelay $0x1  }
0x138: {  	v44 =	vmul.f32 v40, v40;
	v19 =	vadd.f32 v43, v19;
	_ =	sdelay $0x1  }
0x139: {  	v45 =	vmul.f32 v42, v42;
	v19 =	vadd.f32 v44, v19;
	_ =	sdelay $0x1  }
0x13a: {  	v46 =	vmul.f32 v17, v17;
	v19 =	vadd.f32 v45, v19;
	_ =	sdelay $0x1  }
0x13b: {  	v47 =	vmul.f32 v23, v23;
	v19 =	vadd.f32 v46, v19;
	_ =	sdelay $0x1  }
0x13c: {  	v15 =	vmul.f32 v15, v15;
	v19 =	vadd.f32 v47, v19;
	_ =	sdelay $0x1  }
0x13d: {  	v16 =	vmul.f32 v16, v16;
	v15 =	vadd.f32 v15, v19;
	_ =	sdelay $0x1  }
0x13e: {  	v13 =	vmul.f32 v13, v13;
	v15 =	vadd.f32 v16, v15;
	_ =	sdelay $0x1  }
0x13f: {  	v14 =	vmul.f32 v14, v14;
	v13 =	vadd.f32 v13, v15  }
0x140: {  	v48 =	vld [tilespmem:s10+$0xFFFFFFE0]  }
0x141: {  	v12 =	vmul.f32 v12, v12;
	v13 =	vadd.f32 v14, v13  }
0x142: {  	v49 =	vld [tilespmem:s10+$0xFFFFFFF0]  }
0x143: {  	v10 =	vmul.f32 v10, v10;
	v12 =	vadd.f32 v12, v13;
	_ =	sdelay $0x1  }
0x144: {  	v52 =	vmul.f32 v48, v48;
	v10 =	vadd.f32 v10, v12;
	_ =	sdelay $0x1  }
0x145: {  	v55 =	vmul.f32 v49, v49;
	v10 =	vadd.f32 v52, v10  }
0x146: {  	v56 =	vld [tilespmem:s10+$0x20]  }
0x147: {  	v9 =	vmul.f32 v9, v9;
	v10 =	vadd.f32 v55, v10  }
0x148: {  	v57 =	vld [tilespmem:s10+$0x30];
	v7 =	vmul.f32 v7, v7;
	v58 =	vmul.f32 v24, v5  }
0x149: {  	v62 =	vld [tilespmem:s10+$0x50];
	v50 =	vmul.f32 v28, v5;
	v51 =	vmul.f32 v31, v6;
	v9 =	vadd.f32 v9, v10  }
0x14a: {  	v53 =	vmul.f32 v11, v5;
	v54 =	vmul.f32 v32, v6;
	v16 =	vld [tilespmem:s10+$0x40]  }
0x14b: {  	(xrf2) =	vadd.scan.msk.f32 $0xffff, v29;
	v24 =	vld [tilespmem:s10+$0xD0];
	v60 =	vmul.f32 v56, v56;
	v13 =	vadd.f32 v50, v51;
	v7 =	vadd.f32 v7, v9  }
0x14c: {  	v3 =	vmul.f32 v3, v3;
	v8 =	vbroadcast v8, $0xF;
	(xrf2) =	vadd.scan.msk.f32 $0xffff, v27;
	v11 =	vadd.f32 v53, v54;
	v54 =	vld [tilespmem:s12+$0xB0]  }
0x14d: {  	v2 =	vmul.f32 v2, v2;
	v27 =	vld [tilespmem:s10+$0x60];
	v34 =	vmul.f32 v57, v57;
	(xrf2) =	vadd.scan.msk.f32 $0xffff, v13;
	v7 =	vadd.f32 v60, v7  }
0x14e: {  	v1 =	vmul.f32 v1, v1;
	v59 =	vmul.f32 v26, v6;
	(xrf2) =	vadd.scan.msk.f32 $0xffff, v11  }
0x14f: {  	v61 =	vmul.f32 v40, v6;
	v37 =	vld [tilespmem:s10+$0x70];
	v35 =	vmul.f32 v16, v16;
	v7 =	vadd.f32 v34, v7  }
0x150: {  	v22 =	vld [tilespmem:s10+$0xF0];
	v18 =	vadd.f32 v18, v21;
	v33 =	vmul.f32 v42, v5;
	v40 =	vmul.f32 v62, v62  }
0x151: {  	v42 =	vld [tilespmem:s10+$0x80];
	v36 =	vmul.f32 v17, v6;
	v29 =	vmul.f32 v54, v54;
	v19, _, _ =	vpop (xrf2);
	v7 =	vadd.f32 v35, v7  }
0x152: {  	v41 =	vmul.f32 v24, v5;
	v44 =	vmul.f32 v27, v27;
	v46 =	vld [tilespmem:s10+$0x90];
	v63, _, _ =	vpop (xrf2);
	v11 =	vadd.f32 v33, v61  }
0x153: {  	v39 =	vbroadcast v63, $0xF;
	v33 =	vld [tilespmem:s10+$0xE0];
	v10 =	vadd.f32 v58, v59;
	v7 =	vadd.f32 v40, v7  }
0x154: {  	vm15 =	vcmask $0x310;
	v26, _, _ =	vpop (xrf2);
	v15 =	vmul.f32 v48, v6;
	v48 =	vmul.f32 v37, v37;
	v50 =	vld [tilespmem:s12+$0xA0]  }
0x155: {  	v23, _, _ =	vpop (xrf2);
	v14 =	vmul.f32 v49, v5;
	v16 =	vmul.f32 v16, v6;
	(xrf2) =	vadd.scan.msk.f32 $0xffff, v10;
	v10 =	vld [tilespmem:s10+$0xC0];
	v7 =	vadd.f32 v44, v7  }
0x156: {  	v17, _, _ =	vpop (xrf2);
	v51 =	vmul.f32 v42, v42;
	v12 =	vmul.f32 v56, v6;
	v9 =	vadd.f32 v25, v36  }
0x157: {  	v13 =	vmul.f32 v57, v5;
	v56 =	vmul.f32 v22, v5;
	v38, _, _ =	vpop (xrf2);
	(xrf2) =	vadd.scan.msk.f32 $0xffff, v11;
	v7 =	vadd.f32 v48, v7  }
0x158: {  	v14 =	vadd.f32 v14, v15;
	v57 =	vmul.f32 v46, v46;
	v53 =	vmul.f32 v33, v6;
	v43, _, _ =	vpop (xrf2);
	(xrf2) =	vadd.scan.msk.f32 $0xffff, v9  }
0x159: {  	v12 =	vadd.f32 v13, v12;
	v59 =	vmul.f32 v62, v5;
	(xrf2) =	vadd.scan.msk.f32 $0xffff, v18;
	v7 =	vadd.f32 v51, v7  }
0x15a: {  	v62 =	vmul.f32 v50, v50;
	v61 =	vadd.f32 v56, v53;
	v49 =	vmul.f32 v10, v6  }
0x15b: {  	v25 =	vmul.f32 v37, v5;
	v16 =	vadd.f32 v59, v16;
	v7 =	vadd.f32 v57, v7  }
0x15c: {  	v36 =	vmul.f32 v42, v6;
	v30 =	vbroadcast v38, $0xF;
	(xrf2) =	vadd.scan.msk.f32 $0xffff, v14;
	v52 =	vadd.f32 v41, v49  }
0x15d: {  	v38 =	vbroadcast v26, $0xF;
	v45 =	vbroadcast v43, $0xF;
	v7 =	vadd.f32 v62, v7  }
0x15e: {  	v34 =	vmul.f32 v46, v5;
	v47 =	vsel vm0, v30, v39;
	v30 =	vmul.f32 v27, v6;
	(xrf2) =	vadd.scan.msk.f32 $0xffff, v52  }
0x15f: {  	v43 =	vmul.f32 v33, v33;
	v10 =	vmul.f32 v10, v10;
	(xrf2) =	vadd.scan.msk.f32 $0xffff, v61;
	v7 =	vadd.f32 v29, v7  }
0x160: {  	v39 =	vmul.f32 v24, v24;
	v14 =	vadd.f32 v25, v30;
	v41 =	vmul.f32 v50, v6;
	v55, _, _ =	vpop (xrf2);
	(xrf2) =	vadd.scan.msk.f32 $0xffff, v12  }
0x161: {  	v58 =	vbroadcast v55, $0xF;
	v12 =	vadd.f32 v34, v36;
	v60, _, _ =	vpop (xrf2);
	(xrf2) =	vadd.scan.msk.f32 $0xffff, v16;
	v7 =	vadd.f32 v10, v7  }
0x162: {  	v9 =	vsel vm1, v47, v45;
	v40 =	vmul.f32 v54, v5;
	v63 =	vbroadcast v60, $0xF;
	v35, _, _ =	vpop (xrf2);
	(xrf2) =	vadd.scan.msk.f32 $0xffff, v14  }
0x163: {  	v9 =	vsel vm2, v9, v58;
	v37 =	vbroadcast v35, $0xF;
	v42, _, _ =	vpop (xrf2);
	(xrf2) =	vadd.scan.msk.f32 $0xffff, v12;
	v7 =	vadd.f32 v39, v7  }
0x164: {  	v46 =	vmul.f32 v22, v22;
	v5 =	vadd.f32 v40, v41;
	v9 =	vsel vm3, v9, v63  }
0x165: {  	v11 =	vbroadcast v42, $0xF;
	v9 =	vsel vm4, v9, v37;
	v7 =	vadd.f32 v43, v7  }
0x166: {  	v0 =	vmul.f32 v0, v0;
	v45 =	vbroadcast v17, $0xF;
	v44, _, _ =	vpop (xrf2);
	(xrf2) =	vadd.scan.msk.f32 $0xffff, v5;
	v9 =	vsel vm5, v9, v38  }
0x167: {  	v6 =	vbroadcast v44, $0xF;
	v9 =	vsel vm6, v9, v11;
	v7 =	vadd.f32 v46, v7  }
0x168: {  	v47 =	vbroadcast v19, $0xF;
	v50 =	vbroadcast v23, $0xF;
	v48, _, _ =	vpop (xrf2);
	v9 =	vsel vm7, v9, v45  }
0x169: {  	v49, _, _ =	vpop (xrf2);
	v6 =	vsel vm8, v9, v6;
	v5 =	vbroadcast v48, $0xF;
	v3 =	vadd.f32 v3, v7  }
0x16a: {  	v61 =	vmul.f32 $2.000000000e+01, v4;
	v51, _, _ =	vpop (xrf2);
	v6 =	vsel vm9, v6, v50;
	v52 =	vbroadcast v49, $0xF  }
0x16b: {  	v9 =	vbroadcast v51, $0xF;
	v5 =	vnsel vm0, $0x0, v5;
	v53, _, _ =	vpop (xrf2);
	v2 =	vadd.f32 v2, v3  }
0x16c: {  	v54 =	vsel vm15, v5, v52;
	v55 =	vbroadcast v53, $0xF;
	v56, _, _ =	vpop (xrf2);
	vm15 =	vcmask $0x710  }
0x16d: {  	v6 =	vsel vm10, v6, v9;
	v57, _, _ =	vpop (xrf2);
	v7 =	vbroadcast v56, $0xF;
	v1 =	vadd.f32 v1, v2  }
0x16e: {  	v58 =	vsel vm15, v54, v8;
	v59 =	vsel vm11, v6, v55;
	v60 =	vbroadcast v57, $0xF  }
0x16f: {  	vm15 =	vcmask $0xB10;
	v3 =	vsel vm12, v59, v7;
	v0 =	vadd.f32 v0, v1  }
0x170: {  	v62, _, _ =	vpop (xrf2);
	v3 =	vsel vm13, v3, v60;
	v2 =	vsel vm15, v58, v47  }
0x171: {  	v63 =	vsel vm14, v3, v62;
	[tilespmem:s1+$0x15A10] =	vst v2;
	v0 =	vadd.f32 v0, v61  }
0x172: {  	[tilespmem:s1+$0x15A00] =	vst v63  }
0x173: {  	[tilespmem:$0x16A00] =	vst v0  }
0x174: {  	[hbm4b:s6+s2] =	stream.linear.scatter [tilespmem:s30], [sflag:$0x2], $0x1000, $0x38;
	[tilespmem:$0x16A10] =	vst v63  }
0x175: {  	s0 =	sadd.s32 $0x1, s0;
	_ =	swait.ge [sflag:s9], $0x1000  }
0x176: {  	p0 =	sne.s32 s0, s8;
	[sflag:s9] =	ssyncset.done $0x0  }
.Ltmp1:
0x177: {  	[sflag:s9] =	ssyncadd.s32 $0xFFFFF000;
	(pc) =	sbr.rel @p0 .LBB2_1-.Ltmp1, $4  }
0x178: {  	[hbm4b:s7+s2] =	stream.linear.scatter [tilespmem:s31], [sflag:$0x2], $0x10, $0x38;
	[tilespmem:$0x16A10] =	vst v63  }
0x179: {  	_ =	swait.ge [sflag:s9], $0x10  }
0x17a: {  	[sflag:s9] =	ssyncset.done $0x0  }
0x17b: {  	[sflag:s9] =	ssyncadd.s32 $0xFFFFFFF0  }
0x17c: {  	_ =	sfence.sel $0x180000  }
0x17d: {  	[bflag:$0x0] =	sbarrier.arrive $0xFFFF  }
0x17e: {  	_ =	strace $0x9000004A  }
0x17f: {  	s0 =	stileid.u32;
	[bflag:$0x2] =	sbarrier.arrive $0xFFFF  }
0x180: {  	p0 =	sne.s32 s0, $0x0;
	s0 =	rddreg [dreg:$0x2]  }
0x181: {  	s0 =	sadd.s32 @!p0 $0x100000, s0  }
0x182: {  	[sflag:s0] =	ssyncadd.tile.s32 @!p0 $0x1;
	_ =	shalt  }
.Lfunc_end2:
_tile_overlayer_lowered:
.L_overlay_start_2:
0x183: {  	(tag) =	ssettag $0x2  }
0x184: {  	s0 =	rddreg [dreg:$0x0];
	s2 =	stileid.u32  }
0x185: {  	s1 =	rddreg [dreg:$0x1];
	p0 =	sne.s32 s2, $0x0  }
0x186: {  	s3 =	rddreg [dreg:$0x2];
	[bflag:$0x3] =	sbarrier.arrive $0xFFFF;
	s2 =	simm.s32 @!p0 $0x1C02  }
0x187: {  	[timem:s3], [sflag:s2] =	dma.local @!p0 [hbm:s0], s1  }
0x188: {  	s0 =	simm.s32 @!p0 $0x2  }
0x189: {  	_ =	swait.ge @!p0 [sflag:s0], s1  }
0x18a: {  	s1 =	ssub.s32 @!p0 $0x0, s1;
	[sflag:s0] =	ssyncset.done @!p0 $0x0  }
0x18b: {  	[sflag:s0] =	ssyncadd.s32 @!p0 s1  }
0x18c: {  	[bflag:$0x3] =	sbarrier.arrive $0xFFFF  }
0x18d: {  	_ =	shalt  }

</sc_bundles>
